<compile_context>
chip_gen: v7x
topology: tpu7x:2x2x1
jax: 0.10.2.dev20260603
libtpu: 0.0.44.dev20260713+nightly
codegen_flags: <defaults>
</compile_context>

<pallas_src>
import jax
import jax.numpy as jnp
from jax import lax
from jax.experimental import pallas as pl
from jax.experimental.pallas import tpu as pltpu
from jax.experimental.pallas import tpu_sc as plsc

N = 10000
E = 320000
D = 128
NC = 2
NS = 16
CHUNK = 100
NCH = 100
IB = 25
EPT = NCH * CHUNK
STRIPE = 632
LAST = N - 15 * STRIPE
NP = 10240
SEG = NP // NS

_MESH = plsc.VectorSubcoreMesh(core_axis_name="c", subcore_axis_name="s",
                               num_cores=NC, num_subcores=NS)


def _stripe_copy(src, dst, sid):
    @pl.when(sid < 15)
    def _():
        pltpu.sync_copy(src.at[pl.ds(sid * STRIPE, STRIPE)],
                        dst.at[pl.ds(sid * STRIPE, STRIPE)])

    @pl.when(sid == 15)
    def _():
        pltpu.sync_copy(src.at[pl.ds(15 * STRIPE, LAST)],
                        dst.at[pl.ds(15 * STRIPE, LAST)])


def _zero_stripe(z, dst, sid):
    @pl.when(sid < 15)
    def _():
        pltpu.sync_copy(z, dst.at[pl.ds(sid * STRIPE, STRIPE)])

    @pl.when(sid == 15)
    def _():
        pltpu.sync_copy(z.at[pl.ds(0, LAST)], dst.at[pl.ds(15 * STRIPE, LAST)])


def _deg_body(rows_flat, d0, d1, rows_v, hist, rbuf, dseg, shp):
    cid = lax.axis_index("c")
    sid = lax.axis_index("s")

    wid = cid * NS + sid
    pltpu.sync_copy(rows_flat.at[pl.ds(wid * EPT, EPT)], rows_v)
    z = jnp.zeros((16,), jnp.float32)

    def zstep(i, carry):
        hist[pl.ds(i * 16, 16)] = z
        return carry

    lax.fori_loop(0, NP // 16, zstep, 0)
    ones = jnp.ones((16,), jnp.float32)

    def step(i, carry):
        plsc.addupdate_scatter(hist, [rows_v[pl.ds(i * 16, 16)]], ones)
        return carry

    lax.fori_loop(0, EPT // 16, step, 0)
    pltpu.sync_copy(hist, shp.at[sid])
    plsc.subcore_barrier()
    for t in range(NS):
        pltpu.sync_copy(shp.at[t, pl.ds(sid * SEG, SEG)], rbuf.at[t])

    def rstep(c, carry):
        acc = rbuf[0, pl.ds(c * 16, 16)]
        for t in range(1, NS):
            acc = acc + rbuf[t, pl.ds(c * 16, 16)]
        dseg[pl.ds(c * 16, 16)] = acc
        return carry

    lax.fori_loop(0, SEG // 16, rstep, 0)

    @pl.when(cid == 0)
    def _():
        pltpu.sync_copy(dseg, d0.at[pl.ds(sid * SEG, SEG)])

    @pl.when(cid == 1)
    def _():
        pltpu.sync_copy(dseg, d1.at[pl.ds(sid * SEG, SEG)])


_deg = pl.kernel(
    _deg_body,
    out_type=(jax.ShapeDtypeStruct((NP,), jnp.float32),) * 2,
    mesh=_MESH,
    scratch_types=[
        pltpu.VMEM((EPT,), jnp.int32),
        pltpu.VMEM((NP,), jnp.float32),
        pltpu.VMEM((NS, SEG), jnp.float32),
        pltpu.VMEM((SEG,), jnp.float32),
        pltpu.VMEM_SHARED((NS, NP), jnp.float32),
    ],
    compiler_params=pltpu.CompilerParams(needs_layout_passes=False),
)


def _spmm_body(feat, colsr, rowsr, zf, p0, p1,
               cols_v, rows_v, gb, acc, gsem, ssem):
    cid = lax.axis_index("c")
    sid = lax.axis_index("s")

    _zero_stripe(zf, acc, sid)
    plsc.subcore_barrier()

    def group(g, carry):
        pltpu.sync_copy(colsr.at[cid, sid, g], cols_v)
        pltpu.sync_copy(rowsr.at[cid, sid, g], rows_v)
        pltpu.async_copy(feat.at[cols_v.at[0]], gb.at[0], gsem.at[0])
        pltpu.async_copy(feat.at[cols_v.at[1]], gb.at[1], gsem.at[1])

        def step(j, c2):
            b = lax.rem(j, 3)
            bn = lax.rem(j + 2, 3)
            pltpu.make_async_copy(feat.at[cols_v.at[j]],
                                  gb.at[b], gsem.at[b]).wait()
            pltpu.async_copy(gb.at[b], acc.at[rows_v.at[j]], ssem.at[b],
                             add=True)

            @pl.when(j >= 1)
            def _():
                pltpu.make_async_copy(gb.at[bn], acc.at[rows_v.at[j - 1]],
                                      ssem.at[bn]).wait()

            @pl.when(j + 2 < IB)
            def _():
                pltpu.async_copy(feat.at[cols_v.at[j + 2]],
                                 gb.at[bn], gsem.at[bn])
            return c2

        lax.fori_loop(0, IB, step, 0)
        pltpu.make_async_copy(gb.at[(IB - 1) % 3],
                              acc.at[rows_v.at[IB - 1]],
                              ssem.at[(IB - 1) % 3]).wait()
        return carry

    lax.fori_loop(0, NCH // IB, group, 0)

    plsc.subcore_barrier()

    @pl.when(cid == 0)
    def _():
        _stripe_copy(acc, p0, sid)

    @pl.when(cid == 1)
    def _():
        _stripe_copy(acc, p1, sid)


_spmm = pl.kernel(
    _spmm_body,
    out_type=(jax.ShapeDtypeStruct((N, D), jnp.float32),) * 2,
    mesh=_MESH,
    scratch_types=[
        pltpu.VMEM((IB, CHUNK), jnp.int32),
        pltpu.VMEM((IB, CHUNK), jnp.int32),
        pltpu.VMEM((3, CHUNK, D), jnp.float32),
        pltpu.VMEM_SHARED((N, D), jnp.float32),
        pltpu.SemaphoreType.DMA((3,)),
        pltpu.SemaphoreType.DMA((3,)),
    ],
)

_RB = 2000


def _mm_body(x_ref, w_ref, o_ref):
    o_ref[...] = jnp.dot(x_ref[...], w_ref[...],
                         preferred_element_type=jnp.float32)


def _mm(x, w):
    return pl.pallas_call(
        _mm_body,
        grid=(N // _RB,),
        in_specs=[pl.BlockSpec((_RB, D), lambda i: (i, 0)),
                  pl.BlockSpec((D, D), lambda i: (0, 0))],
        out_specs=pl.BlockSpec((_RB, D), lambda i: (i, 0)),
        out_shape=jax.ShapeDtypeStruct((N, D), jnp.float32),
    )(x, w)


def _normalize(p0, p1, d0, d1):
    deg = d0[...] + d1[...]
    rinv = jnp.where(deg > 0, 1.0 / deg, 0.0)
    return p0[...] + p1[...], rinv


def _layer2_body(p0, p1, d0, d1, b1, w2, o):
    s, rinv = _normalize(p0, p1, d0, d1)
    h = s * rinv + b1[...]
    h = jnp.where(h >= 0, h, 0.2 * h)
    o[...] = jnp.dot(h, w2[...], preferred_element_type=jnp.float32)


def _final_body(p0, p1, d0, d1, b2, o):
    s, rinv = _normalize(p0, p1, d0, d1)
    h = s * rinv + b2[...]
    nrm = jnp.sqrt(jnp.sum(h * h, axis=1, keepdims=True))
    o[...] = h / jnp.maximum(nrm, 1e-12)


def _fused(body, extra_specs, p0, p1, d0, d1, *rest):
    return pl.pallas_call(
        body,
        grid=(N // _RB,),
        in_specs=[pl.BlockSpec((_RB, D), lambda i: (i, 0)),
                  pl.BlockSpec((_RB, D), lambda i: (i, 0)),
                  pl.BlockSpec((_RB, 1), lambda i: (i, 0)),
                  pl.BlockSpec((_RB, 1), lambda i: (i, 0))] + extra_specs,
        out_specs=pl.BlockSpec((_RB, D), lambda i: (i, 0)),
        out_shape=jax.ShapeDtypeStruct((N, D), jnp.float32),
    )(p0, p1, d0, d1, *rest)


def kernel(x, edge_index, W1, b1, W2, b2):
    cols = edge_index[:, 0]
    rows = edge_index[:, 1]
    colsr = cols.reshape(NC, NS, NCH // IB, IB, CHUNK)
    rowsr = rows.reshape(NC, NS, NCH // IB, IB, CHUNK)
    zf = jnp.zeros((STRIPE, D), jnp.float32)
    vec_spec = [pl.BlockSpec((1, D), lambda i: (0, 0))]
    mat_spec = vec_spec + [pl.BlockSpec((D, D), lambda i: (0, 0))]

    d0, d1 = _deg(rows)
    d0s = d0[:N].reshape(N, 1)
    d1s = d1[:N].reshape(N, 1)
    y1 = _mm(x, W1)
    p0, p1 = _spmm(y1, colsr, rowsr, zf)
    y2 = _fused(_layer2_body, mat_spec, p0, p1, d0s, d1s,
                b1.reshape(1, D), W2)
    q0, q1 = _spmm(y2, colsr, rowsr, zf)
    return _fused(_final_body, vec_spec, q0, q1, d0s, d1s,
                  b2.reshape(1, D))

# --- scband reference (transcript-rebuilt; emitter-appended) ---
"""Pipeline reference for scband-gcn-22110491639835 (READ-ONLY COPY).

The authoritative reference and input builder live on the scoring server;
editing this copy changes nothing except your own understanding.
"""

import jax, jax.numpy as jnp
import numpy as np

N = 10000
E = 320000
D_IN = 128
D_HID = 128
D_OUT = 128


def _xavier(key, fan_in, fan_out):
    lim = float(np.sqrt(6.0 / (fan_in + fan_out)))
    return jax.random.uniform(key, (fan_in, fan_out), minval=-lim, maxval=lim, dtype=jnp.float32)


def setup_inputs(seed: int = 0) -> dict:
    key = jax.random.key(seed)
    k1, k2, k3, k4 = jax.random.split(key, 4)
    x = jax.random.normal(k1, (N, D_IN), dtype=jnp.float32)
    edge_index = jax.random.randint(k2, (E, 2), 0, N, dtype=jnp.int32)
    W1 = _xavier(k3, D_IN, D_HID)
    b1 = jnp.zeros((D_HID,), dtype=jnp.float32)
    W2 = _xavier(k4, D_HID, D_OUT)
    b2 = jnp.zeros((D_OUT,), dtype=jnp.float32)
    return {"x": x, "edge_index": edge_index, "W1": W1, "b1": b1, "W2": W2, "b2": b2}


def reference(x, edge_index, W1, b1, W2, b2):
    # GCN.__init__: adj = coo(ones, (e0, e1), (n,n)); normt_spm(adj, 'in'):
    #   adj = adj.T; adj = D_row^{-1} @ adj (row-normalize by in-degree, inf->0)
    # So adj'[i, j] nonzero where edge (j -> i); rows of A^T are e1, cols are e0.
    rows = edge_index[:, 1]
    cols = edge_index[:, 0]
    deg = jnp.zeros((N,), dtype=jnp.float32).at[rows].add(1.0)
    r_inv = jnp.where(deg > 0, 1.0 / deg, 0.0)
    vals = r_inv[rows]

    def spmm(feat):
        # adj @ feat via gather + scatter-add (duplicates in COO sum, matching scipy spmm)
        gathered = vals[:, None] * feat[cols]
        return jnp.zeros((N, feat.shape[1]), dtype=feat.dtype).at[rows].add(gathered)

    # conv1: GraphConv(128 -> 128), LeakyReLU(0.2)
    h = spmm(x @ W1) + b1
    h = jnp.where(h >= 0, h, 0.2 * h)
    # conv-last: GraphConv(128 -> 128), no relu
    h = spmm(h @ W2) + b2
    # F.normalize(x): L2 normalize rows, eps=1e-12 (clamp_min)
    norm = jnp.sqrt(jnp.sum(h * h, axis=1, keepdims=True))
    out = h / jnp.maximum(norm, 1e-12)
    return out

if __name__ == "__main__":
    import jax
    _d = setup_inputs()
    print(jax.jit(kernel)(*tuple(_d.values())))

</pallas_src>

<mosaic_0001>
#map = affine_map<(d0, d1) -> (0, 0)>
#map1 = affine_map<(d0, d1) -> (0, 0, 0, 0, 0)>
module attributes {stable_mosaic.version = 14 : i64} {
  func.func @_spmm_body(%arg0: i32, %arg1: i32, %arg2: memref<10000x128xf32, #tpu.memory_space<hbm>>, %arg3: memref<2x16x4x25x100xi32, #tpu.memory_space<hbm>>, %arg4: memref<2x16x4x25x100xi32, #tpu.memory_space<hbm>>, %arg5: memref<632x128xf32, #tpu.memory_space<hbm>>, %arg6: memref<10000x128xf32, #tpu.memory_space<hbm>>, %arg7: memref<10000x128xf32, #tpu.memory_space<hbm>>, %arg8: memref<25x100xi32, #tpu.memory_space<vmem>>, %arg9: memref<25x100xi32, #tpu.memory_space<vmem>>, %arg10: memref<3x100x128xf32, #tpu.memory_space<vmem>>, %arg11: memref<10000x128xf32, #tpu.memory_space<vmem_shared>>, %arg12: memref<3x!tpu.dma_semaphore, #tpu.memory_space<semaphore_mem>>, %arg13: memref<3x!tpu.dma_semaphore, #tpu.memory_space<semaphore_mem>>) attributes {dimension_semantics = [#tpu.dimension_semantics<core_parallel>, #tpu.dimension_semantics<subcore_parallel>], iteration_bounds = array<i64: 2, 16>, scalar_prefetch = 0 : i64, scratch_operands = 6 : i64, tpu.core_type = #tpu.core_type<sc_vector_subcore>, window_params = [{transform_indices = #map}, {transform_indices = #map1}, {transform_indices = #map1}, {transform_indices = #map}, {transform_indices = #map}, {transform_indices = #map}]} {
    %lt3A = arith.constant 15 : i32
    %lt3A_0 = arith.cmpi slt, %arg1, %lt3A : i32
    %convert_element_type3A = arith.extui %lt3A_0 : i1 to i32
    %cond3A = arith.constant 0 : i32
    %cond3A_1 = arith.cmpi ne, %convert_element_type3A, %cond3A : i32
    scf.if %cond3A_1 {
      %mul3A = arith.constant 632 : i32
      %mul3A_22 = arith.muli %arg1, %mul3A : i32
      "tpu.region"() ({
        %run_scoped3A = tpu.sem_alloc : memref<!tpu.dma_semaphore, #tpu.memory_space<semaphore_mem>>
        %dma_start3A = arith.constant 0 : i32
        %dma_start3A_23 = tpu.memref_slice %arg11[%mul3A_22, %dma_start3A] : memref<10000x128xf32, #tpu.memory_space<vmem_shared>> -> memref<632x128xf32, #tpu.memory_space<vmem_shared>>
        tpu.enqueue_dma source(%arg5 : memref<632x128xf32, #tpu.memory_space<hbm>>) target(%dma_start3A_23 : memref<632x128xf32, #tpu.memory_space<vmem_shared>>) target_semaphore(%run_scoped3A : memref<!tpu.dma_semaphore, #tpu.memory_space<semaphore_mem>>)
        %dma_wait3A = arith.constant 0 : i32
        %dma_wait3A_24 = tpu.memref_slice %arg11[%mul3A_22, %dma_wait3A] : memref<10000x128xf32, #tpu.memory_space<vmem_shared>> -> memref<632x128xf32, #tpu.memory_space<vmem_shared>>
        tpu.wait_dma2 semaphore(%run_scoped3A : memref<!tpu.dma_semaphore, #tpu.memory_space<semaphore_mem>>) src(%arg5 : memref<632x128xf32, #tpu.memory_space<hbm>>) dst(%dma_wait3A_24 : memref<632x128xf32, #tpu.memory_space<vmem_shared>>)
        tpu.yield
      }) : () -> ()
    } else {
    }
    %eq3A = arith.constant 15 : i32
    %eq3A_2 = arith.cmpi eq, %arg1, %eq3A : i32
    %convert_element_type3A_3 = arith.extui %eq3A_2 : i1 to i32
    %cond3A_4 = arith.constant 0 : i32
    %cond3A_5 = arith.cmpi ne, %convert_element_type3A_3, %cond3A_4 : i32
    scf.if %cond3A_5 {
      "tpu.region"() ({
        %run_scoped3A = tpu.sem_alloc : memref<!tpu.dma_semaphore, #tpu.memory_space<semaphore_mem>>
        %dma_start3A = arith.constant 9480 : i32
        %dma_start3A_22 = arith.constant 0 : i32
        %dma_start3A_23 = tpu.memref_slice %arg11[%dma_start3A, %dma_start3A_22] : memref<10000x128xf32, #tpu.memory_space<vmem_shared>> -> memref<520x128xf32, #tpu.memory_space<vmem_shared>>
        %dma_start3A_24 = arith.constant 0 : i32
        %dma_start3A_25 = arith.constant 0 : i32
        %dma_start3A_26 = tpu.memref_slice %arg5[%dma_start3A_24, %dma_start3A_25] : memref<632x128xf32, #tpu.memory_space<hbm>> -> memref<520x128xf32, #tpu.memory_space<hbm>>
        tpu.enqueue_dma source(%dma_start3A_26 : memref<520x128xf32, #tpu.memory_space<hbm>>) target(%dma_start3A_23 : memref<520x128xf32, #tpu.memory_space<vmem_shared>>) target_semaphore(%run_scoped3A : memref<!tpu.dma_semaphore, #tpu.memory_space<semaphore_mem>>)
        %dma_wait3A = arith.constant 9480 : i32
        %dma_wait3A_27 = arith.constant 0 : i32
        %dma_wait3A_28 = tpu.memref_slice %arg11[%dma_wait3A, %dma_wait3A_27] : memref<10000x128xf32, #tpu.memory_space<vmem_shared>> -> memref<520x128xf32, #tpu.memory_space<vmem_shared>>
        %dma_wait3A_29 = arith.constant 0 : i32
        %dma_wait3A_30 = arith.constant 0 : i32
        %dma_wait3A_31 = tpu.memref_slice %arg5[%dma_wait3A_29, %dma_wait3A_30] : memref<632x128xf32, #tpu.memory_space<hbm>> -> memref<520x128xf32, #tpu.memory_space<hbm>>
        tpu.wait_dma2 semaphore(%run_scoped3A : memref<!tpu.dma_semaphore, #tpu.memory_space<semaphore_mem>>) src(%dma_wait3A_31 : memref<520x128xf32, #tpu.memory_space<hbm>>) dst(%dma_wait3A_28 : memref<520x128xf32, #tpu.memory_space<vmem_shared>>)
        tpu.yield
      }) : () -> ()
    } else {
    }
    %barrier3A = arith.constant 0 : index
    tpu.barrier barrier_id(%barrier3A)
    %scan3A = arith.constant 0 : i32
    %scan3A_6 = arith.constant 0 : i32
    %scan3A_7 = arith.constant 4 : i32
    %scan3A_8 = arith.addi %scan3A_6, %scan3A_7 : i32
    %scan3A_9 = arith.constant 1 : i32
    scf.for %scan3A_22 = %scan3A_6 to %scan3A_8 step %scan3A_9  : i32 {
      "tpu.region"() ({
        %run_scoped3A = tpu.sem_alloc : memref<!tpu.dma_semaphore, #tpu.memory_space<semaphore_mem>>
        %dma_start3A_72 = arith.constant 0 : i32
        %dma_start3A_73 = arith.constant 0 : i32
        %dma_start3A_74 = tpu.memref_slice %arg3[%arg0, %arg1, %scan3A_22, %dma_start3A_72, %dma_start3A_73] : memref<2x16x4x25x100xi32, #tpu.memory_space<hbm>> -> memref<1x1x1x25x100xi32, #tpu.memory_space<hbm>>
        %dma_start3A_75 = tpu.memref_squeeze %dma_start3A_74 : memref<1x1x1x25x100xi32, #tpu.memory_space<hbm>> -> memref<25x100xi32, #tpu.memory_space<hbm>>
        %dma_start3A_76 = arith.constant 0 : i32
        %dma_start3A_77 = arith.constant 0 : i32
        %dma_start3A_78 = tpu.memref_slice %arg3[%arg0, %arg1, %scan3A_22, %dma_start3A_76, %dma_start3A_77] : memref<2x16x4x25x100xi32, #tpu.memory_space<hbm>> -> memref<1x1x1x25x100xi32, #tpu.memory_space<hbm>>
        %dma_start3A_79 = tpu.memref_squeeze %dma_start3A_78 : memref<1x1x1x25x100xi32, #tpu.memory_space<hbm>> -> memref<25x100xi32, #tpu.memory_space<hbm>>
        tpu.enqueue_dma source(%dma_start3A_79 : memref<25x100xi32, #tpu.memory_space<hbm>>) target(%arg8 : memref<25x100xi32, #tpu.memory_space<vmem>>) target_semaphore(%run_scoped3A : memref<!tpu.dma_semaphore, #tpu.memory_space<semaphore_mem>>)
        %dma_wait3A_80 = arith.constant 0 : i32
        %dma_wait3A_81 = arith.constant 0 : i32
        %dma_wait3A_82 = tpu.memref_slice %arg3[%arg0, %arg1, %scan3A_22, %dma_wait3A_80, %dma_wait3A_81] : memref<2x16x4x25x100xi32, #tpu.memory_space<hbm>> -> memref<1x1x1x25x100xi32, #tpu.memory_space<hbm>>
        %dma_wait3A_83 = tpu.memref_squeeze %dma_wait3A_82 : memref<1x1x1x25x100xi32, #tpu.memory_space<hbm>> -> memref<25x100xi32, #tpu.memory_space<hbm>>
        %dma_wait3A_84 = arith.constant 0 : i32
        %dma_wait3A_85 = arith.constant 0 : i32
        %dma_wait3A_86 = tpu.memref_slice %arg3[%arg0, %arg1, %scan3A_22, %dma_wait3A_84, %dma_wait3A_85] : memref<2x16x4x25x100xi32, #tpu.memory_space<hbm>> -> memref<1x1x1x25x100xi32, #tpu.memory_space<hbm>>
        %dma_wait3A_87 = tpu.memref_squeeze %dma_wait3A_86 : memref<1x1x1x25x100xi32, #tpu.memory_space<hbm>> -> memref<25x100xi32, #tpu.memory_space<hbm>>
        tpu.wait_dma2 semaphore(%run_scoped3A : memref<!tpu.dma_semaphore, #tpu.memory_space<semaphore_mem>>) src(%dma_wait3A_87 : memref<25x100xi32, #tpu.memory_space<hbm>>) dst(%arg8 : memref<25x100xi32, #tpu.memory_space<vmem>>)
        tpu.yield
      }) : () -> ()
      "tpu.region"() ({
        %run_scoped3A = tpu.sem_alloc : memref<!tpu.dma_semaphore, #tpu.memory_space<semaphore_mem>>
        %dma_start3A_72 = arith.constant 0 : i32
        %dma_start3A_73 = arith.constant 0 : i32
        %dma_start3A_74 = tpu.memref_slice %arg4[%arg0, %arg1, %scan3A_22, %dma_start3A_72, %dma_start3A_73] : memref<2x16x4x25x100xi32, #tpu.memory_space<hbm>> -> memref<1x1x1x25x100xi32, #tpu.memory_space<hbm>>
        %dma_start3A_75 = tpu.memref_squeeze %dma_start3A_74 : memref<1x1x1x25x100xi32, #tpu.memory_space<hbm>> -> memref<25x100xi32, #tpu.memory_space<hbm>>
        %dma_start3A_76 = arith.constant 0 : i32
        %dma_start3A_77 = arith.constant 0 : i32
        %dma_start3A_78 = tpu.memref_slice %arg4[%arg0, %arg1, %scan3A_22, %dma_start3A_76, %dma_start3A_77] : memref<2x16x4x25x100xi32, #tpu.memory_space<hbm>> -> memref<1x1x1x25x100xi32, #tpu.memory_space<hbm>>
        %dma_start3A_79 = tpu.memref_squeeze %dma_start3A_78 : memref<1x1x1x25x100xi32, #tpu.memory_space<hbm>> -> memref<25x100xi32, #tpu.memory_space<hbm>>
        tpu.enqueue_dma source(%dma_start3A_79 : memref<25x100xi32, #tpu.memory_space<hbm>>) target(%arg9 : memref<25x100xi32, #tpu.memory_space<vmem>>) target_semaphore(%run_scoped3A : memref<!tpu.dma_semaphore, #tpu.memory_space<semaphore_mem>>)
        %dma_wait3A_80 = arith.constant 0 : i32
        %dma_wait3A_81 = arith.constant 0 : i32
        %dma_wait3A_82 = tpu.memref_slice %arg4[%arg0, %arg1, %scan3A_22, %dma_wait3A_80, %dma_wait3A_81] : memref<2x16x4x25x100xi32, #tpu.memory_space<hbm>> -> memref<1x1x1x25x100xi32, #tpu.memory_space<hbm>>
        %dma_wait3A_83 = tpu.memref_squeeze %dma_wait3A_82 : memref<1x1x1x25x100xi32, #tpu.memory_space<hbm>> -> memref<25x100xi32, #tpu.memory_space<hbm>>
        %dma_wait3A_84 = arith.constant 0 : i32
        %dma_wait3A_85 = arith.constant 0 : i32
        %dma_wait3A_86 = tpu.memref_slice %arg4[%arg0, %arg1, %scan3A_22, %dma_wait3A_84, %dma_wait3A_85] : memref<2x16x4x25x100xi32, #tpu.memory_space<hbm>> -> memref<1x1x1x25x100xi32, #tpu.memory_space<hbm>>
        %dma_wait3A_87 = tpu.memref_squeeze %dma_wait3A_86 : memref<1x1x1x25x100xi32, #tpu.memory_space<hbm>> -> memref<25x100xi32, #tpu.memory_space<hbm>>
        tpu.wait_dma2 semaphore(%run_scoped3A : memref<!tpu.dma_semaphore, #tpu.memory_space<semaphore_mem>>) src(%dma_wait3A_87 : memref<25x100xi32, #tpu.memory_space<hbm>>) dst(%arg9 : memref<25x100xi32, #tpu.memory_space<vmem>>)
        tpu.yield
      }) : () -> ()
      %dma_start3A = arith.constant 0 : i32
      %dma_start3A_23 = arith.constant 0 : i32
      %dma_start3A_24 = arith.constant 0 : i32
      %dma_start3A_25 = arith.constant 0 : i32
      %dma_start3A_26 = arith.constant 0 : i32
      %dma_start3A_27 = tpu.memref_slice %arg10[%dma_start3A_23, %dma_start3A_25, %dma_start3A_26] : memref<3x100x128xf32, #tpu.memory_space<vmem>> -> memref<1x100x128xf32, #tpu.memory_space<vmem>>
      %dma_start3A_28 = tpu.memref_squeeze %dma_start3A_27 : memref<1x100x128xf32, #tpu.memory_space<vmem>> -> memref<100x128xf32, #tpu.memory_space<vmem>>
      %dma_start3A_29 = arith.constant 0 : i32
      %dma_start3A_30 = tpu.memref_slice %arg8[%dma_start3A, %dma_start3A_29] : memref<25x100xi32, #tpu.memory_space<vmem>> -> memref<1x100xi32, #tpu.memory_space<vmem>>
      %dma_start3A_31 = tpu.memref_squeeze %dma_start3A_30 : memref<1x100xi32, #tpu.memory_space<vmem>> -> memref<100xi32, #tpu.memory_space<vmem>>
      %dma_start3A_32 = arith.constant 0 : i32
      %dma_start3A_33 = arith.constant 0 : i32
      %dma_start3A_34 = tpu.memref_slice %arg2[%dma_start3A_32, %dma_start3A_33] : memref<10000x128xf32, #tpu.memory_space<hbm>> -> memref<10000x128xf32, #tpu.memory_space<hbm>>
      %dma_start3A_35 = tpu.memref_slice %arg12[%dma_start3A_24] : memref<3x!tpu.dma_semaphore, #tpu.memory_space<semaphore_mem>> -> memref<1x!tpu.dma_semaphore, #tpu.memory_space<semaphore_mem>>
      %dma_start3A_36 = tpu.memref_squeeze %dma_start3A_35 : memref<1x!tpu.dma_semaphore, #tpu.memory_space<semaphore_mem>> -> memref<!tpu.dma_semaphore, #tpu.memory_space<semaphore_mem>>
      tpu.enqueue_indirect_dma source(%dma_start3A_34 : memref<10000x128xf32, #tpu.memory_space<hbm>>) target(%dma_start3A_28 : memref<100x128xf32, #tpu.memory_space<vmem>>) offsets(%dma_start3A_31 : memref<100xi32, #tpu.memory_space<vmem>>) semaphore(%dma_start3A_36 : memref<!tpu.dma_semaphore, #tpu.memory_space<semaphore_mem>>)
      %dma_start3A_37 = arith.constant 1 : i32
      %dma_start3A_38 = arith.constant 1 : i32
      %dma_start3A_39 = arith.constant 1 : i32
      %dma_start3A_40 = arith.constant 0 : i32
      %dma_start3A_41 = arith.constant 0 : i32
      %dma_start3A_42 = tpu.memref_slice %arg10[%dma_start3A_38, %dma_start3A_40, %dma_start3A_41] : memref<3x100x128xf32, #tpu.memory_space<vmem>> -> memref<1x100x128xf32, #tpu.memory_space<vmem>>
      %dma_start3A_43 = tpu.memref_squeeze %dma_start3A_42 : memref<1x100x128xf32, #tpu.memory_space<vmem>> -> memref<100x128xf32, #tpu.memory_space<vmem>>
      %dma_start3A_44 = arith.constant 0 : i32
      %dma_start3A_45 = tpu.memref_slice %arg8[%dma_start3A_37, %dma_start3A_44] : memref<25x100xi32, #tpu.memory_space<vmem>> -> memref<1x100xi32, #tpu.memory_space<vmem>>
      %dma_start3A_46 = tpu.memref_squeeze %dma_start3A_45 : memref<1x100xi32, #tpu.memory_space<vmem>> -> memref<100xi32, #tpu.memory_space<vmem>>
      %dma_start3A_47 = arith.constant 0 : i32
      %dma_start3A_48 = arith.constant 0 : i32
      %dma_start3A_49 = tpu.memref_slice %arg2[%dma_start3A_47, %dma_start3A_48] : memref<10000x128xf32, #tpu.memory_space<hbm>> -> memref<10000x128xf32, #tpu.memory_space<hbm>>
      %dma_start3A_50 = tpu.memref_slice %arg12[%dma_start3A_39] : memref<3x!tpu.dma_semaphore, #tpu.memory_space<semaphore_mem>> -> memref<1x!tpu.dma_semaphore, #tpu.memory_space<semaphore_mem>>
      %dma_start3A_51 = tpu.memref_squeeze %dma_start3A_50 : memref<1x!tpu.dma_semaphore, #tpu.memory_space<semaphore_mem>> -> memref<!tpu.dma_semaphore, #tpu.memory_space<semaphore_mem>>
      tpu.enqueue_indirect_dma source(%dma_start3A_49 : memref<10000x128xf32, #tpu.memory_space<hbm>>) target(%dma_start3A_43 : memref<100x128xf32, #tpu.memory_space<vmem>>) offsets(%dma_start3A_46 : memref<100xi32, #tpu.memory_space<vmem>>) semaphore(%dma_start3A_51 : memref<!tpu.dma_semaphore, #tpu.memory_space<semaphore_mem>>)
      %scan3A_52 = arith.constant 0 : i32
      %scan3A_53 = arith.constant 0 : i32
      %scan3A_54 = arith.constant 25 : i32
      %scan3A_55 = arith.addi %scan3A_53, %scan3A_54 : i32
      %scan3A_56 = arith.constant 1 : i32
      scf.for %scan3A_72 = %scan3A_53 to %scan3A_55 step %scan3A_56  : i32 {
        %rem3A = arith.constant 3 : i32
        %rem3A_73 = arith.remsi %scan3A_72, %rem3A : i32
        %add3A = arith.constant 2 : i32
        %add3A_74 = arith.addi %scan3A_72, %add3A : i32
        %rem3A_75 = arith.constant 3 : i32
        %rem3A_76 = arith.remsi %add3A_74, %rem3A_75 : i32
        %dma_wait3A_77 = arith.constant 0 : i32
        %dma_wait3A_78 = arith.constant 0 : i32
        %dma_wait3A_79 = tpu.memref_slice %arg10[%rem3A_73, %dma_wait3A_77, %dma_wait3A_78] : memref<3x100x128xf32, #tpu.memory_space<vmem>> -> memref<1x100x128xf32, #tpu.memory_space<vmem>>
        %dma_wait3A_80 = tpu.memref_squeeze %dma_wait3A_79 : memref<1x100x128xf32, #tpu.memory_space<vmem>> -> memref<100x128xf32, #tpu.memory_space<vmem>>
        %dma_wait3A_81 = arith.constant 0 : i32
        %dma_wait3A_82 = tpu.memref_slice %arg8[%scan3A_72, %dma_wait3A_81] : memref<25x100xi32, #tpu.memory_space<vmem>> -> memref<1x100xi32, #tpu.memory_space<vmem>>
        %dma_wait3A_83 = tpu.memref_squeeze %dma_wait3A_82 : memref<1x100xi32, #tpu.memory_space<vmem>> -> memref<100xi32, #tpu.memory_space<vmem>>
        %dma_wait3A_84 = arith.constant 0 : i32
        %dma_wait3A_85 = arith.constant 0 : i32
        %dma_wait3A_86 = tpu.memref_slice %arg2[%dma_wait3A_84, %dma_wait3A_85] : memref<10000x128xf32, #tpu.memory_space<hbm>> -> memref<10000x128xf32, #tpu.memory_space<hbm>>
        %dma_wait3A_87 = tpu.memref_slice %arg12[%rem3A_73] : memref<3x!tpu.dma_semaphore, #tpu.memory_space<semaphore_mem>> -> memref<1x!tpu.dma_semaphore, #tpu.memory_space<semaphore_mem>>
        %dma_wait3A_88 = tpu.memref_squeeze %dma_wait3A_87 : memref<1x!tpu.dma_semaphore, #tpu.memory_space<semaphore_mem>> -> memref<!tpu.dma_semaphore, #tpu.memory_space<semaphore_mem>>
        tpu.wait_indirect_dma semaphore(%dma_wait3A_88 : memref<!tpu.dma_semaphore, #tpu.memory_space<semaphore_mem>>) src(%dma_wait3A_86 : memref<10000x128xf32, #tpu.memory_space<hbm>>) dst(%dma_wait3A_80 : memref<100x128xf32, #tpu.memory_space<vmem>>)
        %dma_start3A_89 = arith.constant 0 : i32
        %dma_start3A_90 = arith.constant 0 : i32
        %dma_start3A_91 = tpu.memref_slice %arg10[%rem3A_73, %dma_start3A_89, %dma_start3A_90] : memref<3x100x128xf32, #tpu.memory_space<vmem>> -> memref<1x100x128xf32, #tpu.memory_space<vmem>>
        %dma_start3A_92 = tpu.memref_squeeze %dma_start3A_91 : memref<1x100x128xf32, #tpu.memory_space<vmem>> -> memref<100x128xf32, #tpu.memory_space<vmem>>
        %dma_start3A_93 = arith.constant 0 : i32
        %dma_start3A_94 = tpu.memref_slice %arg9[%scan3A_72, %dma_start3A_93] : memref<25x100xi32, #tpu.memory_space<vmem>> -> memref<1x100xi32, #tpu.memory_space<vmem>>
        %dma_start3A_95 = tpu.memref_squeeze %dma_start3A_94 : memref<1x100xi32, #tpu.memory_space<vmem>> -> memref<100xi32, #tpu.memory_space<vmem>>
        %dma_start3A_96 = arith.constant 0 : i32
        %dma_start3A_97 = arith.constant 0 : i32
        %dma_start3A_98 = tpu.memref_slice %arg11[%dma_start3A_96, %dma_start3A_97] : memref<10000x128xf32, #tpu.memory_space<vmem_shared>> -> memref<10000x128xf32, #tpu.memory_space<vmem_shared>>
        %dma_start3A_99 = tpu.memref_slice %arg13[%rem3A_73] : memref<3x!tpu.dma_semaphore, #tpu.memory_space<semaphore_mem>> -> memref<1x!tpu.dma_semaphore, #tpu.memory_space<semaphore_mem>>
        %dma_start3A_100 = tpu.memref_squeeze %dma_start3A_99 : memref<1x!tpu.dma_semaphore, #tpu.memory_space<semaphore_mem>> -> memref<!tpu.dma_semaphore, #tpu.memory_space<semaphore_mem>>
        tpu.enqueue_indirect_dma source(%dma_start3A_92 : memref<100x128xf32, #tpu.memory_space<vmem>>) target(%dma_start3A_98 : memref<10000x128xf32, #tpu.memory_space<vmem_shared>>) offsets(%dma_start3A_95 : memref<100xi32, #tpu.memory_space<vmem>>) semaphore(%dma_start3A_100 : memref<!tpu.dma_semaphore, #tpu.memory_space<semaphore_mem>>) {add = true}
        %ge3A = arith.constant 1 : i32
        %ge3A_101 = arith.cmpi sge, %scan3A_72, %ge3A : i32
        %convert_element_type3A_102 = arith.extui %ge3A_101 : i1 to i32
        %cond3A_103 = arith.constant 0 : i32
        %cond3A_104 = arith.cmpi ne, %convert_element_type3A_102, %cond3A_103 : i32
        scf.if %cond3A_104 {
          %sub3A = arith.constant 1 : i32
          %sub3A_112 = arith.subi %scan3A_72, %sub3A : i32
          %dma_wait3A_113 = arith.constant 0 : i32
          %dma_wait3A_114 = arith.constant 0 : i32
          %dma_wait3A_115 = tpu.memref_slice %arg10[%rem3A_76, %dma_wait3A_113, %dma_wait3A_114] : memref<3x100x128xf32, #tpu.memory_space<vmem>> -> memref<1x100x128xf32, #tpu.memory_space<vmem>>
          %dma_wait3A_116 = tpu.memref_squeeze %dma_wait3A_115 : memref<1x100x128xf32, #tpu.memory_space<vmem>> -> memref<100x128xf32, #tpu.memory_space<vmem>>
          %dma_wait3A_117 = arith.constant 0 : i32
          %dma_wait3A_118 = tpu.memref_slice %arg9[%sub3A_112, %dma_wait3A_117] : memref<25x100xi32, #tpu.memory_space<vmem>> -> memref<1x100xi32, #tpu.memory_space<vmem>>
          %dma_wait3A_119 = tpu.memref_squeeze %dma_wait3A_118 : memref<1x100xi32, #tpu.memory_space<vmem>> -> memref<100xi32, #tpu.memory_space<vmem>>
          %dma_wait3A_120 = arith.constant 0 : i32
          %dma_wait3A_121 = arith.constant 0 : i32
          %dma_wait3A_122 = tpu.memref_slice %arg11[%dma_wait3A_120, %dma_wait3A_121] : memref<10000x128xf32, #tpu.memory_space<vmem_shared>> -> memref<10000x128xf32, #tpu.memory_space<vmem_shared>>
          %dma_wait3A_123 = tpu.memref_slice %arg13[%rem3A_76] : memref<3x!tpu.dma_semaphore, #tpu.memory_space<semaphore_mem>> -> memref<1x!tpu.dma_semaphore, #tpu.memory_space<semaphore_mem>>
          %dma_wait3A_124 = tpu.memref_squeeze %dma_wait3A_123 : memref<1x!tpu.dma_semaphore, #tpu.memory_space<semaphore_mem>> -> memref<!tpu.dma_semaphore, #tpu.memory_space<semaphore_mem>>
          tpu.wait_indirect_dma semaphore(%dma_wait3A_124 : memref<!tpu.dma_semaphore, #tpu.memory_space<semaphore_mem>>) src(%dma_wait3A_116 : memref<100x128xf32, #tpu.memory_space<vmem>>) dst(%dma_wait3A_122 : memref<10000x128xf32, #tpu.memory_space<vmem_shared>>)
        } else {
        }
        %add3A_105 = arith.constant 2 : i32
        %add3A_106 = arith.addi %scan3A_72, %add3A_105 : i32
        %lt3A_107 = arith.constant 25 : i32
        %lt3A_108 = arith.cmpi slt, %add3A_106, %lt3A_107 : i32
        %convert_element_type3A_109 = arith.extui %lt3A_108 : i1 to i32
        %cond3A_110 = arith.constant 0 : i32
        %cond3A_111 = arith.cmpi ne, %convert_element_type3A_109, %cond3A_110 : i32
        scf.if %cond3A_111 {
          %add3A_112 = arith.constant 2 : i32
          %add3A_113 = arith.addi %scan3A_72, %add3A_112 : i32
          %dma_start3A_114 = arith.constant 0 : i32
          %dma_start3A_115 = arith.constant 0 : i32
          %dma_start3A_116 = tpu.memref_slice %arg10[%rem3A_76, %dma_start3A_114, %dma_start3A_115] : memref<3x100x128xf32, #tpu.memory_space<vmem>> -> memref<1x100x128xf32, #tpu.memory_space<vmem>>
          %dma_start3A_117 = tpu.memref_squeeze %dma_start3A_116 : memref<1x100x128xf32, #tpu.memory_space<vmem>> -> memref<100x128xf32, #tpu.memory_space<vmem>>
          %dma_start3A_118 = arith.constant 0 : i32
          %dma_start3A_119 = tpu.memref_slice %arg8[%add3A_113, %dma_start3A_118] : memref<25x100xi32, #tpu.memory_space<vmem>> -> memref<1x100xi32, #tpu.memory_space<vmem>>
          %dma_start3A_120 = tpu.memref_squeeze %dma_start3A_119 : memref<1x100xi32, #tpu.memory_space<vmem>> -> memref<100xi32, #tpu.memory_space<vmem>>
          %dma_start3A_121 = arith.constant 0 : i32
          %dma_start3A_122 = arith.constant 0 : i32
          %dma_start3A_123 = tpu.memref_slice %arg2[%dma_start3A_121, %dma_start3A_122] : memref<10000x128xf32, #tpu.memory_space<hbm>> -> memref<10000x128xf32, #tpu.memory_space<hbm>>
          %dma_start3A_124 = tpu.memref_slice %arg12[%rem3A_76] : memref<3x!tpu.dma_semaphore, #tpu.memory_space<semaphore_mem>> -> memref<1x!tpu.dma_semaphore, #tpu.memory_space<semaphore_mem>>
          %dma_start3A_125 = tpu.memref_squeeze %dma_start3A_124 : memref<1x!tpu.dma_semaphore, #tpu.memory_space<semaphore_mem>> -> memref<!tpu.dma_semaphore, #tpu.memory_space<semaphore_mem>>
          tpu.enqueue_indirect_dma source(%dma_start3A_123 : memref<10000x128xf32, #tpu.memory_space<hbm>>) target(%dma_start3A_117 : memref<100x128xf32, #tpu.memory_space<vmem>>) offsets(%dma_start3A_120 : memref<100xi32, #tpu.memory_space<vmem>>) semaphore(%dma_start3A_125 : memref<!tpu.dma_semaphore, #tpu.memory_space<semaphore_mem>>)
        } else {
        }
      }
      %scan3A_57 = arith.constant 25 : i32
      %dma_wait3A = arith.constant 0 : i32
      %dma_wait3A_58 = arith.constant 24 : i32
      %dma_wait3A_59 = arith.constant 0 : i32
      %dma_wait3A_60 = arith.constant 0 : i32
      %dma_wait3A_61 = arith.constant 0 : i32
      %dma_wait3A_62 = tpu.memref_slice %arg10[%dma_wait3A, %dma_wait3A_60, %dma_wait3A_61] : memref<3x100x128xf32, #tpu.memory_space<vmem>> -> memref<1x100x128xf32, #tpu.memory_space<vmem>>
      %dma_wait3A_63 = tpu.memref_squeeze %dma_wait3A_62 : memref<1x100x128xf32, #tpu.memory_space<vmem>> -> memref<100x128xf32, #tpu.memory_space<vmem>>
      %dma_wait3A_64 = arith.constant 0 : i32
      %dma_wait3A_65 = tpu.memref_slice %arg9[%dma_wait3A_58, %dma_wait3A_64] : memref<25x100xi32, #tpu.memory_space<vmem>> -> memref<1x100xi32, #tpu.memory_space<vmem>>
      %dma_wait3A_66 = tpu.memref_squeeze %dma_wait3A_65 : memref<1x100xi32, #tpu.memory_space<vmem>> -> memref<100xi32, #tpu.memory_space<vmem>>
      %dma_wait3A_67 = arith.constant 0 : i32
      %dma_wait3A_68 = arith.constant 0 : i32
      %dma_wait3A_69 = tpu.memref_slice %arg11[%dma_wait3A_67, %dma_wait3A_68] : memref<10000x128xf32, #tpu.memory_space<vmem_shared>> -> memref<10000x128xf32, #tpu.memory_space<vmem_shared>>
      %dma_wait3A_70 = tpu.memref_slice %arg13[%dma_wait3A_59] : memref<3x!tpu.dma_semaphore, #tpu.memory_space<semaphore_mem>> -> memref<1x!tpu.dma_semaphore, #tpu.memory_space<semaphore_mem>>
      %dma_wait3A_71 = tpu.memref_squeeze %dma_wait3A_70 : memref<1x!tpu.dma_semaphore, #tpu.memory_space<semaphore_mem>> -> memref<!tpu.dma_semaphore, #tpu.memory_space<semaphore_mem>>
      tpu.wait_indirect_dma semaphore(%dma_wait3A_71 : memref<!tpu.dma_semaphore, #tpu.memory_space<semaphore_mem>>) src(%dma_wait3A_63 : memref<100x128xf32, #tpu.memory_space<vmem>>) dst(%dma_wait3A_69 : memref<10000x128xf32, #tpu.memory_space<vmem_shared>>)
    }
    %scan3A_10 = arith.constant 4 : i32
    %barrier3A_11 = arith.constant 0 : index
    tpu.barrier barrier_id(%barrier3A_11)
    %eq3A_12 = arith.constant 0 : i32
    %eq3A_13 = arith.cmpi eq, %arg0, %eq3A_12 : i32
    %convert_element_type3A_14 = arith.extui %eq3A_13 : i1 to i32
    %cond3A_15 = arith.constant 0 : i32
    %cond3A_16 = arith.cmpi ne, %convert_element_type3A_14, %cond3A_15 : i32
    scf.if %cond3A_16 {
      %lt3A_22 = arith.constant 15 : i32
      %lt3A_23 = arith.cmpi slt, %arg1, %lt3A_22 : i32
      %convert_element_type3A_24 = arith.extui %lt3A_23 : i1 to i32
      %cond3A_25 = arith.constant 0 : i32
      %cond3A_26 = arith.cmpi ne, %convert_element_type3A_24, %cond3A_25 : i32
      scf.if %cond3A_26 {
        %mul3A = arith.constant 632 : i32
        %mul3A_32 = arith.muli %arg1, %mul3A : i32
        %mul3A_33 = arith.constant 632 : i32
        %mul3A_34 = arith.muli %arg1, %mul3A_33 : i32
        "tpu.region"() ({
          %run_scoped3A = tpu.sem_alloc : memref<!tpu.dma_semaphore, #tpu.memory_space<semaphore_mem>>
          %dma_start3A = arith.constant 0 : i32
          %dma_start3A_35 = tpu.memref_slice %arg6[%mul3A_34, %dma_start3A] : memref<10000x128xf32, #tpu.memory_space<hbm>> -> memref<632x128xf32, #tpu.memory_space<hbm>>
          %dma_start3A_36 = arith.constant 0 : i32
          %dma_start3A_37 = tpu.memref_slice %arg11[%mul3A_32, %dma_start3A_36] : memref<10000x128xf32, #tpu.memory_space<vmem_shared>> -> memref<632x128xf32, #tpu.memory_space<vmem_shared>>
          tpu.enqueue_dma source(%dma_start3A_37 : memref<632x128xf32, #tpu.memory_space<vmem_shared>>) target(%dma_start3A_35 : memref<632x128xf32, #tpu.memory_space<hbm>>) target_semaphore(%run_scoped3A : memref<!tpu.dma_semaphore, #tpu.memory_space<semaphore_mem>>)
          %dma_wait3A = arith.constant 0 : i32
          %dma_wait3A_38 = tpu.memref_slice %arg6[%mul3A_34, %dma_wait3A] : memref<10000x128xf32, #tpu.memory_space<hbm>> -> memref<632x128xf32, #tpu.memory_space<hbm>>
          %dma_wait3A_39 = arith.constant 0 : i32
          %dma_wait3A_40 = tpu.memref_slice %arg11[%mul3A_32, %dma_wait3A_39] : memref<10000x128xf32, #tpu.memory_space<vmem_shared>> -> memref<632x128xf32, #tpu.memory_space<vmem_shared>>
          tpu.wait_dma2 semaphore(%run_scoped3A : memref<!tpu.dma_semaphore, #tpu.memory_space<semaphore_mem>>) src(%dma_wait3A_40 : memref<632x128xf32, #tpu.memory_space<vmem_shared>>) dst(%dma_wait3A_38 : memref<632x128xf32, #tpu.memory_space<hbm>>)
          tpu.yield
        }) : () -> ()
      } else {
      }
      %eq3A_27 = arith.constant 15 : i32
      %eq3A_28 = arith.cmpi eq, %arg1, %eq3A_27 : i32
      %convert_element_type3A_29 = arith.extui %eq3A_28 : i1 to i32
      %cond3A_30 = arith.constant 0 : i32
      %cond3A_31 = arith.cmpi ne, %convert_element_type3A_29, %cond3A_30 : i32
      scf.if %cond3A_31 {
        "tpu.region"() ({
          %run_scoped3A = tpu.sem_alloc : memref<!tpu.dma_semaphore, #tpu.memory_space<semaphore_mem>>
          %dma_start3A = arith.constant 9480 : i32
          %dma_start3A_32 = arith.constant 0 : i32
          %dma_start3A_33 = tpu.memref_slice %arg6[%dma_start3A, %dma_start3A_32] : memref<10000x128xf32, #tpu.memory_space<hbm>> -> memref<520x128xf32, #tpu.memory_space<hbm>>
          %dma_start3A_34 = arith.constant 9480 : i32
          %dma_start3A_35 = arith.constant 0 : i32
          %dma_start3A_36 = tpu.memref_slice %arg11[%dma_start3A_34, %dma_start3A_35] : memref<10000x128xf32, #tpu.memory_space<vmem_shared>> -> memref<520x128xf32, #tpu.memory_space<vmem_shared>>
          tpu.enqueue_dma source(%dma_start3A_36 : memref<520x128xf32, #tpu.memory_space<vmem_shared>>) target(%dma_start3A_33 : memref<520x128xf32, #tpu.memory_space<hbm>>) target_semaphore(%run_scoped3A : memref<!tpu.dma_semaphore, #tpu.memory_space<semaphore_mem>>)
          %dma_wait3A = arith.constant 9480 : i32
          %dma_wait3A_37 = arith.constant 0 : i32
          %dma_wait3A_38 = tpu.memref_slice %arg6[%dma_wait3A, %dma_wait3A_37] : memref<10000x128xf32, #tpu.memory_space<hbm>> -> memref<520x128xf32, #tpu.memory_space<hbm>>
          %dma_wait3A_39 = arith.constant 9480 : i32
          %dma_wait3A_40 = arith.constant 0 : i32
          %dma_wait3A_41 = tpu.memref_slice %arg11[%dma_wait3A_39, %dma_wait3A_40] : memref<10000x128xf32, #tpu.memory_space<vmem_shared>> -> memref<520x128xf32, #tpu.memory_space<vmem_shared>>
          tpu.wait_dma2 semaphore(%run_scoped3A : memref<!tpu.dma_semaphore, #tpu.memory_space<semaphore_mem>>) src(%dma_wait3A_41 : memref<520x128xf32, #tpu.memory_space<vmem_shared>>) dst(%dma_wait3A_38 : memref<520x128xf32, #tpu.memory_space<hbm>>)
          tpu.yield
        }) : () -> ()
      } else {
      }
    } else {
    }
    %eq3A_17 = arith.constant 1 : i32
    %eq3A_18 = arith.cmpi eq, %arg0, %eq3A_17 : i32
    %convert_element_type3A_19 = arith.extui %eq3A_18 : i1 to i32
    %cond3A_20 = arith.constant 0 : i32
    %cond3A_21 = arith.cmpi ne, %convert_element_type3A_19, %cond3A_20 : i32
    scf.if %cond3A_21 {
      %lt3A_22 = arith.constant 15 : i32
      %lt3A_23 = arith.cmpi slt, %arg1, %lt3A_22 : i32
      %convert_element_type3A_24 = arith.extui %lt3A_23 : i1 to i32
      %cond3A_25 = arith.constant 0 : i32
      %cond3A_26 = arith.cmpi ne, %convert_element_type3A_24, %cond3A_25 : i32
      scf.if %cond3A_26 {
        %mul3A = arith.constant 632 : i32
        %mul3A_32 = arith.muli %arg1, %mul3A : i32
        %mul3A_33 = arith.constant 632 : i32
        %mul3A_34 = arith.muli %arg1, %mul3A_33 : i32
        "tpu.region"() ({
          %run_scoped3A = tpu.sem_alloc : memref<!tpu.dma_semaphore, #tpu.memory_space<semaphore_mem>>
          %dma_start3A = arith.constant 0 : i32
          %dma_start3A_35 = tpu.memref_slice %arg7[%mul3A_34, %dma_start3A] : memref<10000x128xf32, #tpu.memory_space<hbm>> -> memref<632x128xf32, #tpu.memory_space<hbm>>
          %dma_start3A_36 = arith.constant 0 : i32
          %dma_start3A_37 = tpu.memref_slice %arg11[%mul3A_32, %dma_start3A_36] : memref<10000x128xf32, #tpu.memory_space<vmem_shared>> -> memref<632x128xf32, #tpu.memory_space<vmem_shared>>
          tpu.enqueue_dma source(%dma_start3A_37 : memref<632x128xf32, #tpu.memory_space<vmem_shared>>) target(%dma_start3A_35 : memref<632x128xf32, #tpu.memory_space<hbm>>) target_semaphore(%run_scoped3A : memref<!tpu.dma_semaphore, #tpu.memory_space<semaphore_mem>>)
          %dma_wait3A = arith.constant 0 : i32
          %dma_wait3A_38 = tpu.memref_slice %arg7[%mul3A_34, %dma_wait3A] : memref<10000x128xf32, #tpu.memory_space<hbm>> -> memref<632x128xf32, #tpu.memory_space<hbm>>
          %dma_wait3A_39 = arith.constant 0 : i32
          %dma_wait3A_40 = tpu.memref_slice %arg11[%mul3A_32, %dma_wait3A_39] : memref<10000x128xf32, #tpu.memory_space<vmem_shared>> -> memref<632x128xf32, #tpu.memory_space<vmem_shared>>
          tpu.wait_dma2 semaphore(%run_scoped3A : memref<!tpu.dma_semaphore, #tpu.memory_space<semaphore_mem>>) src(%dma_wait3A_40 : memref<632x128xf32, #tpu.memory_space<vmem_shared>>) dst(%dma_wait3A_38 : memref<632x128xf32, #tpu.memory_space<hbm>>)
          tpu.yield
        }) : () -> ()
      } else {
      }
      %eq3A_27 = arith.constant 15 : i32
      %eq3A_28 = arith.cmpi eq, %arg1, %eq3A_27 : i32
      %convert_element_type3A_29 = arith.extui %eq3A_28 : i1 to i32
      %cond3A_30 = arith.constant 0 : i32
      %cond3A_31 = arith.cmpi ne, %convert_element_type3A_29, %cond3A_30 : i32
      scf.if %cond3A_31 {
        "tpu.region"() ({
          %run_scoped3A = tpu.sem_alloc : memref<!tpu.dma_semaphore, #tpu.memory_space<semaphore_mem>>
          %dma_start3A = arith.constant 9480 : i32
          %dma_start3A_32 = arith.constant 0 : i32
          %dma_start3A_33 = tpu.memref_slice %arg7[%dma_start3A, %dma_start3A_32] : memref<10000x128xf32, #tpu.memory_space<hbm>> -> memref<520x128xf32, #tpu.memory_space<hbm>>
          %dma_start3A_34 = arith.constant 9480 : i32
          %dma_start3A_35 = arith.constant 0 : i32
          %dma_start3A_36 = tpu.memref_slice %arg11[%dma_start3A_34, %dma_start3A_35] : memref<10000x128xf32, #tpu.memory_space<vmem_shared>> -> memref<520x128xf32, #tpu.memory_space<vmem_shared>>
          tpu.enqueue_dma source(%dma_start3A_36 : memref<520x128xf32, #tpu.memory_space<vmem_shared>>) target(%dma_start3A_33 : memref<520x128xf32, #tpu.memory_space<hbm>>) target_semaphore(%run_scoped3A : memref<!tpu.dma_semaphore, #tpu.memory_space<semaphore_mem>>)
          %dma_wait3A = arith.constant 9480 : i32
          %dma_wait3A_37 = arith.constant 0 : i32
          %dma_wait3A_38 = tpu.memref_slice %arg7[%dma_wait3A, %dma_wait3A_37] : memref<10000x128xf32, #tpu.memory_space<hbm>> -> memref<520x128xf32, #tpu.memory_space<hbm>>
          %dma_wait3A_39 = arith.constant 9480 : i32
          %dma_wait3A_40 = arith.constant 0 : i32
          %dma_wait3A_41 = tpu.memref_slice %arg11[%dma_wait3A_39, %dma_wait3A_40] : memref<10000x128xf32, #tpu.memory_space<vmem_shared>> -> memref<520x128xf32, #tpu.memory_space<vmem_shared>>
          tpu.wait_dma2 semaphore(%run_scoped3A : memref<!tpu.dma_semaphore, #tpu.memory_space<semaphore_mem>>) src(%dma_wait3A_41 : memref<520x128xf32, #tpu.memory_space<vmem_shared>>) dst(%dma_wait3A_38 : memref<520x128xf32, #tpu.memory_space<hbm>>)
          tpu.yield
        }) : () -> ()
      } else {
      }
    } else {
    }
    return
  }
}

#map = affine_map<(d0, d1) -> (0)>
module attributes {stable_mosaic.version = 14 : i64} {
  func.func @_deg_body(%arg0: i32, %arg1: i32, %arg2: memref<320000xi32, #tpu.memory_space<hbm>>, %arg3: memref<10240xf32, #tpu.memory_space<hbm>>, %arg4: memref<10240xf32, #tpu.memory_space<hbm>>, %arg5: memref<10000xi32, #tpu.memory_space<vmem>>, %arg6: memref<10240xf32, #tpu.memory_space<vmem>>, %arg7: memref<16x640xf32, #tpu.memory_space<vmem>>, %arg8: memref<640xf32, #tpu.memory_space<vmem>>, %arg9: memref<16x10240xf32, #tpu.memory_space<vmem_shared>>) attributes {dimension_semantics = [#tpu.dimension_semantics<core_parallel>, #tpu.dimension_semantics<subcore_parallel>], iteration_bounds = array<i64: 2, 16>, scalar_prefetch = 0 : i64, scratch_operands = 5 : i64, tpu.core_type = #tpu.core_type<sc_vector_subcore>, window_params = [{transform_indices = #map}, {transform_indices = #map}, {transform_indices = #map}]} {
    %mul3A = arith.constant 16 : i32
    %mul3A_0 = arith.muli %arg0, %mul3A : i32
    %add3A = arith.addi %mul3A_0, %arg1 : i32
    %mul3A_1 = arith.constant 10000 : i32
    %mul3A_2 = arith.muli %add3A, %mul3A_1 : i32
    "tpu.region"() ({
      %run_scoped3A_93 = tpu.sem_alloc : memref<!tpu.dma_semaphore, #tpu.memory_space<semaphore_mem>>
      %dma_start3A = tpu.memref_slice %arg2[%mul3A_2] : memref<320000xi32, #tpu.memory_space<hbm>> -> memref<10000xi32, #tpu.memory_space<hbm>>
      %dma_start3A_94 = tpu.memref_slice %arg2[%mul3A_2] : memref<320000xi32, #tpu.memory_space<hbm>> -> memref<10000xi32, #tpu.memory_space<hbm>>
      tpu.enqueue_dma source(%dma_start3A_94 : memref<10000xi32, #tpu.memory_space<hbm>>) target(%arg5 : memref<10000xi32, #tpu.memory_space<vmem>>) target_semaphore(%run_scoped3A_93 : memref<!tpu.dma_semaphore, #tpu.memory_space<semaphore_mem>>)
      %dma_wait3A = tpu.memref_slice %arg2[%mul3A_2] : memref<320000xi32, #tpu.memory_space<hbm>> -> memref<10000xi32, #tpu.memory_space<hbm>>
      %dma_wait3A_95 = tpu.memref_slice %arg2[%mul3A_2] : memref<320000xi32, #tpu.memory_space<hbm>> -> memref<10000xi32, #tpu.memory_space<hbm>>
      tpu.wait_dma2 semaphore(%run_scoped3A_93 : memref<!tpu.dma_semaphore, #tpu.memory_space<semaphore_mem>>) src(%dma_wait3A_95 : memref<10000xi32, #tpu.memory_space<hbm>>) dst(%arg5 : memref<10000xi32, #tpu.memory_space<vmem>>)
      tpu.yield
    }) : () -> ()
    %broadcast_in_dim3A = arith.constant 0.000000e+00 : f32
    %broadcast_in_dim3A_3 = vector.broadcast %broadcast_in_dim3A : f32 to vector<16xf32>
    %scan3A = arith.constant 0 : i32
    %scan3A_4 = arith.constant 0 : i32
    %scan3A_5 = arith.constant 640 : i32
    %scan3A_6 = arith.addi %scan3A_4, %scan3A_5 : i32
    %scan3A_7 = arith.constant 1 : i32
    scf.for %scan3A_93 = %scan3A_4 to %scan3A_6 step %scan3A_7  : i32 {
      %mul3A_94 = arith.constant 16 : i32
      %mul3A_95 = arith.muli %scan3A_93, %mul3A_94 : i32
      %swap3A = arith.index_cast %mul3A_95 : i32 to index
      %swap3A_96 = tpu.vector_load %arg6[%swap3A] {strides = array<i32>} : memref<10240xf32, #tpu.memory_space<vmem>>, vector<16xf32>,
      tpu.vector_store %arg6[%swap3A], %broadcast_in_dim3A_3 {strides = array<i32>} : memref<10240xf32, #tpu.memory_space<vmem>>, vector<16xf32>,
    }
    %scan3A_8 = arith.constant 640 : i32
    %broadcast_in_dim3A_9 = arith.constant 1.000000e+00 : f32
    %broadcast_in_dim3A_10 = vector.broadcast %broadcast_in_dim3A_9 : f32 to vector<16xf32>
    %scan3A_11 = arith.constant 0 : i32
    %scan3A_12 = arith.constant 0 : i32
    %scan3A_13 = arith.constant 625 : i32
    %scan3A_14 = arith.addi %scan3A_12, %scan3A_13 : i32
    %scan3A_15 = arith.constant 1 : i32
    scf.for %scan3A_93 = %scan3A_12 to %scan3A_14 step %scan3A_15  : i32 {
      %mul3A_94 = arith.constant 16 : i32
      %mul3A_95 = arith.muli %scan3A_93, %mul3A_94 : i32
      %get3A = arith.index_cast %mul3A_95 : i32 to index
      %get3A_96 = tpu.vector_load %arg5[%get3A] {strides = array<i32>} : memref<10000xi32, #tpu.memory_space<vmem>>, vector<16xi32>,
      tpu.vector_store_idx %arg6[%get3A_96], %broadcast_in_dim3A_10 {add = true} : memref<10240xf32, #tpu.memory_space<vmem>>[vector<16xi32>], vector<16xf32>,
    }
    %scan3A_16 = arith.constant 625 : i32
    "tpu.region"() ({
      %run_scoped3A_93 = tpu.sem_alloc : memref<!tpu.dma_semaphore, #tpu.memory_space<semaphore_mem>>
      %dma_start3A = arith.constant 0 : i32
      %dma_start3A_94 = tpu.memref_slice %arg9[%arg1, %dma_start3A] : memref<16x10240xf32, #tpu.memory_space<vmem_shared>> -> memref<1x10240xf32, #tpu.memory_space<vmem_shared>>
      %dma_start3A_95 = tpu.memref_squeeze %dma_start3A_94 : memref<1x10240xf32, #tpu.memory_space<vmem_shared>> -> memref<10240xf32, #tpu.memory_space<vmem_shared>>
      %dma_start3A_96 = arith.constant 0 : i32
      %dma_start3A_97 = tpu.memref_slice %arg9[%arg1, %dma_start3A_96] : memref<16x10240xf32, #tpu.memory_space<vmem_shared>> -> memref<1x10240xf32, #tpu.memory_space<vmem_shared>>
      %dma_start3A_98 = tpu.memref_squeeze %dma_start3A_97 : memref<1x10240xf32, #tpu.memory_space<vmem_shared>> -> memref<10240xf32, #tpu.memory_space<vmem_shared>>
      tpu.enqueue_dma source(%arg6 : memref<10240xf32, #tpu.memory_space<vmem>>) target(%dma_start3A_98 : memref<10240xf32, #tpu.memory_space<vmem_shared>>) target_semaphore(%run_scoped3A_93 : memref<!tpu.dma_semaphore, #tpu.memory_space<semaphore_mem>>)
      %dma_wait3A = arith.constant 0 : i32
      %dma_wait3A_99 = tpu.memref_slice %arg9[%arg1, %dma_wait3A] : memref<16x10240xf32, #tpu.memory_space<vmem_shared>> -> memref<1x10240xf32, #tpu.memory_space<vmem_shared>>
      %dma_wait3A_100 = tpu.memref_squeeze %dma_wait3A_99 : memref<1x10240xf32, #tpu.memory_space<vmem_shared>> -> memref<10240xf32, #tpu.memory_space<vmem_shared>>
      %dma_wait3A_101 = arith.constant 0 : i32
      %dma_wait3A_102 = tpu.memref_slice %arg9[%arg1, %dma_wait3A_101] : memref<16x10240xf32, #tpu.memory_space<vmem_shared>> -> memref<1x10240xf32, #tpu.memory_space<vmem_shared>>
      %dma_wait3A_103 = tpu.memref_squeeze %dma_wait3A_102 : memref<1x10240xf32, #tpu.memory_space<vmem_shared>> -> memref<10240xf32, #tpu.memory_space<vmem_shared>>
      tpu.wait_dma2 semaphore(%run_scoped3A_93 : memref<!tpu.dma_semaphore, #tpu.memory_space<semaphore_mem>>) src(%arg6 : memref<10240xf32, #tpu.memory_space<vmem>>) dst(%dma_wait3A_103 : memref<10240xf32, #tpu.memory_space<vmem_shared>>)
      tpu.yield
    }) : () -> ()
    %barrier3A = arith.constant 0 : index
    tpu.barrier barrier_id(%barrier3A)
    %mul3A_17 = arith.constant 640 : i32
    %mul3A_18 = arith.muli %arg1, %mul3A_17 : i32
    %run_scoped3A = arith.constant 0 : i32
    %run_scoped3A_19 = arith.constant 0 : i32
    "tpu.region"() ({
      %run_scoped3A_93 = tpu.sem_alloc : memref<!tpu.dma_semaphore, #tpu.memory_space<semaphore_mem>>
      %dma_start3A = arith.constant 0 : i32
      %dma_start3A_94 = tpu.memref_slice %arg7[%run_scoped3A_19, %dma_start3A] : memref<16x640xf32, #tpu.memory_space<vmem>> -> memref<1x640xf32, #tpu.memory_space<vmem>>
      %dma_start3A_95 = tpu.memref_squeeze %dma_start3A_94 : memref<1x640xf32, #tpu.memory_space<vmem>> -> memref<640xf32, #tpu.memory_space<vmem>>
      %dma_start3A_96 = tpu.memref_slice %arg9[%run_scoped3A, %mul3A_18] : memref<16x10240xf32, #tpu.memory_space<vmem_shared>> -> memref<1x640xf32, #tpu.memory_space<vmem_shared>>
      %dma_start3A_97 = tpu.memref_squeeze %dma_start3A_96 : memref<1x640xf32, #tpu.memory_space<vmem_shared>> -> memref<640xf32, #tpu.memory_space<vmem_shared>>
      %dma_start3A_98 = arith.constant 0 : i32
      %dma_start3A_99 = tpu.memref_slice %arg7[%run_scoped3A_19, %dma_start3A_98] : memref<16x640xf32, #tpu.memory_space<vmem>> -> memref<1x640xf32, #tpu.memory_space<vmem>>
      %dma_start3A_100 = tpu.memref_squeeze %dma_start3A_99 : memref<1x640xf32, #tpu.memory_space<vmem>> -> memref<640xf32, #tpu.memory_space<vmem>>
      %dma_start3A_101 = tpu.memref_slice %arg9[%run_scoped3A, %mul3A_18] : memref<16x10240xf32, #tpu.memory_space<vmem_shared>> -> memref<1x640xf32, #tpu.memory_space<vmem_shared>>
      %dma_start3A_102 = tpu.memref_squeeze %dma_start3A_101 : memref<1x640xf32, #tpu.memory_space<vmem_shared>> -> memref<640xf32, #tpu.memory_space<vmem_shared>>
      tpu.enqueue_dma source(%dma_start3A_102 : memref<640xf32, #tpu.memory_space<vmem_shared>>) target(%dma_start3A_100 : memref<640xf32, #tpu.memory_space<vmem>>) target_semaphore(%run_scoped3A_93 : memref<!tpu.dma_semaphore, #tpu.memory_space<semaphore_mem>>)
      %dma_wait3A = arith.constant 0 : i32
      %dma_wait3A_103 = tpu.memref_slice %arg7[%run_scoped3A_19, %dma_wait3A] : memref<16x640xf32, #tpu.memory_space<vmem>> -> memref<1x640xf32, #tpu.memory_space<vmem>>
      %dma_wait3A_104 = tpu.memref_squeeze %dma_wait3A_103 : memref<1x640xf32, #tpu.memory_space<vmem>> -> memref<640xf32, #tpu.memory_space<vmem>>
      %dma_wait3A_105 = tpu.memref_slice %arg9[%run_scoped3A, %mul3A_18] : memref<16x10240xf32, #tpu.memory_space<vmem_shared>> -> memref<1x640xf32, #tpu.memory_space<vmem_shared>>
      %dma_wait3A_106 = tpu.memref_squeeze %dma_wait3A_105 : memref<1x640xf32, #tpu.memory_space<vmem_shared>> -> memref<640xf32, #tpu.memory_space<vmem_shared>>
      %dma_wait3A_107 = arith.constant 0 : i32
      %dma_wait3A_108 = tpu.memref_slice %arg7[%run_scoped3A_19, %dma_wait3A_107] : memref<16x640xf32, #tpu.memory_space<vmem>> -> memref<1x640xf32, #tpu.memory_space<vmem>>
      %dma_wait3A_109 = tpu.memref_squeeze %dma_wait3A_108 : memref<1x640xf32, #tpu.memory_space<vmem>> -> memref<640xf32, #tpu.memory_space<vmem>>
      %dma_wait3A_110 = tpu.memref_slice %arg9[%run_scoped3A, %mul3A_18] : memref<16x10240xf32, #tpu.memory_space<vmem_shared>> -> memref<1x640xf32, #tpu.memory_space<vmem_shared>>
      %dma_wait3A_111 = tpu.memref_squeeze %dma_wait3A_110 : memref<1x640xf32, #tpu.memory_space<vmem_shared>> -> memref<640xf32, #tpu.memory_space<vmem_shared>>
      tpu.wait_dma2 semaphore(%run_scoped3A_93 : memref<!tpu.dma_semaphore, #tpu.memory_space<semaphore_mem>>) src(%dma_wait3A_111 : memref<640xf32, #tpu.memory_space<vmem_shared>>) dst(%dma_wait3A_109 : memref<640xf32, #tpu.memory_space<vmem>>)
      tpu.yield
    }) : () -> ()
    %mul3A_20 = arith.constant 640 : i32
    %mul3A_21 = arith.muli %arg1, %mul3A_20 : i32
    %run_scoped3A_22 = arith.constant 1 : i32
    %run_scoped3A_23 = arith.constant 1 : i32
    "tpu.region"() ({
      %run_scoped3A_93 = tpu.sem_alloc : memref<!tpu.dma_semaphore, #tpu.memory_space<semaphore_mem>>
      %dma_start3A = arith.constant 0 : i32
      %dma_start3A_94 = tpu.memref_slice %arg7[%run_scoped3A_23, %dma_start3A] : memref<16x640xf32, #tpu.memory_space<vmem>> -> memref<1x640xf32, #tpu.memory_space<vmem>>
      %dma_start3A_95 = tpu.memref_squeeze %dma_start3A_94 : memref<1x640xf32, #tpu.memory_space<vmem>> -> memref<640xf32, #tpu.memory_space<vmem>>
      %dma_start3A_96 = tpu.memref_slice %arg9[%run_scoped3A_22, %mul3A_21] : memref<16x10240xf32, #tpu.memory_space<vmem_shared>> -> memref<1x640xf32, #tpu.memory_space<vmem_shared>>
      %dma_start3A_97 = tpu.memref_squeeze %dma_start3A_96 : memref<1x640xf32, #tpu.memory_space<vmem_shared>> -> memref<640xf32, #tpu.memory_space<vmem_shared>>
      %dma_start3A_98 = arith.constant 0 : i32
      %dma_start3A_99 = tpu.memref_slice %arg7[%run_scoped3A_23, %dma_start3A_98] : memref<16x640xf32, #tpu.memory_space<vmem>> -> memref<1x640xf32, #tpu.memory_space<vmem>>
      %dma_start3A_100 = tpu.memref_squeeze %dma_start3A_99 : memref<1x640xf32, #tpu.memory_space<vmem>> -> memref<640xf32, #tpu.memory_space<vmem>>
      %dma_start3A_101 = tpu.memref_slice %arg9[%run_scoped3A_22, %mul3A_21] : memref<16x10240xf32, #tpu.memory_space<vmem_shared>> -> memref<1x640xf32, #tpu.memory_space<vmem_shared>>
      %dma_start3A_102 = tpu.memref_squeeze %dma_start3A_101 : memref<1x640xf32, #tpu.memory_space<vmem_shared>> -> memref<640xf32, #tpu.memory_space<vmem_shared>>
      tpu.enqueue_dma source(%dma_start3A_102 : memref<640xf32, #tpu.memory_space<vmem_shared>>) target(%dma_start3A_100 : memref<640xf32, #tpu.memory_space<vmem>>) target_semaphore(%run_scoped3A_93 : memref<!tpu.dma_semaphore, #tpu.memory_space<semaphore_mem>>)
      %dma_wait3A = arith.constant 0 : i32
      %dma_wait3A_103 = tpu.memref_slice %arg7[%run_scoped3A_23, %dma_wait3A] : memref<16x640xf32, #tpu.memory_space<vmem>> -> memref<1x640xf32, #tpu.memory_space<vmem>>
      %dma_wait3A_104 = tpu.memref_squeeze %dma_wait3A_103 : memref<1x640xf32, #tpu.memory_space<vmem>> -> memref<640xf32, #tpu.memory_space<vmem>>
      %dma_wait3A_105 = tpu.memref_slice %arg9[%run_scoped3A_22, %mul3A_21] : memref<16x10240xf32, #tpu.memory_space<vmem_shared>> -> memref<1x640xf32, #tpu.memory_space<vmem_shared>>
      %dma_wait3A_106 = tpu.memref_squeeze %dma_wait3A_105 : memref<1x640xf32, #tpu.memory_space<vmem_shared>> -> memref<640xf32, #tpu.memory_space<vmem_shared>>
      %dma_wait3A_107 = arith.constant 0 : i32
      %dma_wait3A_108 = tpu.memref_slice %arg7[%run_scoped3A_23, %dma_wait3A_107] : memref<16x640xf32, #tpu.memory_space<vmem>> -> memref<1x640xf32, #tpu.memory_space<vmem>>
      %dma_wait3A_109 = tpu.memref_squeeze %dma_wait3A_108 : memref<1x640xf32, #tpu.memory_space<vmem>> -> memref<640xf32, #tpu.memory_space<vmem>>
      %dma_wait3A_110 = tpu.memref_slice %arg9[%run_scoped3A_22, %mul3A_21] : memref<16x10240xf32, #tpu.memory_space<vmem_shared>> -> memref<1x640xf32, #tpu.memory_space<vmem_shared>>
      %dma_wait3A_111 = tpu.memref_squeeze %dma_wait3A_110 : memref<1x640xf32, #tpu.memory_space<vmem_shared>> -> memref<640xf32, #tpu.memory_space<vmem_shared>>
      tpu.wait_dma2 semaphore(%run_scoped3A_93 : memref<!tpu.dma_semaphore, #tpu.memory_space<semaphore_mem>>) src(%dma_wait3A_111 : memref<640xf32, #tpu.memory_space<vmem_shared>>) dst(%dma_wait3A_109 : memref<640xf32, #tpu.memory_space<vmem>>)
      tpu.yield
    }) : () -> ()
    %mul3A_24 = arith.constant 640 : i32
    %mul3A_25 = arith.muli %arg1, %mul3A_24 : i32
    %run_scoped3A_26 = arith.constant 2 : i32
    %run_scoped3A_27 = arith.constant 2 : i32
    "tpu.region"() ({
      %run_scoped3A_93 = tpu.sem_alloc : memref<!tpu.dma_semaphore, #tpu.memory_space<semaphore_mem>>
      %dma_start3A = arith.constant 0 : i32
      %dma_start3A_94 = tpu.memref_slice %arg7[%run_scoped3A_27, %dma_start3A] : memref<16x640xf32, #tpu.memory_space<vmem>> -> memref<1x640xf32, #tpu.memory_space<vmem>>
      %dma_start3A_95 = tpu.memref_squeeze %dma_start3A_94 : memref<1x640xf32, #tpu.memory_space<vmem>> -> memref<640xf32, #tpu.memory_space<vmem>>
      %dma_start3A_96 = tpu.memref_slice %arg9[%run_scoped3A_26, %mul3A_25] : memref<16x10240xf32, #tpu.memory_space<vmem_shared>> -> memref<1x640xf32, #tpu.memory_space<vmem_shared>>
      %dma_start3A_97 = tpu.memref_squeeze %dma_start3A_96 : memref<1x640xf32, #tpu.memory_space<vmem_shared>> -> memref<640xf32, #tpu.memory_space<vmem_shared>>
      %dma_start3A_98 = arith.constant 0 : i32
      %dma_start3A_99 = tpu.memref_slice %arg7[%run_scoped3A_27, %dma_start3A_98] : memref<16x640xf32, #tpu.memory_space<vmem>> -> memref<1x640xf32, #tpu.memory_space<vmem>>
      %dma_start3A_100 = tpu.memref_squeeze %dma_start3A_99 : memref<1x640xf32, #tpu.memory_space<vmem>> -> memref<640xf32, #tpu.memory_space<vmem>>
      %dma_start3A_101 = tpu.memref_slice %arg9[%run_scoped3A_26, %mul3A_25] : memref<16x10240xf32, #tpu.memory_space<vmem_shared>> -> memref<1x640xf32, #tpu.memory_space<vmem_shared>>
      %dma_start3A_102 = tpu.memref_squeeze %dma_start3A_101 : memref<1x640xf32, #tpu.memory_space<vmem_shared>> -> memref<640xf32, #tpu.memory_space<vmem_shared>>
      tpu.enqueue_dma source(%dma_start3A_102 : memref<640xf32, #tpu.memory_space<vmem_shared>>) target(%dma_start3A_100 : memref<640xf32, #tpu.memory_space<vmem>>) target_semaphore(%run_scoped3A_93 : memref<!tpu.dma_semaphore, #tpu.memory_space<semaphore_mem>>)
      %dma_wait3A = arith.constant 0 : i32
      %dma_wait3A_103 = tpu.memref_slice %arg7[%run_scoped3A_27, %dma_wait3A] : memref<16x640xf32, #tpu.memory_space<vmem>> -> memref<1x640xf32, #tpu.memory_space<vmem>>
      %dma_wait3A_104 = tpu.memref_squeeze %dma_wait3A_103 : memref<1x640xf32, #tpu.memory_space<vmem>> -> memref<640xf32, #tpu.memory_space<vmem>>
      %dma_wait3A_105 = tpu.memref_slice %arg9[%run_scoped3A_26, %mul3A_25] : memref<16x10240xf32, #tpu.memory_space<vmem_shared>> -> memref<1x640xf32, #tpu.memory_space<vmem_shared>>
      %dma_wait3A_106 = tpu.memref_squeeze %dma_wait3A_105 : memref<1x640xf32, #tpu.memory_space<vmem_shared>> -> memref<640xf32, #tpu.memory_space<vmem_shared>>
      %dma_wait3A_107 = arith.constant 0 : i32
      %dma_wait3A_108 = tpu.memref_slice %arg7[%run_scoped3A_27, %dma_wait3A_107] : memref<16x640xf32, #tpu.memory_space<vmem>> -> memref<1x640xf32, #tpu.memory_space<vmem>>
      %dma_wait3A_109 = tpu.memref_squeeze %dma_wait3A_108 : memref<1x640xf32, #tpu.memory_space<vmem>> -> memref<640xf32, #tpu.memory_space<vmem>>
      %dma_wait3A_110 = tpu.memref_slice %arg9[%run_scoped3A_26, %mul3A_25] : memref<16x10240xf32, #tpu.memory_space<vmem_shared>> -> memref<1x640xf32, #tpu.memory_space<vmem_shared>>
      %dma_wait3A_111 = tpu.memref_squeeze %dma_wait3A_110 : memref<1x640xf32, #tpu.memory_space<vmem_shared>> -> memref<640xf32, #tpu.memory_space<vmem_shared>>
      tpu.wait_dma2 semaphore(%run_scoped3A_93 : memref<!tpu.dma_semaphore, #tpu.memory_space<semaphore_mem>>) src(%dma_wait3A_111 : memref<640xf32, #tpu.memory_space<vmem_shared>>) dst(%dma_wait3A_109 : memref<640xf32, #tpu.memory_space<vmem>>)
      tpu.yield
    }) : () -> ()
    %mul3A_28 = arith.constant 640 : i32
    %mul3A_29 = arith.muli %arg1, %mul3A_28 : i32
    %run_scoped3A_30 = arith.constant 3 : i32
    %run_scoped3A_31 = arith.constant 3 : i32
    "tpu.region"() ({
      %run_scoped3A_93 = tpu.sem_alloc : memref<!tpu.dma_semaphore, #tpu.memory_space<semaphore_mem>>
      %dma_start3A = arith.constant 0 : i32
      %dma_start3A_94 = tpu.memref_slice %arg7[%run_scoped3A_31, %dma_start3A] : memref<16x640xf32, #tpu.memory_space<vmem>> -> memref<1x640xf32, #tpu.memory_space<vmem>>
      %dma_start3A_95 = tpu.memref_squeeze %dma_start3A_94 : memref<1x640xf32, #tpu.memory_space<vmem>> -> memref<640xf32, #tpu.memory_space<vmem>>
      %dma_start3A_96 = tpu.memref_slice %arg9[%run_scoped3A_30, %mul3A_29] : memref<16x10240xf32, #tpu.memory_space<vmem_shared>> -> memref<1x640xf32, #tpu.memory_space<vmem_shared>>
      %dma_start3A_97 = tpu.memref_squeeze %dma_start3A_96 : memref<1x640xf32, #tpu.memory_space<vmem_shared>> -> memref<640xf32, #tpu.memory_space<vmem_shared>>
      %dma_start3A_98 = arith.constant 0 : i32
      %dma_start3A_99 = tpu.memref_slice %arg7[%run_scoped3A_31, %dma_start3A_98] : memref<16x640xf32, #tpu.memory_space<vmem>> -> memref<1x640xf32, #tpu.memory_space<vmem>>
      %dma_start3A_100 = tpu.memref_squeeze %dma_start3A_99 : memref<1x640xf32, #tpu.memory_space<vmem>> -> memref<640xf32, #tpu.memory_space<vmem>>
      %dma_start3A_101 = tpu.memref_slice %arg9[%run_scoped3A_30, %mul3A_29] : memref<16x10240xf32, #tpu.memory_space<vmem_shared>> -> memref<1x640xf32, #tpu.memory_space<vmem_shared>>
      %dma_start3A_102 = tpu.memref_squeeze %dma_start3A_101 : memref<1x640xf32, #tpu.memory_space<vmem_shared>> -> memref<640xf32, #tpu.memory_space<vmem_shared>>
      tpu.enqueue_dma source(%dma_start3A_102 : memref<640xf32, #tpu.memory_space<vmem_shared>>) target(%dma_start3A_100 : memref<640xf32, #tpu.memory_space<vmem>>) target_semaphore(%run_scoped3A_93 : memref<!tpu.dma_semaphore, #tpu.memory_space<semaphore_mem>>)
      %dma_wait3A = arith.constant 0 : i32
      %dma_wait3A_103 = tpu.memref_slice %arg7[%run_scoped3A_31, %dma_wait3A] : memref<16x640xf32, #tpu.memory_space<vmem>> -> memref<1x640xf32, #tpu.memory_space<vmem>>
      %dma_wait3A_104 = tpu.memref_squeeze %dma_wait3A_103 : memref<1x640xf32, #tpu.memory_space<vmem>> -> memref<640xf32, #tpu.memory_space<vmem>>
      %dma_wait3A_105 = tpu.memref_slice %arg9[%run_scoped3A_30, %mul3A_29] : memref<16x10240xf32, #tpu.memory_space<vmem_shared>> -> memref<1x640xf32, #tpu.memory_space<vmem_shared>>
      %dma_wait3A_106 = tpu.memref_squeeze %dma_wait3A_105 : memref<1x640xf32, #tpu.memory_space<vmem_shared>> -> memref<640xf32, #tpu.memory_space<vmem_shared>>
      %dma_wait3A_107 = arith.constant 0 : i32
      %dma_wait3A_108 = tpu.memref_slice %arg7[%run_scoped3A_31, %dma_wait3A_107] : memref<16x640xf32, #tpu.memory_space<vmem>> -> memref<1x640xf32, #tpu.memory_space<vmem>>
      %dma_wait3A_109 = tpu.memref_squeeze %dma_wait3A_108 : memref<1x640xf32, #tpu.memory_space<vmem>> -> memref<640xf32, #tpu.memory_space<vmem>>
      %dma_wait3A_110 = tpu.memref_slice %arg9[%run_scoped3A_30, %mul3A_29] : memref<16x10240xf32, #tpu.memory_space<vmem_shared>> -> memref<1x640xf32, #tpu.memory_space<vmem_shared>>
      %dma_wait3A_111 = tpu.memref_squeeze %dma_wait3A_110 : memref<1x640xf32, #tpu.memory_space<vmem_shared>> -> memref<640xf32, #tpu.memory_space<vmem_shared>>
      tpu.wait_dma2 semaphore(%run_scoped3A_93 : memref<!tpu.dma_semaphore, #tpu.memory_space<semaphore_mem>>) src(%dma_wait3A_111 : memref<640xf32, #tpu.memory_space<vmem_shared>>) dst(%dma_wait3A_109 : memref<640xf32, #tpu.memory_space<vmem>>)
      tpu.yield
    }) : () -> ()
    %mul3A_32 = arith.constant 640 : i32
    %mul3A_33 = arith.muli %arg1, %mul3A_32 : i32
    %run_scoped3A_34 = arith.constant 4 : i32
    %run_scoped3A_35 = arith.constant 4 : i32
    "tpu.region"() ({
      %run_scoped3A_93 = tpu.sem_alloc : memref<!tpu.dma_semaphore, #tpu.memory_space<semaphore_mem>>
      %dma_start3A = arith.constant 0 : i32
      %dma_start3A_94 = tpu.memref_slice %arg7[%run_scoped3A_35, %dma_start3A] : memref<16x640xf32, #tpu.memory_space<vmem>> -> memref<1x640xf32, #tpu.memory_space<vmem>>
      %dma_start3A_95 = tpu.memref_squeeze %dma_start3A_94 : memref<1x640xf32, #tpu.memory_space<vmem>> -> memref<640xf32, #tpu.memory_space<vmem>>
      %dma_start3A_96 = tpu.memref_slice %arg9[%run_scoped3A_34, %mul3A_33] : memref<16x10240xf32, #tpu.memory_space<vmem_shared>> -> memref<1x640xf32, #tpu.memory_space<vmem_shared>>
      %dma_start3A_97 = tpu.memref_squeeze %dma_start3A_96 : memref<1x640xf32, #tpu.memory_space<vmem_shared>> -> memref<640xf32, #tpu.memory_space<vmem_shared>>
      %dma_start3A_98 = arith.constant 0 : i32
      %dma_start3A_99 = tpu.memref_slice %arg7[%run_scoped3A_35, %dma_start3A_98] : memref<16x640xf32, #tpu.memory_space<vmem>> -> memref<1x640xf32, #tpu.memory_space<vmem>>
      %dma_start3A_100 = tpu.memref_squeeze %dma_start3A_99 : memref<1x640xf32, #tpu.memory_space<vmem>> -> memref<640xf32, #tpu.memory_space<vmem>>
      %dma_start3A_101 = tpu.memref_slice %arg9[%run_scoped3A_34, %mul3A_33] : memref<16x10240xf32, #tpu.memory_space<vmem_shared>> -> memref<1x640xf32, #tpu.memory_space<vmem_shared>>
      %dma_start3A_102 = tpu.memref_squeeze %dma_start3A_101 : memref<1x640xf32, #tpu.memory_space<vmem_shared>> -> memref<640xf32, #tpu.memory_space<vmem_shared>>
      tpu.enqueue_dma source(%dma_start3A_102 : memref<640xf32, #tpu.memory_space<vmem_shared>>) target(%dma_start3A_100 : memref<640xf32, #tpu.memory_space<vmem>>) target_semaphore(%run_scoped3A_93 : memref<!tpu.dma_semaphore, #tpu.memory_space<semaphore_mem>>)
      %dma_wait3A = arith.constant 0 : i32
      %dma_wait3A_103 = tpu.memref_slice %arg7[%run_scoped3A_35, %dma_wait3A] : memref<16x640xf32, #tpu.memory_space<vmem>> -> memref<1x640xf32, #tpu.memory_space<vmem>>
      %dma_wait3A_104 = tpu.memref_squeeze %dma_wait3A_103 : memref<1x640xf32, #tpu.memory_space<vmem>> -> memref<640xf32, #tpu.memory_space<vmem>>
      %dma_wait3A_105 = tpu.memref_slice %arg9[%run_scoped3A_34, %mul3A_33] : memref<16x10240xf32, #tpu.memory_space<vmem_shared>> -> memref<1x640xf32, #tpu.memory_space<vmem_shared>>
      %dma_wait3A_106 = tpu.memref_squeeze %dma_wait3A_105 : memref<1x640xf32, #tpu.memory_space<vmem_shared>> -> memref<640xf32, #tpu.memory_space<vmem_shared>>
      %dma_wait3A_107 = arith.constant 0 : i32
      %dma_wait3A_108 = tpu.memref_slice %arg7[%run_scoped3A_35, %dma_wait3A_107] : memref<16x640xf32, #tpu.memory_space<vmem>> -> memref<1x640xf32, #tpu.memory_space<vmem>>
      %dma_wait3A_109 = tpu.memref_squeeze %dma_wait3A_108 : memref<1x640xf32, #tpu.memory_space<vmem>> -> memref<640xf32, #tpu.memory_space<vmem>>
      %dma_wait3A_110 = tpu.memref_slice %arg9[%run_scoped3A_34, %mul3A_33] : memref<16x10240xf32, #tpu.memory_space<vmem_shared>> -> memref<1x640xf32, #tpu.memory_space<vmem_shared>>
      %dma_wait3A_111 = tpu.memref_squeeze %dma_wait3A_110 : memref<1x640xf32, #tpu.memory_space<vmem_shared>> -> memref<640xf32, #tpu.memory_space<vmem_shared>>
      tpu.wait_dma2 semaphore(%run_scoped3A_93 : memref<!tpu.dma_semaphore, #tpu.memory_space<semaphore_mem>>) src(%dma_wait3A_111 : memref<640xf32, #tpu.memory_space<vmem_shared>>) dst(%dma_wait3A_109 : memref<640xf32, #tpu.memory_space<vmem>>)
      tpu.yield
    }) : () -> ()
    %mul3A_36 = arith.constant 640 : i32
    %mul3A_37 = arith.muli %arg1, %mul3A_36 : i32
    %run_scoped3A_38 = arith.constant 5 : i32
    %run_scoped3A_39 = arith.constant 5 : i32
    "tpu.region"() ({
      %run_scoped3A_93 = tpu.sem_alloc : memref<!tpu.dma_semaphore, #tpu.memory_space<semaphore_mem>>
      %dma_start3A = arith.constant 0 : i32
      %dma_start3A_94 = tpu.memref_slice %arg7[%run_scoped3A_39, %dma_start3A] : memref<16x640xf32, #tpu.memory_space<vmem>> -> memref<1x640xf32, #tpu.memory_space<vmem>>
      %dma_start3A_95 = tpu.memref_squeeze %dma_start3A_94 : memref<1x640xf32, #tpu.memory_space<vmem>> -> memref<640xf32, #tpu.memory_space<vmem>>
      %dma_start3A_96 = tpu.memref_slice %arg9[%run_scoped3A_38, %mul3A_37] : memref<16x10240xf32, #tpu.memory_space<vmem_shared>> -> memref<1x640xf32, #tpu.memory_space<vmem_shared>>
      %dma_start3A_97 = tpu.memref_squeeze %dma_start3A_96 : memref<1x640xf32, #tpu.memory_space<vmem_shared>> -> memref<640xf32, #tpu.memory_space<vmem_shared>>
      %dma_start3A_98 = arith.constant 0 : i32
      %dma_start3A_99 = tpu.memref_slice %arg7[%run_scoped3A_39, %dma_start3A_98] : memref<16x640xf32, #tpu.memory_space<vmem>> -> memref<1x640xf32, #tpu.memory_space<vmem>>
      %dma_start3A_100 = tpu.memref_squeeze %dma_start3A_99 : memref<1x640xf32, #tpu.memory_space<vmem>> -> memref<640xf32, #tpu.memory_space<vmem>>
      %dma_start3A_101 = tpu.memref_slice %arg9[%run_scoped3A_38, %mul3A_37] : memref<16x10240xf32, #tpu.memory_space<vmem_shared>> -> memref<1x640xf32, #tpu.memory_space<vmem_shared>>
      %dma_start3A_102 = tpu.memref_squeeze %dma_start3A_101 : memref<1x640xf32, #tpu.memory_space<vmem_shared>> -> memref<640xf32, #tpu.memory_space<vmem_shared>>
      tpu.enqueue_dma source(%dma_start3A_102 : memref<640xf32, #tpu.memory_space<vmem_shared>>) target(%dma_start3A_100 : memref<640xf32, #tpu.memory_space<vmem>>) target_semaphore(%run_scoped3A_93 : memref<!tpu.dma_semaphore, #tpu.memory_space<semaphore_mem>>)
      %dma_wait3A = arith.constant 0 : i32
      %dma_wait3A_103 = tpu.memref_slice %arg7[%run_scoped3A_39, %dma_wait3A] : memref<16x640xf32, #tpu.memory_space<vmem>> -> memref<1x640xf32, #tpu.memory_space<vmem>>
      %dma_wait3A_104 = tpu.memref_squeeze %dma_wait3A_103 : memref<1x640xf32, #tpu.memory_space<vmem>> -> memref<640xf32, #tpu.memory_space<vmem>>
      %dma_wait3A_105 = tpu.memref_slice %arg9[%run_scoped3A_38, %mul3A_37] : memref<16x10240xf32, #tpu.memory_space<vmem_shared>> -> memref<1x640xf32, #tpu.memory_space<vmem_shared>>
      %dma_wait3A_106 = tpu.memref_squeeze %dma_wait3A_105 : memref<1x640xf32, #tpu.memory_space<vmem_shared>> -> memref<640xf32, #tpu.memory_space<vmem_shared>>
      %dma_wait3A_107 = arith.constant 0 : i32
      %dma_wait3A_108 = tpu.memref_slice %arg7[%run_scoped3A_39, %dma_wait3A_107] : memref<16x640xf32, #tpu.memory_space<vmem>> -> memref<1x640xf32, #tpu.memory_space<vmem>>
      %dma_wait3A_109 = tpu.memref_squeeze %dma_wait3A_108 : memref<1x640xf32, #tpu.memory_space<vmem>> -> memref<640xf32, #tpu.memory_space<vmem>>
      %dma_wait3A_110 = tpu.memref_slice %arg9[%run_scoped3A_38, %mul3A_37] : memref<16x10240xf32, #tpu.memory_space<vmem_shared>> -> memref<1x640xf32, #tpu.memory_space<vmem_shared>>
      %dma_wait3A_111 = tpu.memref_squeeze %dma_wait3A_110 : memref<1x640xf32, #tpu.memory_space<vmem_shared>> -> memref<640xf32, #tpu.memory_space<vmem_shared>>
      tpu.wait_dma2 semaphore(%run_scoped3A_93 : memref<!tpu.dma_semaphore, #tpu.memory_space<semaphore_mem>>) src(%dma_wait3A_111 : memref<640xf32, #tpu.memory_space<vmem_shared>>) dst(%dma_wait3A_109 : memref<640xf32, #tpu.memory_space<vmem>>)
      tpu.yield
    }) : () -> ()
    %mul3A_40 = arith.constant 640 : i32
    %mul3A_41 = arith.muli %arg1, %mul3A_40 : i32
    %run_scoped3A_42 = arith.constant 6 : i32
    %run_scoped3A_43 = arith.constant 6 : i32
    "tpu.region"() ({
      %run_scoped3A_93 = tpu.sem_alloc : memref<!tpu.dma_semaphore, #tpu.memory_space<semaphore_mem>>
      %dma_start3A = arith.constant 0 : i32
      %dma_start3A_94 = tpu.memref_slice %arg7[%run_scoped3A_43, %dma_start3A] : memref<16x640xf32, #tpu.memory_space<vmem>> -> memref<1x640xf32, #tpu.memory_space<vmem>>
      %dma_start3A_95 = tpu.memref_squeeze %dma_start3A_94 : memref<1x640xf32, #tpu.memory_space<vmem>> -> memref<640xf32, #tpu.memory_space<vmem>>
      %dma_start3A_96 = tpu.memref_slice %arg9[%run_scoped3A_42, %mul3A_41] : memref<16x10240xf32, #tpu.memory_space<vmem_shared>> -> memref<1x640xf32, #tpu.memory_space<vmem_shared>>
      %dma_start3A_97 = tpu.memref_squeeze %dma_start3A_96 : memref<1x640xf32, #tpu.memory_space<vmem_shared>> -> memref<640xf32, #tpu.memory_space<vmem_shared>>
      %dma_start3A_98 = arith.constant 0 : i32
      %dma_start3A_99 = tpu.memref_slice %arg7[%run_scoped3A_43, %dma_start3A_98] : memref<16x640xf32, #tpu.memory_space<vmem>> -> memref<1x640xf32, #tpu.memory_space<vmem>>
      %dma_start3A_100 = tpu.memref_squeeze %dma_start3A_99 : memref<1x640xf32, #tpu.memory_space<vmem>> -> memref<640xf32, #tpu.memory_space<vmem>>
      %dma_start3A_101 = tpu.memref_slice %arg9[%run_scoped3A_42, %mul3A_41] : memref<16x10240xf32, #tpu.memory_space<vmem_shared>> -> memref<1x640xf32, #tpu.memory_space<vmem_shared>>
      %dma_start3A_102 = tpu.memref_squeeze %dma_start3A_101 : memref<1x640xf32, #tpu.memory_space<vmem_shared>> -> memref<640xf32, #tpu.memory_space<vmem_shared>>
      tpu.enqueue_dma source(%dma_start3A_102 : memref<640xf32, #tpu.memory_space<vmem_shared>>) target(%dma_start3A_100 : memref<640xf32, #tpu.memory_space<vmem>>) target_semaphore(%run_scoped3A_93 : memref<!tpu.dma_semaphore, #tpu.memory_space<semaphore_mem>>)
      %dma_wait3A = arith.constant 0 : i32
      %dma_wait3A_103 = tpu.memref_slice %arg7[%run_scoped3A_43, %dma_wait3A] : memref<16x640xf32, #tpu.memory_space<vmem>> -> memref<1x640xf32, #tpu.memory_space<vmem>>
      %dma_wait3A_104 = tpu.memref_squeeze %dma_wait3A_103 : memref<1x640xf32, #tpu.memory_space<vmem>> -> memref<640xf32, #tpu.memory_space<vmem>>
      %dma_wait3A_105 = tpu.memref_slice %arg9[%run_scoped3A_42, %mul3A_41] : memref<16x10240xf32, #tpu.memory_space<vmem_shared>> -> memref<1x640xf32, #tpu.memory_space<vmem_shared>>
      %dma_wait3A_106 = tpu.memref_squeeze %dma_wait3A_105 : memref<1x640xf32, #tpu.memory_space<vmem_shared>> -> memref<640xf32, #tpu.memory_space<vmem_shared>>
      %dma_wait3A_107 = arith.constant 0 : i32
      %dma_wait3A_108 = tpu.memref_slice %arg7[%run_scoped3A_43, %dma_wait3A_107] : memref<16x640xf32, #tpu.memory_space<vmem>> -> memref<1x640xf32, #tpu.memory_space<vmem>>
      %dma_wait3A_109 = tpu.memref_squeeze %dma_wait3A_108 : memref<1x640xf32, #tpu.memory_space<vmem>> -> memref<640xf32, #tpu.memory_space<vmem>>
      %dma_wait3A_110 = tpu.memref_slice %arg9[%run_scoped3A_42, %mul3A_41] : memref<16x10240xf32, #tpu.memory_space<vmem_shared>> -> memref<1x640xf32, #tpu.memory_space<vmem_shared>>
      %dma_wait3A_111 = tpu.memref_squeeze %dma_wait3A_110 : memref<1x640xf32, #tpu.memory_space<vmem_shared>> -> memref<640xf32, #tpu.memory_space<vmem_shared>>
      tpu.wait_dma2 semaphore(%run_scoped3A_93 : memref<!tpu.dma_semaphore, #tpu.memory_space<semaphore_mem>>) src(%dma_wait3A_111 : memref<640xf32, #tpu.memory_space<vmem_shared>>) dst(%dma_wait3A_109 : memref<640xf32, #tpu.memory_space<vmem>>)
      tpu.yield
    }) : () -> ()
    %mul3A_44 = arith.constant 640 : i32
    %mul3A_45 = arith.muli %arg1, %mul3A_44 : i32
    %run_scoped3A_46 = arith.constant 7 : i32
    %run_scoped3A_47 = arith.constant 7 : i32
    "tpu.region"() ({
      %run_scoped3A_93 = tpu.sem_alloc : memref<!tpu.dma_semaphore, #tpu.memory_space<semaphore_mem>>
      %dma_start3A = arith.constant 0 : i32
      %dma_start3A_94 = tpu.memref_slice %arg7[%run_scoped3A_47, %dma_start3A] : memref<16x640xf32, #tpu.memory_space<vmem>> -> memref<1x640xf32, #tpu.memory_space<vmem>>
      %dma_start3A_95 = tpu.memref_squeeze %dma_start3A_94 : memref<1x640xf32, #tpu.memory_space<vmem>> -> memref<640xf32, #tpu.memory_space<vmem>>
      %dma_start3A_96 = tpu.memref_slice %arg9[%run_scoped3A_46, %mul3A_45] : memref<16x10240xf32, #tpu.memory_space<vmem_shared>> -> memref<1x640xf32, #tpu.memory_space<vmem_shared>>
      %dma_start3A_97 = tpu.memref_squeeze %dma_start3A_96 : memref<1x640xf32, #tpu.memory_space<vmem_shared>> -> memref<640xf32, #tpu.memory_space<vmem_shared>>
      %dma_start3A_98 = arith.constant 0 : i32
      %dma_start3A_99 = tpu.memref_slice %arg7[%run_scoped3A_47, %dma_start3A_98] : memref<16x640xf32, #tpu.memory_space<vmem>> -> memref<1x640xf32, #tpu.memory_space<vmem>>
      %dma_start3A_100 = tpu.memref_squeeze %dma_start3A_99 : memref<1x640xf32, #tpu.memory_space<vmem>> -> memref<640xf32, #tpu.memory_space<vmem>>
      %dma_start3A_101 = tpu.memref_slice %arg9[%run_scoped3A_46, %mul3A_45] : memref<16x10240xf32, #tpu.memory_space<vmem_shared>> -> memref<1x640xf32, #tpu.memory_space<vmem_shared>>
      %dma_start3A_102 = tpu.memref_squeeze %dma_start3A_101 : memref<1x640xf32, #tpu.memory_space<vmem_shared>> -> memref<640xf32, #tpu.memory_space<vmem_shared>>
      tpu.enqueue_dma source(%dma_start3A_102 : memref<640xf32, #tpu.memory_space<vmem_shared>>) target(%dma_start3A_100 : memref<640xf32, #tpu.memory_space<vmem>>) target_semaphore(%run_scoped3A_93 : memref<!tpu.dma_semaphore, #tpu.memory_space<semaphore_mem>>)
      %dma_wait3A = arith.constant 0 : i32
      %dma_wait3A_103 = tpu.memref_slice %arg7[%run_scoped3A_47, %dma_wait3A] : memref<16x640xf32, #tpu.memory_space<vmem>> -> memref<1x640xf32, #tpu.memory_space<vmem>>
      %dma_wait3A_104 = tpu.memref_squeeze %dma_wait3A_103 : memref<1x640xf32, #tpu.memory_space<vmem>> -> memref<640xf32, #tpu.memory_space<vmem>>
      %dma_wait3A_105 = tpu.memref_slice %arg9[%run_scoped3A_46, %mul3A_45] : memref<16x10240xf32, #tpu.memory_space<vmem_shared>> -> memref<1x640xf32, #tpu.memory_space<vmem_shared>>
      %dma_wait3A_106 = tpu.memref_squeeze %dma_wait3A_105 : memref<1x640xf32, #tpu.memory_space<vmem_shared>> -> memref<640xf32, #tpu.memory_space<vmem_shared>>
      %dma_wait3A_107 = arith.constant 0 : i32
      %dma_wait3A_108 = tpu.memref_slice %arg7[%run_scoped3A_47, %dma_wait3A_107] : memref<16x640xf32, #tpu.memory_space<vmem>> -> memref<1x640xf32, #tpu.memory_space<vmem>>
      %dma_wait3A_109 = tpu.memref_squeeze %dma_wait3A_108 : memref<1x640xf32, #tpu.memory_space<vmem>> -> memref<640xf32, #tpu.memory_space<vmem>>
      %dma_wait3A_110 = tpu.memref_slice %arg9[%run_scoped3A_46, %mul3A_45] : memref<16x10240xf32, #tpu.memory_space<vmem_shared>> -> memref<1x640xf32, #tpu.memory_space<vmem_shared>>
      %dma_wait3A_111 = tpu.memref_squeeze %dma_wait3A_110 : memref<1x640xf32, #tpu.memory_space<vmem_shared>> -> memref<640xf32, #tpu.memory_space<vmem_shared>>
      tpu.wait_dma2 semaphore(%run_scoped3A_93 : memref<!tpu.dma_semaphore, #tpu.memory_space<semaphore_mem>>) src(%dma_wait3A_111 : memref<640xf32, #tpu.memory_space<vmem_shared>>) dst(%dma_wait3A_109 : memref<640xf32, #tpu.memory_space<vmem>>)
      tpu.yield
    }) : () -> ()
    %mul3A_48 = arith.constant 640 : i32
    %mul3A_49 = arith.muli %arg1, %mul3A_48 : i32
    %run_scoped3A_50 = arith.constant 8 : i32
    %run_scoped3A_51 = arith.constant 8 : i32
    "tpu.region"() ({
      %run_scoped3A_93 = tpu.sem_alloc : memref<!tpu.dma_semaphore, #tpu.memory_space<semaphore_mem>>
      %dma_start3A = arith.constant 0 : i32
      %dma_start3A_94 = tpu.memref_slice %arg7[%run_scoped3A_51, %dma_start3A] : memref<16x640xf32, #tpu.memory_space<vmem>> -> memref<1x640xf32, #tpu.memory_space<vmem>>
      %dma_start3A_95 = tpu.memref_squeeze %dma_start3A_94 : memref<1x640xf32, #tpu.memory_space<vmem>> -> memref<640xf32, #tpu.memory_space<vmem>>
      %dma_start3A_96 = tpu.memref_slice %arg9[%run_scoped3A_50, %mul3A_49] : memref<16x10240xf32, #tpu.memory_space<vmem_shared>> -> memref<1x640xf32, #tpu.memory_space<vmem_shared>>
      %dma_start3A_97 = tpu.memref_squeeze %dma_start3A_96 : memref<1x640xf32, #tpu.memory_space<vmem_shared>> -> memref<640xf32, #tpu.memory_space<vmem_shared>>
      %dma_start3A_98 = arith.constant 0 : i32
      %dma_start3A_99 = tpu.memref_slice %arg7[%run_scoped3A_51, %dma_start3A_98] : memref<16x640xf32, #tpu.memory_space<vmem>> -> memref<1x640xf32, #tpu.memory_space<vmem>>
      %dma_start3A_100 = tpu.memref_squeeze %dma_start3A_99 : memref<1x640xf32, #tpu.memory_space<vmem>> -> memref<640xf32, #tpu.memory_space<vmem>>
      %dma_start3A_101 = tpu.memref_slice %arg9[%run_scoped3A_50, %mul3A_49] : memref<16x10240xf32, #tpu.memory_space<vmem_shared>> -> memref<1x640xf32, #tpu.memory_space<vmem_shared>>
      %dma_start3A_102 = tpu.memref_squeeze %dma_start3A_101 : memref<1x640xf32, #tpu.memory_space<vmem_shared>> -> memref<640xf32, #tpu.memory_space<vmem_shared>>
      tpu.enqueue_dma source(%dma_start3A_102 : memref<640xf32, #tpu.memory_space<vmem_shared>>) target(%dma_start3A_100 : memref<640xf32, #tpu.memory_space<vmem>>) target_semaphore(%run_scoped3A_93 : memref<!tpu.dma_semaphore, #tpu.memory_space<semaphore_mem>>)
      %dma_wait3A = arith.constant 0 : i32
      %dma_wait3A_103 = tpu.memref_slice %arg7[%run_scoped3A_51, %dma_wait3A] : memref<16x640xf32, #tpu.memory_space<vmem>> -> memref<1x640xf32, #tpu.memory_space<vmem>>
      %dma_wait3A_104 = tpu.memref_squeeze %dma_wait3A_103 : memref<1x640xf32, #tpu.memory_space<vmem>> -> memref<640xf32, #tpu.memory_space<vmem>>
      %dma_wait3A_105 = tpu.memref_slice %arg9[%run_scoped3A_50, %mul3A_49] : memref<16x10240xf32, #tpu.memory_space<vmem_shared>> -> memref<1x640xf32, #tpu.memory_space<vmem_shared>>
      %dma_wait3A_106 = tpu.memref_squeeze %dma_wait3A_105 : memref<1x640xf32, #tpu.memory_space<vmem_shared>> -> memref<640xf32, #tpu.memory_space<vmem_shared>>
      %dma_wait3A_107 = arith.constant 0 : i32
      %dma_wait3A_108 = tpu.memref_slice %arg7[%run_scoped3A_51, %dma_wait3A_107] : memref<16x640xf32, #tpu.memory_space<vmem>> -> memref<1x640xf32, #tpu.memory_space<vmem>>
      %dma_wait3A_109 = tpu.memref_squeeze %dma_wait3A_108 : memref<1x640xf32, #tpu.memory_space<vmem>> -> memref<640xf32, #tpu.memory_space<vmem>>
      %dma_wait3A_110 = tpu.memref_slice %arg9[%run_scoped3A_50, %mul3A_49] : memref<16x10240xf32, #tpu.memory_space<vmem_shared>> -> memref<1x640xf32, #tpu.memory_space<vmem_shared>>
      %dma_wait3A_111 = tpu.memref_squeeze %dma_wait3A_110 : memref<1x640xf32, #tpu.memory_space<vmem_shared>> -> memref<640xf32, #tpu.memory_space<vmem_shared>>
      tpu.wait_dma2 semaphore(%run_scoped3A_93 : memref<!tpu.dma_semaphore, #tpu.memory_space<semaphore_mem>>) src(%dma_wait3A_111 : memref<640xf32, #tpu.memory_space<vmem_shared>>) dst(%dma_wait3A_109 : memref<640xf32, #tpu.memory_space<vmem>>)
      tpu.yield
    }) : () -> ()
    %mul3A_52 = arith.constant 640 : i32
    %mul3A_53 = arith.muli %arg1, %mul3A_52 : i32
    %run_scoped3A_54 = arith.constant 9 : i32
    %run_scoped3A_55 = arith.constant 9 : i32
    "tpu.region"() ({
      %run_scoped3A_93 = tpu.sem_alloc : memref<!tpu.dma_semaphore, #tpu.memory_space<semaphore_mem>>
      %dma_start3A = arith.constant 0 : i32
      %dma_start3A_94 = tpu.memref_slice %arg7[%run_scoped3A_55, %dma_start3A] : memref<16x640xf32, #tpu.memory_space<vmem>> -> memref<1x640xf32, #tpu.memory_space<vmem>>
      %dma_start3A_95 = tpu.memref_squeeze %dma_start3A_94 : memref<1x640xf32, #tpu.memory_space<vmem>> -> memref<640xf32, #tpu.memory_space<vmem>>
      %dma_start3A_96 = tpu.memref_slice %arg9[%run_scoped3A_54, %mul3A_53] : memref<16x10240xf32, #tpu.memory_space<vmem_shared>> -> memref<1x640xf32, #tpu.memory_space<vmem_shared>>
      %dma_start3A_97 = tpu.memref_squeeze %dma_start3A_96 : memref<1x640xf32, #tpu.memory_space<vmem_shared>> -> memref<640xf32, #tpu.memory_space<vmem_shared>>
      %dma_start3A_98 = arith.constant 0 : i32
      %dma_start3A_99 = tpu.memref_slice %arg7[%run_scoped3A_55, %dma_start3A_98] : memref<16x640xf32, #tpu.memory_space<vmem>> -> memref<1x640xf32, #tpu.memory_space<vmem>>
      %dma_start3A_100 = tpu.memref_squeeze %dma_start3A_99 : memref<1x640xf32, #tpu.memory_space<vmem>> -> memref<640xf32, #tpu.memory_space<vmem>>
      %dma_start3A_101 = tpu.memref_slice %arg9[%run_scoped3A_54, %mul3A_53] : memref<16x10240xf32, #tpu.memory_space<vmem_shared>> -> memref<1x640xf32, #tpu.memory_space<vmem_shared>>
      %dma_start3A_102 = tpu.memref_squeeze %dma_start3A_101 : memref<1x640xf32, #tpu.memory_space<vmem_shared>> -> memref<640xf32, #tpu.memory_space<vmem_shared>>
      tpu.enqueue_dma source(%dma_start3A_102 : memref<640xf32, #tpu.memory_space<vmem_shared>>) target(%dma_start3A_100 : memref<640xf32, #tpu.memory_space<vmem>>) target_semaphore(%run_scoped3A_93 : memref<!tpu.dma_semaphore, #tpu.memory_space<semaphore_mem>>)
      %dma_wait3A = arith.constant 0 : i32
      %dma_wait3A_103 = tpu.memref_slice %arg7[%run_scoped3A_55, %dma_wait3A] : memref<16x640xf32, #tpu.memory_space<vmem>> -> memref<1x640xf32, #tpu.memory_space<vmem>>
      %dma_wait3A_104 = tpu.memref_squeeze %dma_wait3A_103 : memref<1x640xf32, #tpu.memory_space<vmem>> -> memref<640xf32, #tpu.memory_space<vmem>>
      %dma_wait3A_105 = tpu.memref_slice %arg9[%run_scoped3A_54, %mul3A_53] : memref<16x10240xf32, #tpu.memory_space<vmem_shared>> -> memref<1x640xf32, #tpu.memory_space<vmem_shared>>
      %dma_wait3A_106 = tpu.memref_squeeze %dma_wait3A_105 : memref<1x640xf32, #tpu.memory_space<vmem_shared>> -> memref<640xf32, #tpu.memory_space<vmem_shared>>
      %dma_wait3A_107 = arith.constant 0 : i32
      %dma_wait3A_108 = tpu.memref_slice %arg7[%run_scoped3A_55, %dma_wait3A_107] : memref<16x640xf32, #tpu.memory_space<vmem>> -> memref<1x640xf32, #tpu.memory_space<vmem>>
      %dma_wait3A_109 = tpu.memref_squeeze %dma_wait3A_108 : memref<1x640xf32, #tpu.memory_space<vmem>> -> memref<640xf32, #tpu.memory_space<vmem>>
      %dma_wait3A_110 = tpu.memref_slice %arg9[%run_scoped3A_54, %mul3A_53] : memref<16x10240xf32, #tpu.memory_space<vmem_shared>> -> memref<1x640xf32, #tpu.memory_space<vmem_shared>>
      %dma_wait3A_111 = tpu.memref_squeeze %dma_wait3A_110 : memref<1x640xf32, #tpu.memory_space<vmem_shared>> -> memref<640xf32, #tpu.memory_space<vmem_shared>>
      tpu.wait_dma2 semaphore(%run_scoped3A_93 : memref<!tpu.dma_semaphore, #tpu.memory_space<semaphore_mem>>) src(%dma_wait3A_111 : memref<640xf32, #tpu.memory_space<vmem_shared>>) dst(%dma_wait3A_109 : memref<640xf32, #tpu.memory_space<vmem>>)
      tpu.yield
    }) : () -> ()
    %mul3A_56 = arith.constant 640 : i32
    %mul3A_57 = arith.muli %arg1, %mul3A_56 : i32
    %run_scoped3A_58 = arith.constant 10 : i32
    %run_scoped3A_59 = arith.constant 10 : i32
    "tpu.region"() ({
      %run_scoped3A_93 = tpu.sem_alloc : memref<!tpu.dma_semaphore, #tpu.memory_space<semaphore_mem>>
      %dma_start3A = arith.constant 0 : i32
      %dma_start3A_94 = tpu.memref_slice %arg7[%run_scoped3A_59, %dma_start3A] : memref<16x640xf32, #tpu.memory_space<vmem>> -> memref<1x640xf32, #tpu.memory_space<vmem>>
      %dma_start3A_95 = tpu.memref_squeeze %dma_start3A_94 : memref<1x640xf32, #tpu.memory_space<vmem>> -> memref<640xf32, #tpu.memory_space<vmem>>
      %dma_start3A_96 = tpu.memref_slice %arg9[%run_scoped3A_58, %mul3A_57] : memref<16x10240xf32, #tpu.memory_space<vmem_shared>> -> memref<1x640xf32, #tpu.memory_space<vmem_shared>>
      %dma_start3A_97 = tpu.memref_squeeze %dma_start3A_96 : memref<1x640xf32, #tpu.memory_space<vmem_shared>> -> memref<640xf32, #tpu.memory_space<vmem_shared>>
      %dma_start3A_98 = arith.constant 0 : i32
      %dma_start3A_99 = tpu.memref_slice %arg7[%run_scoped3A_59, %dma_start3A_98] : memref<16x640xf32, #tpu.memory_space<vmem>> -> memref<1x640xf32, #tpu.memory_space<vmem>>
      %dma_start3A_100 = tpu.memref_squeeze %dma_start3A_99 : memref<1x640xf32, #tpu.memory_space<vmem>> -> memref<640xf32, #tpu.memory_space<vmem>>
      %dma_start3A_101 = tpu.memref_slice %arg9[%run_scoped3A_58, %mul3A_57] : memref<16x10240xf32, #tpu.memory_space<vmem_shared>> -> memref<1x640xf32, #tpu.memory_space<vmem_shared>>
      %dma_start3A_102 = tpu.memref_squeeze %dma_start3A_101 : memref<1x640xf32, #tpu.memory_space<vmem_shared>> -> memref<640xf32, #tpu.memory_space<vmem_shared>>
      tpu.enqueue_dma source(%dma_start3A_102 : memref<640xf32, #tpu.memory_space<vmem_shared>>) target(%dma_start3A_100 : memref<640xf32, #tpu.memory_space<vmem>>) target_semaphore(%run_scoped3A_93 : memref<!tpu.dma_semaphore, #tpu.memory_space<semaphore_mem>>)
      %dma_wait3A = arith.constant 0 : i32
      %dma_wait3A_103 = tpu.memref_slice %arg7[%run_scoped3A_59, %dma_wait3A] : memref<16x640xf32, #tpu.memory_space<vmem>> -> memref<1x640xf32, #tpu.memory_space<vmem>>
      %dma_wait3A_104 = tpu.memref_squeeze %dma_wait3A_103 : memref<1x640xf32, #tpu.memory_space<vmem>> -> memref<640xf32, #tpu.memory_space<vmem>>
      %dma_wait3A_105 = tpu.memref_slice %arg9[%run_scoped3A_58, %mul3A_57] : memref<16x10240xf32, #tpu.memory_space<vmem_shared>> -> memref<1x640xf32, #tpu.memory_space<vmem_shared>>
      %dma_wait3A_106 = tpu.memref_squeeze %dma_wait3A_105 : memref<1x640xf32, #tpu.memory_space<vmem_shared>> -> memref<640xf32, #tpu.memory_space<vmem_shared>>
      %dma_wait3A_107 = arith.constant 0 : i32
      %dma_wait3A_108 = tpu.memref_slice %arg7[%run_scoped3A_59, %dma_wait3A_107] : memref<16x640xf32, #tpu.memory_space<vmem>> -> memref<1x640xf32, #tpu.memory_space<vmem>>
      %dma_wait3A_109 = tpu.memref_squeeze %dma_wait3A_108 : memref<1x640xf32, #tpu.memory_space<vmem>> -> memref<640xf32, #tpu.memory_space<vmem>>
      %dma_wait3A_110 = tpu.memref_slice %arg9[%run_scoped3A_58, %mul3A_57] : memref<16x10240xf32, #tpu.memory_space<vmem_shared>> -> memref<1x640xf32, #tpu.memory_space<vmem_shared>>
      %dma_wait3A_111 = tpu.memref_squeeze %dma_wait3A_110 : memref<1x640xf32, #tpu.memory_space<vmem_shared>> -> memref<640xf32, #tpu.memory_space<vmem_shared>>
      tpu.wait_dma2 semaphore(%run_scoped3A_93 : memref<!tpu.dma_semaphore, #tpu.memory_space<semaphore_mem>>) src(%dma_wait3A_111 : memref<640xf32, #tpu.memory_space<vmem_shared>>) dst(%dma_wait3A_109 : memref<640xf32, #tpu.memory_space<vmem>>)
      tpu.yield
    }) : () -> ()
    %mul3A_60 = arith.constant 640 : i32
    %mul3A_61 = arith.muli %arg1, %mul3A_60 : i32
    %run_scoped3A_62 = arith.constant 11 : i32
    %run_scoped3A_63 = arith.constant 11 : i32
    "tpu.region"() ({
      %run_scoped3A_93 = tpu.sem_alloc : memref<!tpu.dma_semaphore, #tpu.memory_space<semaphore_mem>>
      %dma_start3A = arith.constant 0 : i32
      %dma_start3A_94 = tpu.memref_slice %arg7[%run_scoped3A_63, %dma_start3A] : memref<16x640xf32, #tpu.memory_space<vmem>> -> memref<1x640xf32, #tpu.memory_space<vmem>>
      %dma_start3A_95 = tpu.memref_squeeze %dma_start3A_94 : memref<1x640xf32, #tpu.memory_space<vmem>> -> memref<640xf32, #tpu.memory_space<vmem>>
      %dma_start3A_96 = tpu.memref_slice %arg9[%run_scoped3A_62, %mul3A_61] : memref<16x10240xf32, #tpu.memory_space<vmem_shared>> -> memref<1x640xf32, #tpu.memory_space<vmem_shared>>
      %dma_start3A_97 = tpu.memref_squeeze %dma_start3A_96 : memref<1x640xf32, #tpu.memory_space<vmem_shared>> -> memref<640xf32, #tpu.memory_space<vmem_shared>>
      %dma_start3A_98 = arith.constant 0 : i32
      %dma_start3A_99 = tpu.memref_slice %arg7[%run_scoped3A_63, %dma_start3A_98] : memref<16x640xf32, #tpu.memory_space<vmem>> -> memref<1x640xf32, #tpu.memory_space<vmem>>
      %dma_start3A_100 = tpu.memref_squeeze %dma_start3A_99 : memref<1x640xf32, #tpu.memory_space<vmem>> -> memref<640xf32, #tpu.memory_space<vmem>>
      %dma_start3A_101 = tpu.memref_slice %arg9[%run_scoped3A_62, %mul3A_61] : memref<16x10240xf32, #tpu.memory_space<vmem_shared>> -> memref<1x640xf32, #tpu.memory_space<vmem_shared>>
      %dma_start3A_102 = tpu.memref_squeeze %dma_start3A_101 : memref<1x640xf32, #tpu.memory_space<vmem_shared>> -> memref<640xf32, #tpu.memory_space<vmem_shared>>
      tpu.enqueue_dma source(%dma_start3A_102 : memref<640xf32, #tpu.memory_space<vmem_shared>>) target(%dma_start3A_100 : memref<640xf32, #tpu.memory_space<vmem>>) target_semaphore(%run_scoped3A_93 : memref<!tpu.dma_semaphore, #tpu.memory_space<semaphore_mem>>)
      %dma_wait3A = arith.constant 0 : i32
      %dma_wait3A_103 = tpu.memref_slice %arg7[%run_scoped3A_63, %dma_wait3A] : memref<16x640xf32, #tpu.memory_space<vmem>> -> memref<1x640xf32, #tpu.memory_space<vmem>>
      %dma_wait3A_104 = tpu.memref_squeeze %dma_wait3A_103 : memref<1x640xf32, #tpu.memory_space<vmem>> -> memref<640xf32, #tpu.memory_space<vmem>>
      %dma_wait3A_105 = tpu.memref_slice %arg9[%run_scoped3A_62, %mul3A_61] : memref<16x10240xf32, #tpu.memory_space<vmem_shared>> -> memref<1x640xf32, #tpu.memory_space<vmem_shared>>
      %dma_wait3A_106 = tpu.memref_squeeze %dma_wait3A_105 : memref<1x640xf32, #tpu.memory_space<vmem_shared>> -> memref<640xf32, #tpu.memory_space<vmem_shared>>
      %dma_wait3A_107 = arith.constant 0 : i32
      %dma_wait3A_108 = tpu.memref_slice %arg7[%run_scoped3A_63, %dma_wait3A_107] : memref<16x640xf32, #tpu.memory_space<vmem>> -> memref<1x640xf32, #tpu.memory_space<vmem>>
      %dma_wait3A_109 = tpu.memref_squeeze %dma_wait3A_108 : memref<1x640xf32, #tpu.memory_space<vmem>> -> memref<640xf32, #tpu.memory_space<vmem>>
      %dma_wait3A_110 = tpu.memref_slice %arg9[%run_scoped3A_62, %mul3A_61] : memref<16x10240xf32, #tpu.memory_space<vmem_shared>> -> memref<1x640xf32, #tpu.memory_space<vmem_shared>>
      %dma_wait3A_111 = tpu.memref_squeeze %dma_wait3A_110 : memref<1x640xf32, #tpu.memory_space<vmem_shared>> -> memref<640xf32, #tpu.memory_space<vmem_shared>>
      tpu.wait_dma2 semaphore(%run_scoped3A_93 : memref<!tpu.dma_semaphore, #tpu.memory_space<semaphore_mem>>) src(%dma_wait3A_111 : memref<640xf32, #tpu.memory_space<vmem_shared>>) dst(%dma_wait3A_109 : memref<640xf32, #tpu.memory_space<vmem>>)
      tpu.yield
    }) : () -> ()
    %mul3A_64 = arith.constant 640 : i32
    %mul3A_65 = arith.muli %arg1, %mul3A_64 : i32
    %run_scoped3A_66 = arith.constant 12 : i32
    %run_scoped3A_67 = arith.constant 12 : i32
    "tpu.region"() ({
      %run_scoped3A_93 = tpu.sem_alloc : memref<!tpu.dma_semaphore, #tpu.memory_space<semaphore_mem>>
      %dma_start3A = arith.constant 0 : i32
      %dma_start3A_94 = tpu.memref_slice %arg7[%run_scoped3A_67, %dma_start3A] : memref<16x640xf32, #tpu.memory_space<vmem>> -> memref<1x640xf32, #tpu.memory_space<vmem>>
      %dma_start3A_95 = tpu.memref_squeeze %dma_start3A_94 : memref<1x640xf32, #tpu.memory_space<vmem>> -> memref<640xf32, #tpu.memory_space<vmem>>
      %dma_start3A_96 = tpu.memref_slice %arg9[%run_scoped3A_66, %mul3A_65] : memref<16x10240xf32, #tpu.memory_space<vmem_shared>> -> memref<1x640xf32, #tpu.memory_space<vmem_shared>>
      %dma_start3A_97 = tpu.memref_squeeze %dma_start3A_96 : memref<1x640xf32, #tpu.memory_space<vmem_shared>> -> memref<640xf32, #tpu.memory_space<vmem_shared>>
      %dma_start3A_98 = arith.constant 0 : i32
      %dma_start3A_99 = tpu.memref_slice %arg7[%run_scoped3A_67, %dma_start3A_98] : memref<16x640xf32, #tpu.memory_space<vmem>> -> memref<1x640xf32, #tpu.memory_space<vmem>>
      %dma_start3A_100 = tpu.memref_squeeze %dma_start3A_99 : memref<1x640xf32, #tpu.memory_space<vmem>> -> memref<640xf32, #tpu.memory_space<vmem>>
      %dma_start3A_101 = tpu.memref_slice %arg9[%run_scoped3A_66, %mul3A_65] : memref<16x10240xf32, #tpu.memory_space<vmem_shared>> -> memref<1x640xf32, #tpu.memory_space<vmem_shared>>
      %dma_start3A_102 = tpu.memref_squeeze %dma_start3A_101 : memref<1x640xf32, #tpu.memory_space<vmem_shared>> -> memref<640xf32, #tpu.memory_space<vmem_shared>>
      tpu.enqueue_dma source(%dma_start3A_102 : memref<640xf32, #tpu.memory_space<vmem_shared>>) target(%dma_start3A_100 : memref<640xf32, #tpu.memory_space<vmem>>) target_semaphore(%run_scoped3A_93 : memref<!tpu.dma_semaphore, #tpu.memory_space<semaphore_mem>>)
      %dma_wait3A = arith.constant 0 : i32
      %dma_wait3A_103 = tpu.memref_slice %arg7[%run_scoped3A_67, %dma_wait3A] : memref<16x640xf32, #tpu.memory_space<vmem>> -> memref<1x640xf32, #tpu.memory_space<vmem>>
      %dma_wait3A_104 = tpu.memref_squeeze %dma_wait3A_103 : memref<1x640xf32, #tpu.memory_space<vmem>> -> memref<640xf32, #tpu.memory_space<vmem>>
      %dma_wait3A_105 = tpu.memref_slice %arg9[%run_scoped3A_66, %mul3A_65] : memref<16x10240xf32, #tpu.memory_space<vmem_shared>> -> memref<1x640xf32, #tpu.memory_space<vmem_shared>>
      %dma_wait3A_106 = tpu.memref_squeeze %dma_wait3A_105 : memref<1x640xf32, #tpu.memory_space<vmem_shared>> -> memref<640xf32, #tpu.memory_space<vmem_shared>>
      %dma_wait3A_107 = arith.constant 0 : i32
      %dma_wait3A_108 = tpu.memref_slice %arg7[%run_scoped3A_67, %dma_wait3A_107] : memref<16x640xf32, #tpu.memory_space<vmem>> -> memref<1x640xf32, #tpu.memory_space<vmem>>
      %dma_wait3A_109 = tpu.memref_squeeze %dma_wait3A_108 : memref<1x640xf32, #tpu.memory_space<vmem>> -> memref<640xf32, #tpu.memory_space<vmem>>
      %dma_wait3A_110 = tpu.memref_slice %arg9[%run_scoped3A_66, %mul3A_65] : memref<16x10240xf32, #tpu.memory_space<vmem_shared>> -> memref<1x640xf32, #tpu.memory_space<vmem_shared>>
      %dma_wait3A_111 = tpu.memref_squeeze %dma_wait3A_110 : memref<1x640xf32, #tpu.memory_space<vmem_shared>> -> memref<640xf32, #tpu.memory_space<vmem_shared>>
      tpu.wait_dma2 semaphore(%run_scoped3A_93 : memref<!tpu.dma_semaphore, #tpu.memory_space<semaphore_mem>>) src(%dma_wait3A_111 : memref<640xf32, #tpu.memory_space<vmem_shared>>) dst(%dma_wait3A_109 : memref<640xf32, #tpu.memory_space<vmem>>)
      tpu.yield
    }) : () -> ()
    %mul3A_68 = arith.constant 640 : i32
    %mul3A_69 = arith.muli %arg1, %mul3A_68 : i32
    %run_scoped3A_70 = arith.constant 13 : i32
    %run_scoped3A_71 = arith.constant 13 : i32
    "tpu.region"() ({
      %run_scoped3A_93 = tpu.sem_alloc : memref<!tpu.dma_semaphore, #tpu.memory_space<semaphore_mem>>
      %dma_start3A = arith.constant 0 : i32
      %dma_start3A_94 = tpu.memref_slice %arg7[%run_scoped3A_71, %dma_start3A] : memref<16x640xf32, #tpu.memory_space<vmem>> -> memref<1x640xf32, #tpu.memory_space<vmem>>
      %dma_start3A_95 = tpu.memref_squeeze %dma_start3A_94 : memref<1x640xf32, #tpu.memory_space<vmem>> -> memref<640xf32, #tpu.memory_space<vmem>>
      %dma_start3A_96 = tpu.memref_slice %arg9[%run_scoped3A_70, %mul3A_69] : memref<16x10240xf32, #tpu.memory_space<vmem_shared>> -> memref<1x640xf32, #tpu.memory_space<vmem_shared>>
      %dma_start3A_97 = tpu.memref_squeeze %dma_start3A_96 : memref<1x640xf32, #tpu.memory_space<vmem_shared>> -> memref<640xf32, #tpu.memory_space<vmem_shared>>
      %dma_start3A_98 = arith.constant 0 : i32
      %dma_start3A_99 = tpu.memref_slice %arg7[%run_scoped3A_71, %dma_start3A_98] : memref<16x640xf32, #tpu.memory_space<vmem>> -> memref<1x640xf32, #tpu.memory_space<vmem>>
      %dma_start3A_100 = tpu.memref_squeeze %dma_start3A_99 : memref<1x640xf32, #tpu.memory_space<vmem>> -> memref<640xf32, #tpu.memory_space<vmem>>
      %dma_start3A_101 = tpu.memref_slice %arg9[%run_scoped3A_70, %mul3A_69] : memref<16x10240xf32, #tpu.memory_space<vmem_shared>> -> memref<1x640xf32, #tpu.memory_space<vmem_shared>>
      %dma_start3A_102 = tpu.memref_squeeze %dma_start3A_101 : memref<1x640xf32, #tpu.memory_space<vmem_shared>> -> memref<640xf32, #tpu.memory_space<vmem_shared>>
      tpu.enqueue_dma source(%dma_start3A_102 : memref<640xf32, #tpu.memory_space<vmem_shared>>) target(%dma_start3A_100 : memref<640xf32, #tpu.memory_space<vmem>>) target_semaphore(%run_scoped3A_93 : memref<!tpu.dma_semaphore, #tpu.memory_space<semaphore_mem>>)
      %dma_wait3A = arith.constant 0 : i32
      %dma_wait3A_103 = tpu.memref_slice %arg7[%run_scoped3A_71, %dma_wait3A] : memref<16x640xf32, #tpu.memory_space<vmem>> -> memref<1x640xf32, #tpu.memory_space<vmem>>
      %dma_wait3A_104 = tpu.memref_squeeze %dma_wait3A_103 : memref<1x640xf32, #tpu.memory_space<vmem>> -> memref<640xf32, #tpu.memory_space<vmem>>
      %dma_wait3A_105 = tpu.memref_slice %arg9[%run_scoped3A_70, %mul3A_69] : memref<16x10240xf32, #tpu.memory_space<vmem_shared>> -> memref<1x640xf32, #tpu.memory_space<vmem_shared>>
      %dma_wait3A_106 = tpu.memref_squeeze %dma_wait3A_105 : memref<1x640xf32, #tpu.memory_space<vmem_shared>> -> memref<640xf32, #tpu.memory_space<vmem_shared>>
      %dma_wait3A_107 = arith.constant 0 : i32
      %dma_wait3A_108 = tpu.memref_slice %arg7[%run_scoped3A_71, %dma_wait3A_107] : memref<16x640xf32, #tpu.memory_space<vmem>> -> memref<1x640xf32, #tpu.memory_space<vmem>>
      %dma_wait3A_109 = tpu.memref_squeeze %dma_wait3A_108 : memref<1x640xf32, #tpu.memory_space<vmem>> -> memref<640xf32, #tpu.memory_space<vmem>>
      %dma_wait3A_110 = tpu.memref_slice %arg9[%run_scoped3A_70, %mul3A_69] : memref<16x10240xf32, #tpu.memory_space<vmem_shared>> -> memref<1x640xf32, #tpu.memory_space<vmem_shared>>
      %dma_wait3A_111 = tpu.memref_squeeze %dma_wait3A_110 : memref<1x640xf32, #tpu.memory_space<vmem_shared>> -> memref<640xf32, #tpu.memory_space<vmem_shared>>
      tpu.wait_dma2 semaphore(%run_scoped3A_93 : memref<!tpu.dma_semaphore, #tpu.memory_space<semaphore_mem>>) src(%dma_wait3A_111 : memref<640xf32, #tpu.memory_space<vmem_shared>>) dst(%dma_wait3A_109 : memref<640xf32, #tpu.memory_space<vmem>>)
      tpu.yield
    }) : () -> ()
    %mul3A_72 = arith.constant 640 : i32
    %mul3A_73 = arith.muli %arg1, %mul3A_72 : i32
    %run_scoped3A_74 = arith.constant 14 : i32
    %run_scoped3A_75 = arith.constant 14 : i32
    "tpu.region"() ({
      %run_scoped3A_93 = tpu.sem_alloc : memref<!tpu.dma_semaphore, #tpu.memory_space<semaphore_mem>>
      %dma_start3A = arith.constant 0 : i32
      %dma_start3A_94 = tpu.memref_slice %arg7[%run_scoped3A_75, %dma_start3A] : memref<16x640xf32, #tpu.memory_space<vmem>> -> memref<1x640xf32, #tpu.memory_space<vmem>>
      %dma_start3A_95 = tpu.memref_squeeze %dma_start3A_94 : memref<1x640xf32, #tpu.memory_space<vmem>> -> memref<640xf32, #tpu.memory_space<vmem>>
      %dma_start3A_96 = tpu.memref_slice %arg9[%run_scoped3A_74, %mul3A_73] : memref<16x10240xf32, #tpu.memory_space<vmem_shared>> -> memref<1x640xf32, #tpu.memory_space<vmem_shared>>
      %dma_start3A_97 = tpu.memref_squeeze %dma_start3A_96 : memref<1x640xf32, #tpu.memory_space<vmem_shared>> -> memref<640xf32, #tpu.memory_space<vmem_shared>>
      %dma_start3A_98 = arith.constant 0 : i32
      %dma_start3A_99 = tpu.memref_slice %arg7[%run_scoped3A_75, %dma_start3A_98] : memref<16x640xf32, #tpu.memory_space<vmem>> -> memref<1x640xf32, #tpu.memory_space<vmem>>
      %dma_start3A_100 = tpu.memref_squeeze %dma_start3A_99 : memref<1x640xf32, #tpu.memory_space<vmem>> -> memref<640xf32, #tpu.memory_space<vmem>>
      %dma_start3A_101 = tpu.memref_slice %arg9[%run_scoped3A_74, %mul3A_73] : memref<16x10240xf32, #tpu.memory_space<vmem_shared>> -> memref<1x640xf32, #tpu.memory_space<vmem_shared>>
      %dma_start3A_102 = tpu.memref_squeeze %dma_start3A_101 : memref<1x640xf32, #tpu.memory_space<vmem_shared>> -> memref<640xf32, #tpu.memory_space<vmem_shared>>
      tpu.enqueue_dma source(%dma_start3A_102 : memref<640xf32, #tpu.memory_space<vmem_shared>>) target(%dma_start3A_100 : memref<640xf32, #tpu.memory_space<vmem>>) target_semaphore(%run_scoped3A_93 : memref<!tpu.dma_semaphore, #tpu.memory_space<semaphore_mem>>)
      %dma_wait3A = arith.constant 0 : i32
      %dma_wait3A_103 = tpu.memref_slice %arg7[%run_scoped3A_75, %dma_wait3A] : memref<16x640xf32, #tpu.memory_space<vmem>> -> memref<1x640xf32, #tpu.memory_space<vmem>>
      %dma_wait3A_104 = tpu.memref_squeeze %dma_wait3A_103 : memref<1x640xf32, #tpu.memory_space<vmem>> -> memref<640xf32, #tpu.memory_space<vmem>>
      %dma_wait3A_105 = tpu.memref_slice %arg9[%run_scoped3A_74, %mul3A_73] : memref<16x10240xf32, #tpu.memory_space<vmem_shared>> -> memref<1x640xf32, #tpu.memory_space<vmem_shared>>
      %dma_wait3A_106 = tpu.memref_squeeze %dma_wait3A_105 : memref<1x640xf32, #tpu.memory_space<vmem_shared>> -> memref<640xf32, #tpu.memory_space<vmem_shared>>
      %dma_wait3A_107 = arith.constant 0 : i32
      %dma_wait3A_108 = tpu.memref_slice %arg7[%run_scoped3A_75, %dma_wait3A_107] : memref<16x640xf32, #tpu.memory_space<vmem>> -> memref<1x640xf32, #tpu.memory_space<vmem>>
      %dma_wait3A_109 = tpu.memref_squeeze %dma_wait3A_108 : memref<1x640xf32, #tpu.memory_space<vmem>> -> memref<640xf32, #tpu.memory_space<vmem>>
      %dma_wait3A_110 = tpu.memref_slice %arg9[%run_scoped3A_74, %mul3A_73] : memref<16x10240xf32, #tpu.memory_space<vmem_shared>> -> memref<1x640xf32, #tpu.memory_space<vmem_shared>>
      %dma_wait3A_111 = tpu.memref_squeeze %dma_wait3A_110 : memref<1x640xf32, #tpu.memory_space<vmem_shared>> -> memref<640xf32, #tpu.memory_space<vmem_shared>>
      tpu.wait_dma2 semaphore(%run_scoped3A_93 : memref<!tpu.dma_semaphore, #tpu.memory_space<semaphore_mem>>) src(%dma_wait3A_111 : memref<640xf32, #tpu.memory_space<vmem_shared>>) dst(%dma_wait3A_109 : memref<640xf32, #tpu.memory_space<vmem>>)
      tpu.yield
    }) : () -> ()
    %mul3A_76 = arith.constant 640 : i32
    %mul3A_77 = arith.muli %arg1, %mul3A_76 : i32
    %run_scoped3A_78 = arith.constant 15 : i32
    %run_scoped3A_79 = arith.constant 15 : i32
    "tpu.region"() ({
      %run_scoped3A_93 = tpu.sem_alloc : memref<!tpu.dma_semaphore, #tpu.memory_space<semaphore_mem>>
      %dma_start3A = arith.constant 0 : i32
      %dma_start3A_94 = tpu.memref_slice %arg7[%run_scoped3A_79, %dma_start3A] : memref<16x640xf32, #tpu.memory_space<vmem>> -> memref<1x640xf32, #tpu.memory_space<vmem>>
      %dma_start3A_95 = tpu.memref_squeeze %dma_start3A_94 : memref<1x640xf32, #tpu.memory_space<vmem>> -> memref<640xf32, #tpu.memory_space<vmem>>
      %dma_start3A_96 = tpu.memref_slice %arg9[%run_scoped3A_78, %mul3A_77] : memref<16x10240xf32, #tpu.memory_space<vmem_shared>> -> memref<1x640xf32, #tpu.memory_space<vmem_shared>>
      %dma_start3A_97 = tpu.memref_squeeze %dma_start3A_96 : memref<1x640xf32, #tpu.memory_space<vmem_shared>> -> memref<640xf32, #tpu.memory_space<vmem_shared>>
      %dma_start3A_98 = arith.constant 0 : i32
      %dma_start3A_99 = tpu.memref_slice %arg7[%run_scoped3A_79, %dma_start3A_98] : memref<16x640xf32, #tpu.memory_space<vmem>> -> memref<1x640xf32, #tpu.memory_space<vmem>>
      %dma_start3A_100 = tpu.memref_squeeze %dma_start3A_99 : memref<1x640xf32, #tpu.memory_space<vmem>> -> memref<640xf32, #tpu.memory_space<vmem>>
      %dma_start3A_101 = tpu.memref_slice %arg9[%run_scoped3A_78, %mul3A_77] : memref<16x10240xf32, #tpu.memory_space<vmem_shared>> -> memref<1x640xf32, #tpu.memory_space<vmem_shared>>
      %dma_start3A_102 = tpu.memref_squeeze %dma_start3A_101 : memref<1x640xf32, #tpu.memory_space<vmem_shared>> -> memref<640xf32, #tpu.memory_space<vmem_shared>>
      tpu.enqueue_dma source(%dma_start3A_102 : memref<640xf32, #tpu.memory_space<vmem_shared>>) target(%dma_start3A_100 : memref<640xf32, #tpu.memory_space<vmem>>) target_semaphore(%run_scoped3A_93 : memref<!tpu.dma_semaphore, #tpu.memory_space<semaphore_mem>>)
      %dma_wait3A = arith.constant 0 : i32
      %dma_wait3A_103 = tpu.memref_slice %arg7[%run_scoped3A_79, %dma_wait3A] : memref<16x640xf32, #tpu.memory_space<vmem>> -> memref<1x640xf32, #tpu.memory_space<vmem>>
      %dma_wait3A_104 = tpu.memref_squeeze %dma_wait3A_103 : memref<1x640xf32, #tpu.memory_space<vmem>> -> memref<640xf32, #tpu.memory_space<vmem>>
      %dma_wait3A_105 = tpu.memref_slice %arg9[%run_scoped3A_78, %mul3A_77] : memref<16x10240xf32, #tpu.memory_space<vmem_shared>> -> memref<1x640xf32, #tpu.memory_space<vmem_shared>>
      %dma_wait3A_106 = tpu.memref_squeeze %dma_wait3A_105 : memref<1x640xf32, #tpu.memory_space<vmem_shared>> -> memref<640xf32, #tpu.memory_space<vmem_shared>>
      %dma_wait3A_107 = arith.constant 0 : i32
      %dma_wait3A_108 = tpu.memref_slice %arg7[%run_scoped3A_79, %dma_wait3A_107] : memref<16x640xf32, #tpu.memory_space<vmem>> -> memref<1x640xf32, #tpu.memory_space<vmem>>
      %dma_wait3A_109 = tpu.memref_squeeze %dma_wait3A_108 : memref<1x640xf32, #tpu.memory_space<vmem>> -> memref<640xf32, #tpu.memory_space<vmem>>
      %dma_wait3A_110 = tpu.memref_slice %arg9[%run_scoped3A_78, %mul3A_77] : memref<16x10240xf32, #tpu.memory_space<vmem_shared>> -> memref<1x640xf32, #tpu.memory_space<vmem_shared>>
      %dma_wait3A_111 = tpu.memref_squeeze %dma_wait3A_110 : memref<1x640xf32, #tpu.memory_space<vmem_shared>> -> memref<640xf32, #tpu.memory_space<vmem_shared>>
      tpu.wait_dma2 semaphore(%run_scoped3A_93 : memref<!tpu.dma_semaphore, #tpu.memory_space<semaphore_mem>>) src(%dma_wait3A_111 : memref<640xf32, #tpu.memory_space<vmem_shared>>) dst(%dma_wait3A_109 : memref<640xf32, #tpu.memory_space<vmem>>)
      tpu.yield
    }) : () -> ()
    %scan3A_80 = arith.constant 0 : i32
    %scan3A_81 = arith.constant 0 : i32
    %scan3A_82 = arith.constant 40 : i32
    %scan3A_83 = arith.addi %scan3A_81, %scan3A_82 : i32
    %scan3A_84 = arith.constant 1 : i32
    scf.for %scan3A_93 = %scan3A_81 to %scan3A_83 step %scan3A_84  : i32 {
      %mul3A_94 = arith.constant 16 : i32
      %mul3A_95 = arith.muli %scan3A_93, %mul3A_94 : i32
      %get3A = arith.constant 0 : i32
      %get3A_96 = arith.index_cast %get3A : i32 to index
      %get3A_97 = arith.index_cast %mul3A_95 : i32 to index
      %get3A_98 = tpu.vector_load %arg7[%get3A_96, %get3A_97] {strides = array<i32>} : memref<16x640xf32, #tpu.memory_space<vmem>>, vector<16xf32>,
      %mul3A_99 = arith.constant 16 : i32
      %mul3A_100 = arith.muli %scan3A_93, %mul3A_99 : i32
      %get3A_101 = arith.constant 1 : i32
      %get3A_102 = arith.index_cast %get3A_101 : i32 to index
      %get3A_103 = arith.index_cast %mul3A_100 : i32 to index
      %get3A_104 = tpu.vector_load %arg7[%get3A_102, %get3A_103] {strides = array<i32>} : memref<16x640xf32, #tpu.memory_space<vmem>>, vector<16xf32>,
      %add3A_105 = arith.addf %get3A_98, %get3A_104 : vector<16xf32>
      %mul3A_106 = arith.constant 16 : i32
      %mul3A_107 = arith.muli %scan3A_93, %mul3A_106 : i32
      %get3A_108 = arith.constant 2 : i32
      %get3A_109 = arith.index_cast %get3A_108 : i32 to index
      %get3A_110 = arith.index_cast %mul3A_107 : i32 to index
      %get3A_111 = tpu.vector_load %arg7[%get3A_109, %get3A_110] {strides = array<i32>} : memref<16x640xf32, #tpu.memory_space<vmem>>, vector<16xf32>,
      %add3A_112 = arith.addf %add3A_105, %get3A_111 : vector<16xf32>
      %mul3A_113 = arith.constant 16 : i32
      %mul3A_114 = arith.muli %scan3A_93, %mul3A_113 : i32
      %get3A_115 = arith.constant 3 : i32
      %get3A_116 = arith.index_cast %get3A_115 : i32 to index
      %get3A_117 = arith.index_cast %mul3A_114 : i32 to index
      %get3A_118 = tpu.vector_load %arg7[%get3A_116, %get3A_117] {strides = array<i32>} : memref<16x640xf32, #tpu.memory_space<vmem>>, vector<16xf32>,
      %add3A_119 = arith.addf %add3A_112, %get3A_118 : vector<16xf32>
      %mul3A_120 = arith.constant 16 : i32
      %mul3A_121 = arith.muli %scan3A_93, %mul3A_120 : i32
      %get3A_122 = arith.constant 4 : i32
      %get3A_123 = arith.index_cast %get3A_122 : i32 to index
      %get3A_124 = arith.index_cast %mul3A_121 : i32 to index
      %get3A_125 = tpu.vector_load %arg7[%get3A_123, %get3A_124] {strides = array<i32>} : memref<16x640xf32, #tpu.memory_space<vmem>>, vector<16xf32>,
      %add3A_126 = arith.addf %add3A_119, %get3A_125 : vector<16xf32>
      %mul3A_127 = arith.constant 16 : i32
      %mul3A_128 = arith.muli %scan3A_93, %mul3A_127 : i32
      %get3A_129 = arith.constant 5 : i32
      %get3A_130 = arith.index_cast %get3A_129 : i32 to index
      %get3A_131 = arith.index_cast %mul3A_128 : i32 to index
      %get3A_132 = tpu.vector_load %arg7[%get3A_130, %get3A_131] {strides = array<i32>} : memref<16x640xf32, #tpu.memory_space<vmem>>, vector<16xf32>,
      %add3A_133 = arith.addf %add3A_126, %get3A_132 : vector<16xf32>
      %mul3A_134 = arith.constant 16 : i32
      %mul3A_135 = arith.muli %scan3A_93, %mul3A_134 : i32
      %get3A_136 = arith.constant 6 : i32
      %get3A_137 = arith.index_cast %get3A_136 : i32 to index
      %get3A_138 = arith.index_cast %mul3A_135 : i32 to index
      %get3A_139 = tpu.vector_load %arg7[%get3A_137, %get3A_138] {strides = array<i32>} : memref<16x640xf32, #tpu.memory_space<vmem>>, vector<16xf32>,
      %add3A_140 = arith.addf %add3A_133, %get3A_139 : vector<16xf32>
      %mul3A_141 = arith.constant 16 : i32
      %mul3A_142 = arith.muli %scan3A_93, %mul3A_141 : i32
      %get3A_143 = arith.constant 7 : i32
      %get3A_144 = arith.index_cast %get3A_143 : i32 to index
      %get3A_145 = arith.index_cast %mul3A_142 : i32 to index
      %get3A_146 = tpu.vector_load %arg7[%get3A_144, %get3A_145] {strides = array<i32>} : memref<16x640xf32, #tpu.memory_space<vmem>>, vector<16xf32>,
      %add3A_147 = arith.addf %add3A_140, %get3A_146 : vector<16xf32>
      %mul3A_148 = arith.constant 16 : i32
      %mul3A_149 = arith.muli %scan3A_93, %mul3A_148 : i32
      %get3A_150 = arith.constant 8 : i32
      %get3A_151 = arith.index_cast %get3A_150 : i32 to index
      %get3A_152 = arith.index_cast %mul3A_149 : i32 to index
      %get3A_153 = tpu.vector_load %arg7[%get3A_151, %get3A_152] {strides = array<i32>} : memref<16x640xf32, #tpu.memory_space<vmem>>, vector<16xf32>,
      %add3A_154 = arith.addf %add3A_147, %get3A_153 : vector<16xf32>
      %mul3A_155 = arith.constant 16 : i32
      %mul3A_156 = arith.muli %scan3A_93, %mul3A_155 : i32
      %get3A_157 = arith.constant 9 : i32
      %get3A_158 = arith.index_cast %get3A_157 : i32 to index
      %get3A_159 = arith.index_cast %mul3A_156 : i32 to index
      %get3A_160 = tpu.vector_load %arg7[%get3A_158, %get3A_159] {strides = array<i32>} : memref<16x640xf32, #tpu.memory_space<vmem>>, vector<16xf32>,
      %add3A_161 = arith.addf %add3A_154, %get3A_160 : vector<16xf32>
      %mul3A_162 = arith.constant 16 : i32
      %mul3A_163 = arith.muli %scan3A_93, %mul3A_162 : i32
      %get3A_164 = arith.constant 10 : i32
      %get3A_165 = arith.index_cast %get3A_164 : i32 to index
      %get3A_166 = arith.index_cast %mul3A_163 : i32 to index
      %get3A_167 = tpu.vector_load %arg7[%get3A_165, %get3A_166] {strides = array<i32>} : memref<16x640xf32, #tpu.memory_space<vmem>>, vector<16xf32>,
      %add3A_168 = arith.addf %add3A_161, %get3A_167 : vector<16xf32>
      %mul3A_169 = arith.constant 16 : i32
      %mul3A_170 = arith.muli %scan3A_93, %mul3A_169 : i32
      %get3A_171 = arith.constant 11 : i32
      %get3A_172 = arith.index_cast %get3A_171 : i32 to index
      %get3A_173 = arith.index_cast %mul3A_170 : i32 to index
      %get3A_174 = tpu.vector_load %arg7[%get3A_172, %get3A_173] {strides = array<i32>} : memref<16x640xf32, #tpu.memory_space<vmem>>, vector<16xf32>,
      %add3A_175 = arith.addf %add3A_168, %get3A_174 : vector<16xf32>
      %mul3A_176 = arith.constant 16 : i32
      %mul3A_177 = arith.muli %scan3A_93, %mul3A_176 : i32
      %get3A_178 = arith.constant 12 : i32
      %get3A_179 = arith.index_cast %get3A_178 : i32 to index
      %get3A_180 = arith.index_cast %mul3A_177 : i32 to index
      %get3A_181 = tpu.vector_load %arg7[%get3A_179, %get3A_180] {strides = array<i32>} : memref<16x640xf32, #tpu.memory_space<vmem>>, vector<16xf32>,
      %add3A_182 = arith.addf %add3A_175, %get3A_181 : vector<16xf32>
      %mul3A_183 = arith.constant 16 : i32
      %mul3A_184 = arith.muli %scan3A_93, %mul3A_183 : i32
      %get3A_185 = arith.constant 13 : i32
      %get3A_186 = arith.index_cast %get3A_185 : i32 to index
      %get3A_187 = arith.index_cast %mul3A_184 : i32 to index
      %get3A_188 = tpu.vector_load %arg7[%get3A_186, %get3A_187] {strides = array<i32>} : memref<16x640xf32, #tpu.memory_space<vmem>>, vector<16xf32>,
      %add3A_189 = arith.addf %add3A_182, %get3A_188 : vector<16xf32>
      %mul3A_190 = arith.constant 16 : i32
      %mul3A_191 = arith.muli %scan3A_93, %mul3A_190 : i32
      %get3A_192 = arith.constant 14 : i32
      %get3A_193 = arith.index_cast %get3A_192 : i32 to index
      %get3A_194 = arith.index_cast %mul3A_191 : i32 to index
      %get3A_195 = tpu.vector_load %arg7[%get3A_193, %get3A_194] {strides = array<i32>} : memref<16x640xf32, #tpu.memory_space<vmem>>, vector<16xf32>,
      %add3A_196 = arith.addf %add3A_189, %get3A_195 : vector<16xf32>
      %mul3A_197 = arith.constant 16 : i32
      %mul3A_198 = arith.muli %scan3A_93, %mul3A_197 : i32
      %get3A_199 = arith.constant 15 : i32
      %get3A_200 = arith.index_cast %get3A_199 : i32 to index
      %get3A_201 = arith.index_cast %mul3A_198 : i32 to index
      %get3A_202 = tpu.vector_load %arg7[%get3A_200, %get3A_201] {strides = array<i32>} : memref<16x640xf32, #tpu.memory_space<vmem>>, vector<16xf32>,
      %add3A_203 = arith.addf %add3A_196, %get3A_202 : vector<16xf32>
      %mul3A_204 = arith.constant 16 : i32
      %mul3A_205 = arith.muli %scan3A_93, %mul3A_204 : i32
      %swap3A = arith.index_cast %mul3A_205 : i32 to index
      %swap3A_206 = tpu.vector_load %arg8[%swap3A] {strides = array<i32>} : memref<640xf32, #tpu.memory_space<vmem>>, vector<16xf32>,
      tpu.vector_store %arg8[%swap3A], %add3A_203 {strides = array<i32>} : memref<640xf32, #tpu.memory_space<vmem>>, vector<16xf32>,
    }
    %scan3A_85 = arith.constant 40 : i32
    %eq3A = arith.constant 0 : i32
    %eq3A_86 = arith.cmpi eq, %arg0, %eq3A : i32
    %convert_element_type3A = arith.extui %eq3A_86 : i1 to i32
    %cond3A = arith.constant 0 : i32
    %cond3A_87 = arith.cmpi ne, %convert_element_type3A, %cond3A : i32
    scf.if %cond3A_87 {
      %mul3A_93 = arith.constant 640 : i32
      %mul3A_94 = arith.muli %arg1, %mul3A_93 : i32
      "tpu.region"() ({
        %run_scoped3A_95 = tpu.sem_alloc : memref<!tpu.dma_semaphore, #tpu.memory_space<semaphore_mem>>
        %dma_start3A = tpu.memref_slice %arg3[%mul3A_94] : memref<10240xf32, #tpu.memory_space<hbm>> -> memref<640xf32, #tpu.memory_space<hbm>>
        %dma_start3A_96 = tpu.memref_slice %arg3[%mul3A_94] : memref<10240xf32, #tpu.memory_space<hbm>> -> memref<640xf32, #tpu.memory_space<hbm>>
        tpu.enqueue_dma source(%arg8 : memref<640xf32, #tpu.memory_space<vmem>>) target(%dma_start3A_96 : memref<640xf32, #tpu.memory_space<hbm>>) target_semaphore(%run_scoped3A_95 : memref<!tpu.dma_semaphore, #tpu.memory_space<semaphore_mem>>)
        %dma_wait3A = tpu.memref_slice %arg3[%mul3A_94] : memref<10240xf32, #tpu.memory_space<hbm>> -> memref<640xf32, #tpu.memory_space<hbm>>
        %dma_wait3A_97 = tpu.memref_slice %arg3[%mul3A_94] : memref<10240xf32, #tpu.memory_space<hbm>> -> memref<640xf32, #tpu.memory_space<hbm>>
        tpu.wait_dma2 semaphore(%run_scoped3A_95 : memref<!tpu.dma_semaphore, #tpu.memory_space<semaphore_mem>>) src(%arg8 : memref<640xf32, #tpu.memory_space<vmem>>) dst(%dma_wait3A_97 : memref<640xf32, #tpu.memory_space<hbm>>)
        tpu.yield
      }) : () -> ()
    } else {
    }
    %eq3A_88 = arith.constant 1 : i32
    %eq3A_89 = arith.cmpi eq, %arg0, %eq3A_88 : i32
    %convert_element_type3A_90 = arith.extui %eq3A_89 : i1 to i32
    %cond3A_91 = arith.constant 0 : i32
    %cond3A_92 = arith.cmpi ne, %convert_element_type3A_90, %cond3A_91 : i32
    scf.if %cond3A_92 {
      %mul3A_93 = arith.constant 640 : i32
      %mul3A_94 = arith.muli %arg1, %mul3A_93 : i32
      "tpu.region"() ({
        %run_scoped3A_95 = tpu.sem_alloc : memref<!tpu.dma_semaphore, #tpu.memory_space<semaphore_mem>>
        %dma_start3A = tpu.memref_slice %arg4[%mul3A_94] : memref<10240xf32, #tpu.memory_space<hbm>> -> memref<640xf32, #tpu.memory_space<hbm>>
        %dma_start3A_96 = tpu.memref_slice %arg4[%mul3A_94] : memref<10240xf32, #tpu.memory_space<hbm>> -> memref<640xf32, #tpu.memory_space<hbm>>
        tpu.enqueue_dma source(%arg8 : memref<640xf32, #tpu.memory_space<vmem>>) target(%dma_start3A_96 : memref<640xf32, #tpu.memory_space<hbm>>) target_semaphore(%run_scoped3A_95 : memref<!tpu.dma_semaphore, #tpu.memory_space<semaphore_mem>>)
        %dma_wait3A = tpu.memref_slice %arg4[%mul3A_94] : memref<10240xf32, #tpu.memory_space<hbm>> -> memref<640xf32, #tpu.memory_space<hbm>>
        %dma_wait3A_97 = tpu.memref_slice %arg4[%mul3A_94] : memref<10240xf32, #tpu.memory_space<hbm>> -> memref<640xf32, #tpu.memory_space<hbm>>
        tpu.wait_dma2 semaphore(%run_scoped3A_95 : memref<!tpu.dma_semaphore, #tpu.memory_space<semaphore_mem>>) src(%arg8 : memref<640xf32, #tpu.memory_space<vmem>>) dst(%dma_wait3A_97 : memref<640xf32, #tpu.memory_space<hbm>>)
        tpu.yield
      }) : () -> ()
    } else {
    }
    return
  }
}

#map = affine_map<(d0, d1) -> (0, 0)>
#map1 = affine_map<(d0, d1) -> (0, 0, 0, 0, 0)>
module attributes {stable_mosaic.version = 14 : i64} {
  func.func @_spmm_body(%arg0: i32, %arg1: i32, %arg2: memref<10000x128xf32, #tpu.memory_space<hbm>>, %arg3: memref<2x16x4x25x100xi32, #tpu.memory_space<hbm>>, %arg4: memref<2x16x4x25x100xi32, #tpu.memory_space<hbm>>, %arg5: memref<632x128xf32, #tpu.memory_space<hbm>>, %arg6: memref<10000x128xf32, #tpu.memory_space<hbm>>, %arg7: memref<10000x128xf32, #tpu.memory_space<hbm>>, %arg8: memref<25x100xi32, #tpu.memory_space<vmem>>, %arg9: memref<25x100xi32, #tpu.memory_space<vmem>>, %arg10: memref<3x100x128xf32, #tpu.memory_space<vmem>>, %arg11: memref<10000x128xf32, #tpu.memory_space<vmem_shared>>, %arg12: memref<3x!tpu.dma_semaphore, #tpu.memory_space<semaphore_mem>>, %arg13: memref<3x!tpu.dma_semaphore, #tpu.memory_space<semaphore_mem>>) attributes {dimension_semantics = [#tpu.dimension_semantics<core_parallel>, #tpu.dimension_semantics<subcore_parallel>], iteration_bounds = array<i64: 2, 16>, scalar_prefetch = 0 : i64, scratch_operands = 6 : i64, tpu.core_type = #tpu.core_type<sc_vector_subcore>, window_params = [{transform_indices = #map}, {transform_indices = #map1}, {transform_indices = #map1}, {transform_indices = #map}, {transform_indices = #map}, {transform_indices = #map}]} {
    %lt3A = arith.constant 15 : i32
    %lt3A_0 = arith.cmpi slt, %arg1, %lt3A : i32
    %convert_element_type3A = arith.extui %lt3A_0 : i1 to i32
    %cond3A = arith.constant 0 : i32
    %cond3A_1 = arith.cmpi ne, %convert_element_type3A, %cond3A : i32
    scf.if %cond3A_1 {
      %mul3A = arith.constant 632 : i32
      %mul3A_22 = arith.muli %arg1, %mul3A : i32
      "tpu.region"() ({
        %run_scoped3A = tpu.sem_alloc : memref<!tpu.dma_semaphore, #tpu.memory_space<semaphore_mem>>
        %dma_start3A = arith.constant 0 : i32
        %dma_start3A_23 = tpu.memref_slice %arg11[%mul3A_22, %dma_start3A] : memref<10000x128xf32, #tpu.memory_space<vmem_shared>> -> memref<632x128xf32, #tpu.memory_space<vmem_shared>>
        tpu.enqueue_dma source(%arg5 : memref<632x128xf32, #tpu.memory_space<hbm>>) target(%dma_start3A_23 : memref<632x128xf32, #tpu.memory_space<vmem_shared>>) target_semaphore(%run_scoped3A : memref<!tpu.dma_semaphore, #tpu.memory_space<semaphore_mem>>)
        %dma_wait3A = arith.constant 0 : i32
        %dma_wait3A_24 = tpu.memref_slice %arg11[%mul3A_22, %dma_wait3A] : memref<10000x128xf32, #tpu.memory_space<vmem_shared>> -> memref<632x128xf32, #tpu.memory_space<vmem_shared>>
        tpu.wait_dma2 semaphore(%run_scoped3A : memref<!tpu.dma_semaphore, #tpu.memory_space<semaphore_mem>>) src(%arg5 : memref<632x128xf32, #tpu.memory_space<hbm>>) dst(%dma_wait3A_24 : memref<632x128xf32, #tpu.memory_space<vmem_shared>>)
        tpu.yield
      }) : () -> ()
    } else {
    }
    %eq3A = arith.constant 15 : i32
    %eq3A_2 = arith.cmpi eq, %arg1, %eq3A : i32
    %convert_element_type3A_3 = arith.extui %eq3A_2 : i1 to i32
    %cond3A_4 = arith.constant 0 : i32
    %cond3A_5 = arith.cmpi ne, %convert_element_type3A_3, %cond3A_4 : i32
    scf.if %cond3A_5 {
      "tpu.region"() ({
        %run_scoped3A = tpu.sem_alloc : memref<!tpu.dma_semaphore, #tpu.memory_space<semaphore_mem>>
        %dma_start3A = arith.constant 9480 : i32
        %dma_start3A_22 = arith.constant 0 : i32
        %dma_start3A_23 = tpu.memref_slice %arg11[%dma_start3A, %dma_start3A_22] : memref<10000x128xf32, #tpu.memory_space<vmem_shared>> -> memref<520x128xf32, #tpu.memory_space<vmem_shared>>
        %dma_start3A_24 = arith.constant 0 : i32
        %dma_start3A_25 = arith.constant 0 : i32
        %dma_start3A_26 = tpu.memref_slice %arg5[%dma_start3A_24, %dma_start3A_25] : memref<632x128xf32, #tpu.memory_space<hbm>> -> memref<520x128xf32, #tpu.memory_space<hbm>>
        tpu.enqueue_dma source(%dma_start3A_26 : memref<520x128xf32, #tpu.memory_space<hbm>>) target(%dma_start3A_23 : memref<520x128xf32, #tpu.memory_space<vmem_shared>>) target_semaphore(%run_scoped3A : memref<!tpu.dma_semaphore, #tpu.memory_space<semaphore_mem>>)
        %dma_wait3A = arith.constant 9480 : i32
        %dma_wait3A_27 = arith.constant 0 : i32
        %dma_wait3A_28 = tpu.memref_slice %arg11[%dma_wait3A, %dma_wait3A_27] : memref<10000x128xf32, #tpu.memory_space<vmem_shared>> -> memref<520x128xf32, #tpu.memory_space<vmem_shared>>
        %dma_wait3A_29 = arith.constant 0 : i32
        %dma_wait3A_30 = arith.constant 0 : i32
        %dma_wait3A_31 = tpu.memref_slice %arg5[%dma_wait3A_29, %dma_wait3A_30] : memref<632x128xf32, #tpu.memory_space<hbm>> -> memref<520x128xf32, #tpu.memory_space<hbm>>
        tpu.wait_dma2 semaphore(%run_scoped3A : memref<!tpu.dma_semaphore, #tpu.memory_space<semaphore_mem>>) src(%dma_wait3A_31 : memref<520x128xf32, #tpu.memory_space<hbm>>) dst(%dma_wait3A_28 : memref<520x128xf32, #tpu.memory_space<vmem_shared>>)
        tpu.yield
      }) : () -> ()
    } else {
    }
    %barrier3A = arith.constant 0 : index
    tpu.barrier barrier_id(%barrier3A)
    %scan3A = arith.constant 0 : i32
    %scan3A_6 = arith.constant 0 : i32
    %scan3A_7 = arith.constant 4 : i32
    %scan3A_8 = arith.addi %scan3A_6, %scan3A_7 : i32
    %scan3A_9 = arith.constant 1 : i32
    scf.for %scan3A_22 = %scan3A_6 to %scan3A_8 step %scan3A_9  : i32 {
      "tpu.region"() ({
        %run_scoped3A = tpu.sem_alloc : memref<!tpu.dma_semaphore, #tpu.memory_space<semaphore_mem>>
        %dma_start3A_72 = arith.constant 0 : i32
        %dma_start3A_73 = arith.constant 0 : i32
        %dma_start3A_74 = tpu.memref_slice %arg3[%arg0, %arg1, %scan3A_22, %dma_start3A_72, %dma_start3A_73] : memref<2x16x4x25x100xi32, #tpu.memory_space<hbm>> -> memref<1x1x1x25x100xi32, #tpu.memory_space<hbm>>
        %dma_start3A_75 = tpu.memref_squeeze %dma_start3A_74 : memref<1x1x1x25x100xi32, #tpu.memory_space<hbm>> -> memref<25x100xi32, #tpu.memory_space<hbm>>
        %dma_start3A_76 = arith.constant 0 : i32
        %dma_start3A_77 = arith.constant 0 : i32
        %dma_start3A_78 = tpu.memref_slice %arg3[%arg0, %arg1, %scan3A_22, %dma_start3A_76, %dma_start3A_77] : memref<2x16x4x25x100xi32, #tpu.memory_space<hbm>> -> memref<1x1x1x25x100xi32, #tpu.memory_space<hbm>>
        %dma_start3A_79 = tpu.memref_squeeze %dma_start3A_78 : memref<1x1x1x25x100xi32, #tpu.memory_space<hbm>> -> memref<25x100xi32, #tpu.memory_space<hbm>>
        tpu.enqueue_dma source(%dma_start3A_79 : memref<25x100xi32, #tpu.memory_space<hbm>>) target(%arg8 : memref<25x100xi32, #tpu.memory_space<vmem>>) target_semaphore(%run_scoped3A : memref<!tpu.dma_semaphore, #tpu.memory_space<semaphore_mem>>)
        %dma_wait3A_80 = arith.constant 0 : i32
        %dma_wait3A_81 = arith.constant 0 : i32
        %dma_wait3A_82 = tpu.memref_slice %arg3[%arg0, %arg1, %scan3A_22, %dma_wait3A_80, %dma_wait3A_81] : memref<2x16x4x25x100xi32, #tpu.memory_space<hbm>> -> memref<1x1x1x25x100xi32, #tpu.memory_space<hbm>>
        %dma_wait3A_83 = tpu.memref_squeeze %dma_wait3A_82 : memref<1x1x1x25x100xi32, #tpu.memory_space<hbm>> -> memref<25x100xi32, #tpu.memory_space<hbm>>
        %dma_wait3A_84 = arith.constant 0 : i32
        %dma_wait3A_85 = arith.constant 0 : i32
        %dma_wait3A_86 = tpu.memref_slice %arg3[%arg0, %arg1, %scan3A_22, %dma_wait3A_84, %dma_wait3A_85] : memref<2x16x4x25x100xi32, #tpu.memory_space<hbm>> -> memref<1x1x1x25x100xi32, #tpu.memory_space<hbm>>
        %dma_wait3A_87 = tpu.memref_squeeze %dma_wait3A_86 : memref<1x1x1x25x100xi32, #tpu.memory_space<hbm>> -> memref<25x100xi32, #tpu.memory_space<hbm>>
        tpu.wait_dma2 semaphore(%run_scoped3A : memref<!tpu.dma_semaphore, #tpu.memory_space<semaphore_mem>>) src(%dma_wait3A_87 : memref<25x100xi32, #tpu.memory_space<hbm>>) dst(%arg8 : memref<25x100xi32, #tpu.memory_space<vmem>>)
        tpu.yield
      }) : () -> ()
      "tpu.region"() ({
        %run_scoped3A = tpu.sem_alloc : memref<!tpu.dma_semaphore, #tpu.memory_space<semaphore_mem>>
        %dma_start3A_72 = arith.constant 0 : i32
        %dma_start3A_73 = arith.constant 0 : i32
        %dma_start3A_74 = tpu.memref_slice %arg4[%arg0, %arg1, %scan3A_22, %dma_start3A_72, %dma_start3A_73] : memref<2x16x4x25x100xi32, #tpu.memory_space<hbm>> -> memref<1x1x1x25x100xi32, #tpu.memory_space<hbm>>
        %dma_start3A_75 = tpu.memref_squeeze %dma_start3A_74 : memref<1x1x1x25x100xi32, #tpu.memory_space<hbm>> -> memref<25x100xi32, #tpu.memory_space<hbm>>
        %dma_start3A_76 = arith.constant 0 : i32
        %dma_start3A_77 = arith.constant 0 : i32
        %dma_start3A_78 = tpu.memref_slice %arg4[%arg0, %arg1, %scan3A_22, %dma_start3A_76, %dma_start3A_77] : memref<2x16x4x25x100xi32, #tpu.memory_space<hbm>> -> memref<1x1x1x25x100xi32, #tpu.memory_space<hbm>>
        %dma_start3A_79 = tpu.memref_squeeze %dma_start3A_78 : memref<1x1x1x25x100xi32, #tpu.memory_space<hbm>> -> memref<25x100xi32, #tpu.memory_space<hbm>>
        tpu.enqueue_dma source(%dma_start3A_79 : memref<25x100xi32, #tpu.memory_space<hbm>>) target(%arg9 : memref<25x100xi32, #tpu.memory_space<vmem>>) target_semaphore(%run_scoped3A : memref<!tpu.dma_semaphore, #tpu.memory_space<semaphore_mem>>)
        %dma_wait3A_80 = arith.constant 0 : i32
        %dma_wait3A_81 = arith.constant 0 : i32
        %dma_wait3A_82 = tpu.memref_slice %arg4[%arg0, %arg1, %scan3A_22, %dma_wait3A_80, %dma_wait3A_81] : memref<2x16x4x25x100xi32, #tpu.memory_space<hbm>> -> memref<1x1x1x25x100xi32, #tpu.memory_space<hbm>>
        %dma_wait3A_83 = tpu.memref_squeeze %dma_wait3A_82 : memref<1x1x1x25x100xi32, #tpu.memory_space<hbm>> -> memref<25x100xi32, #tpu.memory_space<hbm>>
        %dma_wait3A_84 = arith.constant 0 : i32
        %dma_wait3A_85 = arith.constant 0 : i32
        %dma_wait3A_86 = tpu.memref_slice %arg4[%arg0, %arg1, %scan3A_22, %dma_wait3A_84, %dma_wait3A_85] : memref<2x16x4x25x100xi32, #tpu.memory_space<hbm>> -> memref<1x1x1x25x100xi32, #tpu.memory_space<hbm>>
        %dma_wait3A_87 = tpu.memref_squeeze %dma_wait3A_86 : memref<1x1x1x25x100xi32, #tpu.memory_space<hbm>> -> memref<25x100xi32, #tpu.memory_space<hbm>>
        tpu.wait_dma2 semaphore(%run_scoped3A : memref<!tpu.dma_semaphore, #tpu.memory_space<semaphore_mem>>) src(%dma_wait3A_87 : memref<25x100xi32, #tpu.memory_space<hbm>>) dst(%arg9 : memref<25x100xi32, #tpu.memory_space<vmem>>)
        tpu.yield
      }) : () -> ()
      %dma_start3A = arith.constant 0 : i32
      %dma_start3A_23 = arith.constant 0 : i32
      %dma_start3A_24 = arith.constant 0 : i32
      %dma_start3A_25 = arith.constant 0 : i32
      %dma_start3A_26 = arith.constant 0 : i32
      %dma_start3A_27 = tpu.memref_slice %arg10[%dma_start3A_23, %dma_start3A_25, %dma_start3A_26] : memref<3x100x128xf32, #tpu.memory_space<vmem>> -> memref<1x100x128xf32, #tpu.memory_space<vmem>>
      %dma_start3A_28 = tpu.memref_squeeze %dma_start3A_27 : memref<1x100x128xf32, #tpu.memory_space<vmem>> -> memref<100x128xf32, #tpu.memory_space<vmem>>
      %dma_start3A_29 = arith.constant 0 : i32
      %dma_start3A_30 = tpu.memref_slice %arg8[%dma_start3A, %dma_start3A_29] : memref<25x100xi32, #tpu.memory_space<vmem>> -> memref<1x100xi32, #tpu.memory_space<vmem>>
      %dma_start3A_31 = tpu.memref_squeeze %dma_start3A_30 : memref<1x100xi32, #tpu.memory_space<vmem>> -> memref<100xi32, #tpu.memory_space<vmem>>
      %dma_start3A_32 = arith.constant 0 : i32
      %dma_start3A_33 = arith.constant 0 : i32
      %dma_start3A_34 = tpu.memref_slice %arg2[%dma_start3A_32, %dma_start3A_33] : memref<10000x128xf32, #tpu.memory_space<hbm>> -> memref<10000x128xf32, #tpu.memory_space<hbm>>
      %dma_start3A_35 = tpu.memref_slice %arg12[%dma_start3A_24] : memref<3x!tpu.dma_semaphore, #tpu.memory_space<semaphore_mem>> -> memref<1x!tpu.dma_semaphore, #tpu.memory_space<semaphore_mem>>
      %dma_start3A_36 = tpu.memref_squeeze %dma_start3A_35 : memref<1x!tpu.dma_semaphore, #tpu.memory_space<semaphore_mem>> -> memref<!tpu.dma_semaphore, #tpu.memory_space<semaphore_mem>>
      tpu.enqueue_indirect_dma source(%dma_start3A_34 : memref<10000x128xf32, #tpu.memory_space<hbm>>) target(%dma_start3A_28 : memref<100x128xf32, #tpu.memory_space<vmem>>) offsets(%dma_start3A_31 : memref<100xi32, #tpu.memory_space<vmem>>) semaphore(%dma_start3A_36 : memref<!tpu.dma_semaphore, #tpu.memory_space<semaphore_mem>>)
      %dma_start3A_37 = arith.constant 1 : i32
      %dma_start3A_38 = arith.constant 1 : i32
      %dma_start3A_39 = arith.constant 1 : i32
      %dma_start3A_40 = arith.constant 0 : i32
      %dma_start3A_41 = arith.constant 0 : i32
      %dma_start3A_42 = tpu.memref_slice %arg10[%dma_start3A_38, %dma_start3A_40, %dma_start3A_41] : memref<3x100x128xf32, #tpu.memory_space<vmem>> -> memref<1x100x128xf32, #tpu.memory_space<vmem>>
      %dma_start3A_43 = tpu.memref_squeeze %dma_start3A_42 : memref<1x100x128xf32, #tpu.memory_space<vmem>> -> memref<100x128xf32, #tpu.memory_space<vmem>>
      %dma_start3A_44 = arith.constant 0 : i32
      %dma_start3A_45 = tpu.memref_slice %arg8[%dma_start3A_37, %dma_start3A_44] : memref<25x100xi32, #tpu.memory_space<vmem>> -> memref<1x100xi32, #tpu.memory_space<vmem>>
      %dma_start3A_46 = tpu.memref_squeeze %dma_start3A_45 : memref<1x100xi32, #tpu.memory_space<vmem>> -> memref<100xi32, #tpu.memory_space<vmem>>
      %dma_start3A_47 = arith.constant 0 : i32
      %dma_start3A_48 = arith.constant 0 : i32
      %dma_start3A_49 = tpu.memref_slice %arg2[%dma_start3A_47, %dma_start3A_48] : memref<10000x128xf32, #tpu.memory_space<hbm>> -> memref<10000x128xf32, #tpu.memory_space<hbm>>
      %dma_start3A_50 = tpu.memref_slice %arg12[%dma_start3A_39] : memref<3x!tpu.dma_semaphore, #tpu.memory_space<semaphore_mem>> -> memref<1x!tpu.dma_semaphore, #tpu.memory_space<semaphore_mem>>
      %dma_start3A_51 = tpu.memref_squeeze %dma_start3A_50 : memref<1x!tpu.dma_semaphore, #tpu.memory_space<semaphore_mem>> -> memref<!tpu.dma_semaphore, #tpu.memory_space<semaphore_mem>>
      tpu.enqueue_indirect_dma source(%dma_start3A_49 : memref<10000x128xf32, #tpu.memory_space<hbm>>) target(%dma_start3A_43 : memref<100x128xf32, #tpu.memory_space<vmem>>) offsets(%dma_start3A_46 : memref<100xi32, #tpu.memory_space<vmem>>) semaphore(%dma_start3A_51 : memref<!tpu.dma_semaphore, #tpu.memory_space<semaphore_mem>>)
      %scan3A_52 = arith.constant 0 : i32
      %scan3A_53 = arith.constant 0 : i32
      %scan3A_54 = arith.constant 25 : i32
      %scan3A_55 = arith.addi %scan3A_53, %scan3A_54 : i32
      %scan3A_56 = arith.constant 1 : i32
      scf.for %scan3A_72 = %scan3A_53 to %scan3A_55 step %scan3A_56  : i32 {
        %rem3A = arith.constant 3 : i32
        %rem3A_73 = arith.remsi %scan3A_72, %rem3A : i32
        %add3A = arith.constant 2 : i32
        %add3A_74 = arith.addi %scan3A_72, %add3A : i32
        %rem3A_75 = arith.constant 3 : i32
        %rem3A_76 = arith.remsi %add3A_74, %rem3A_75 : i32
        %dma_wait3A_77 = arith.constant 0 : i32
        %dma_wait3A_78 = arith.constant 0 : i32
        %dma_wait3A_79 = tpu.memref_slice %arg10[%rem3A_73, %dma_wait3A_77, %dma_wait3A_78] : memref<3x100x128xf32, #tpu.memory_space<vmem>> -> memref<1x100x128xf32, #tpu.memory_space<vmem>>
        %dma_wait3A_80 = tpu.memref_squeeze %dma_wait3A_79 : memref<1x100x128xf32, #tpu.memory_space<vmem>> -> memref<100x128xf32, #tpu.memory_space<vmem>>
        %dma_wait3A_81 = arith.constant 0 : i32
        %dma_wait3A_82 = tpu.memref_slice %arg8[%scan3A_72, %dma_wait3A_81] : memref<25x100xi32, #tpu.memory_space<vmem>> -> memref<1x100xi32, #tpu.memory_space<vmem>>
        %dma_wait3A_83 = tpu.memref_squeeze %dma_wait3A_82 : memref<1x100xi32, #tpu.memory_space<vmem>> -> memref<100xi32, #tpu.memory_space<vmem>>
        %dma_wait3A_84 = arith.constant 0 : i32
        %dma_wait3A_85 = arith.constant 0 : i32
        %dma_wait3A_86 = tpu.memref_slice %arg2[%dma_wait3A_84, %dma_wait3A_85] : memref<10000x128xf32, #tpu.memory_space<hbm>> -> memref<10000x128xf32, #tpu.memory_space<hbm>>
        %dma_wait3A_87 = tpu.memref_slice %arg12[%rem3A_73] : memref<3x!tpu.dma_semaphore, #tpu.memory_space<semaphore_mem>> -> memref<1x!tpu.dma_semaphore, #tpu.memory_space<semaphore_mem>>
        %dma_wait3A_88 = tpu.memref_squeeze %dma_wait3A_87 : memref<1x!tpu.dma_semaphore, #tpu.memory_space<semaphore_mem>> -> memref<!tpu.dma_semaphore, #tpu.memory_space<semaphore_mem>>
        tpu.wait_indirect_dma semaphore(%dma_wait3A_88 : memref<!tpu.dma_semaphore, #tpu.memory_space<semaphore_mem>>) src(%dma_wait3A_86 : memref<10000x128xf32, #tpu.memory_space<hbm>>) dst(%dma_wait3A_80 : memref<100x128xf32, #tpu.memory_space<vmem>>)
        %dma_start3A_89 = arith.constant 0 : i32
        %dma_start3A_90 = arith.constant 0 : i32
        %dma_start3A_91 = tpu.memref_slice %arg10[%rem3A_73, %dma_start3A_89, %dma_start3A_90] : memref<3x100x128xf32, #tpu.memory_space<vmem>> -> memref<1x100x128xf32, #tpu.memory_space<vmem>>
        %dma_start3A_92 = tpu.memref_squeeze %dma_start3A_91 : memref<1x100x128xf32, #tpu.memory_space<vmem>> -> memref<100x128xf32, #tpu.memory_space<vmem>>
        %dma_start3A_93 = arith.constant 0 : i32
        %dma_start3A_94 = tpu.memref_slice %arg9[%scan3A_72, %dma_start3A_93] : memref<25x100xi32, #tpu.memory_space<vmem>> -> memref<1x100xi32, #tpu.memory_space<vmem>>
        %dma_start3A_95 = tpu.memref_squeeze %dma_start3A_94 : memref<1x100xi32, #tpu.memory_space<vmem>> -> memref<100xi32, #tpu.memory_space<vmem>>
        %dma_start3A_96 = arith.constant 0 : i32
        %dma_start3A_97 = arith.constant 0 : i32
        %dma_start3A_98 = tpu.memref_slice %arg11[%dma_start3A_96, %dma_start3A_97] : memref<10000x128xf32, #tpu.memory_space<vmem_shared>> -> memref<10000x128xf32, #tpu.memory_space<vmem_shared>>
        %dma_start3A_99 = tpu.memref_slice %arg13[%rem3A_73] : memref<3x!tpu.dma_semaphore, #tpu.memory_space<semaphore_mem>> -> memref<1x!tpu.dma_semaphore, #tpu.memory_space<semaphore_mem>>
        %dma_start3A_100 = tpu.memref_squeeze %dma_start3A_99 : memref<1x!tpu.dma_semaphore, #tpu.memory_space<semaphore_mem>> -> memref<!tpu.dma_semaphore, #tpu.memory_space<semaphore_mem>>
        tpu.enqueue_indirect_dma source(%dma_start3A_92 : memref<100x128xf32, #tpu.memory_space<vmem>>) target(%dma_start3A_98 : memref<10000x128xf32, #tpu.memory_space<vmem_shared>>) offsets(%dma_start3A_95 : memref<100xi32, #tpu.memory_space<vmem>>) semaphore(%dma_start3A_100 : memref<!tpu.dma_semaphore, #tpu.memory_space<semaphore_mem>>) {add = true}
        %ge3A = arith.constant 1 : i32
        %ge3A_101 = arith.cmpi sge, %scan3A_72, %ge3A : i32
        %convert_element_type3A_102 = arith.extui %ge3A_101 : i1 to i32
        %cond3A_103 = arith.constant 0 : i32
        %cond3A_104 = arith.cmpi ne, %convert_element_type3A_102, %cond3A_103 : i32
        scf.if %cond3A_104 {
          %sub3A = arith.constant 1 : i32
          %sub3A_112 = arith.subi %scan3A_72, %sub3A : i32
          %dma_wait3A_113 = arith.constant 0 : i32
          %dma_wait3A_114 = arith.constant 0 : i32
          %dma_wait3A_115 = tpu.memref_slice %arg10[%rem3A_76, %dma_wait3A_113, %dma_wait3A_114] : memref<3x100x128xf32, #tpu.memory_space<vmem>> -> memref<1x100x128xf32, #tpu.memory_space<vmem>>
          %dma_wait3A_116 = tpu.memref_squeeze %dma_wait3A_115 : memref<1x100x128xf32, #tpu.memory_space<vmem>> -> memref<100x128xf32, #tpu.memory_space<vmem>>
          %dma_wait3A_117 = arith.constant 0 : i32
          %dma_wait3A_118 = tpu.memref_slice %arg9[%sub3A_112, %dma_wait3A_117] : memref<25x100xi32, #tpu.memory_space<vmem>> -> memref<1x100xi32, #tpu.memory_space<vmem>>
          %dma_wait3A_119 = tpu.memref_squeeze %dma_wait3A_118 : memref<1x100xi32, #tpu.memory_space<vmem>> -> memref<100xi32, #tpu.memory_space<vmem>>
          %dma_wait3A_120 = arith.constant 0 : i32
          %dma_wait3A_121 = arith.constant 0 : i32
          %dma_wait3A_122 = tpu.memref_slice %arg11[%dma_wait3A_120, %dma_wait3A_121] : memref<10000x128xf32, #tpu.memory_space<vmem_shared>> -> memref<10000x128xf32, #tpu.memory_space<vmem_shared>>
          %dma_wait3A_123 = tpu.memref_slice %arg13[%rem3A_76] : memref<3x!tpu.dma_semaphore, #tpu.memory_space<semaphore_mem>> -> memref<1x!tpu.dma_semaphore, #tpu.memory_space<semaphore_mem>>
          %dma_wait3A_124 = tpu.memref_squeeze %dma_wait3A_123 : memref<1x!tpu.dma_semaphore, #tpu.memory_space<semaphore_mem>> -> memref<!tpu.dma_semaphore, #tpu.memory_space<semaphore_mem>>
          tpu.wait_indirect_dma semaphore(%dma_wait3A_124 : memref<!tpu.dma_semaphore, #tpu.memory_space<semaphore_mem>>) src(%dma_wait3A_116 : memref<100x128xf32, #tpu.memory_space<vmem>>) dst(%dma_wait3A_122 : memref<10000x128xf32, #tpu.memory_space<vmem_shared>>)
        } else {
        }
        %add3A_105 = arith.constant 2 : i32
        %add3A_106 = arith.addi %scan3A_72, %add3A_105 : i32
        %lt3A_107 = arith.constant 25 : i32
        %lt3A_108 = arith.cmpi slt, %add3A_106, %lt3A_107 : i32
        %convert_element_type3A_109 = arith.extui %lt3A_108 : i1 to i32
        %cond3A_110 = arith.constant 0 : i32
        %cond3A_111 = arith.cmpi ne, %convert_element_type3A_109, %cond3A_110 : i32
        scf.if %cond3A_111 {
          %add3A_112 = arith.constant 2 : i32
          %add3A_113 = arith.addi %scan3A_72, %add3A_112 : i32
          %dma_start3A_114 = arith.constant 0 : i32
          %dma_start3A_115 = arith.constant 0 : i32
          %dma_start3A_116 = tpu.memref_slice %arg10[%rem3A_76, %dma_start3A_114, %dma_start3A_115] : memref<3x100x128xf32, #tpu.memory_space<vmem>> -> memref<1x100x128xf32, #tpu.memory_space<vmem>>
          %dma_start3A_117 = tpu.memref_squeeze %dma_start3A_116 : memref<1x100x128xf32, #tpu.memory_space<vmem>> -> memref<100x128xf32, #tpu.memory_space<vmem>>
          %dma_start3A_118 = arith.constant 0 : i32
          %dma_start3A_119 = tpu.memref_slice %arg8[%add3A_113, %dma_start3A_118] : memref<25x100xi32, #tpu.memory_space<vmem>> -> memref<1x100xi32, #tpu.memory_space<vmem>>
          %dma_start3A_120 = tpu.memref_squeeze %dma_start3A_119 : memref<1x100xi32, #tpu.memory_space<vmem>> -> memref<100xi32, #tpu.memory_space<vmem>>
          %dma_start3A_121 = arith.constant 0 : i32
          %dma_start3A_122 = arith.constant 0 : i32
          %dma_start3A_123 = tpu.memref_slice %arg2[%dma_start3A_121, %dma_start3A_122] : memref<10000x128xf32, #tpu.memory_space<hbm>> -> memref<10000x128xf32, #tpu.memory_space<hbm>>
          %dma_start3A_124 = tpu.memref_slice %arg12[%rem3A_76] : memref<3x!tpu.dma_semaphore, #tpu.memory_space<semaphore_mem>> -> memref<1x!tpu.dma_semaphore, #tpu.memory_space<semaphore_mem>>
          %dma_start3A_125 = tpu.memref_squeeze %dma_start3A_124 : memref<1x!tpu.dma_semaphore, #tpu.memory_space<semaphore_mem>> -> memref<!tpu.dma_semaphore, #tpu.memory_space<semaphore_mem>>
          tpu.enqueue_indirect_dma source(%dma_start3A_123 : memref<10000x128xf32, #tpu.memory_space<hbm>>) target(%dma_start3A_117 : memref<100x128xf32, #tpu.memory_space<vmem>>) offsets(%dma_start3A_120 : memref<100xi32, #tpu.memory_space<vmem>>) semaphore(%dma_start3A_125 : memref<!tpu.dma_semaphore, #tpu.memory_space<semaphore_mem>>)
        } else {
        }
      }
      %scan3A_57 = arith.constant 25 : i32
      %dma_wait3A = arith.constant 0 : i32
      %dma_wait3A_58 = arith.constant 24 : i32
      %dma_wait3A_59 = arith.constant 0 : i32
      %dma_wait3A_60 = arith.constant 0 : i32
      %dma_wait3A_61 = arith.constant 0 : i32
      %dma_wait3A_62 = tpu.memref_slice %arg10[%dma_wait3A, %dma_wait3A_60, %dma_wait3A_61] : memref<3x100x128xf32, #tpu.memory_space<vmem>> -> memref<1x100x128xf32, #tpu.memory_space<vmem>>
      %dma_wait3A_63 = tpu.memref_squeeze %dma_wait3A_62 : memref<1x100x128xf32, #tpu.memory_space<vmem>> -> memref<100x128xf32, #tpu.memory_space<vmem>>
      %dma_wait3A_64 = arith.constant 0 : i32
      %dma_wait3A_65 = tpu.memref_slice %arg9[%dma_wait3A_58, %dma_wait3A_64] : memref<25x100xi32, #tpu.memory_space<vmem>> -> memref<1x100xi32, #tpu.memory_space<vmem>>
      %dma_wait3A_66 = tpu.memref_squeeze %dma_wait3A_65 : memref<1x100xi32, #tpu.memory_space<vmem>> -> memref<100xi32, #tpu.memory_space<vmem>>
      %dma_wait3A_67 = arith.constant 0 : i32
      %dma_wait3A_68 = arith.constant 0 : i32
      %dma_wait3A_69 = tpu.memref_slice %arg11[%dma_wait3A_67, %dma_wait3A_68] : memref<10000x128xf32, #tpu.memory_space<vmem_shared>> -> memref<10000x128xf32, #tpu.memory_space<vmem_shared>>
      %dma_wait3A_70 = tpu.memref_slice %arg13[%dma_wait3A_59] : memref<3x!tpu.dma_semaphore, #tpu.memory_space<semaphore_mem>> -> memref<1x!tpu.dma_semaphore, #tpu.memory_space<semaphore_mem>>
      %dma_wait3A_71 = tpu.memref_squeeze %dma_wait3A_70 : memref<1x!tpu.dma_semaphore, #tpu.memory_space<semaphore_mem>> -> memref<!tpu.dma_semaphore, #tpu.memory_space<semaphore_mem>>
      tpu.wait_indirect_dma semaphore(%dma_wait3A_71 : memref<!tpu.dma_semaphore, #tpu.memory_space<semaphore_mem>>) src(%dma_wait3A_63 : memref<100x128xf32, #tpu.memory_space<vmem>>) dst(%dma_wait3A_69 : memref<10000x128xf32, #tpu.memory_space<vmem_shared>>)
    }
    %scan3A_10 = arith.constant 4 : i32
    %barrier3A_11 = arith.constant 0 : index
    tpu.barrier barrier_id(%barrier3A_11)
    %eq3A_12 = arith.constant 0 : i32
    %eq3A_13 = arith.cmpi eq, %arg0, %eq3A_12 : i32
    %convert_element_type3A_14 = arith.extui %eq3A_13 : i1 to i32
    %cond3A_15 = arith.constant 0 : i32
    %cond3A_16 = arith.cmpi ne, %convert_element_type3A_14, %cond3A_15 : i32
    scf.if %cond3A_16 {
      %lt3A_22 = arith.constant 15 : i32
      %lt3A_23 = arith.cmpi slt, %arg1, %lt3A_22 : i32
      %convert_element_type3A_24 = arith.extui %lt3A_23 : i1 to i32
      %cond3A_25 = arith.constant 0 : i32
      %cond3A_26 = arith.cmpi ne, %convert_element_type3A_24, %cond3A_25 : i32
      scf.if %cond3A_26 {
        %mul3A = arith.constant 632 : i32
        %mul3A_32 = arith.muli %arg1, %mul3A : i32
        %mul3A_33 = arith.constant 632 : i32
        %mul3A_34 = arith.muli %arg1, %mul3A_33 : i32
        "tpu.region"() ({
          %run_scoped3A = tpu.sem_alloc : memref<!tpu.dma_semaphore, #tpu.memory_space<semaphore_mem>>
          %dma_start3A = arith.constant 0 : i32
          %dma_start3A_35 = tpu.memref_slice %arg6[%mul3A_34, %dma_start3A] : memref<10000x128xf32, #tpu.memory_space<hbm>> -> memref<632x128xf32, #tpu.memory_space<hbm>>
          %dma_start3A_36 = arith.constant 0 : i32
          %dma_start3A_37 = tpu.memref_slice %arg11[%mul3A_32, %dma_start3A_36] : memref<10000x128xf32, #tpu.memory_space<vmem_shared>> -> memref<632x128xf32, #tpu.memory_space<vmem_shared>>
          tpu.enqueue_dma source(%dma_start3A_37 : memref<632x128xf32, #tpu.memory_space<vmem_shared>>) target(%dma_start3A_35 : memref<632x128xf32, #tpu.memory_space<hbm>>) target_semaphore(%run_scoped3A : memref<!tpu.dma_semaphore, #tpu.memory_space<semaphore_mem>>)
          %dma_wait3A = arith.constant 0 : i32
          %dma_wait3A_38 = tpu.memref_slice %arg6[%mul3A_34, %dma_wait3A] : memref<10000x128xf32, #tpu.memory_space<hbm>> -> memref<632x128xf32, #tpu.memory_space<hbm>>
          %dma_wait3A_39 = arith.constant 0 : i32
          %dma_wait3A_40 = tpu.memref_slice %arg11[%mul3A_32, %dma_wait3A_39] : memref<10000x128xf32, #tpu.memory_space<vmem_shared>> -> memref<632x128xf32, #tpu.memory_space<vmem_shared>>
          tpu.wait_dma2 semaphore(%run_scoped3A : memref<!tpu.dma_semaphore, #tpu.memory_space<semaphore_mem>>) src(%dma_wait3A_40 : memref<632x128xf32, #tpu.memory_space<vmem_shared>>) dst(%dma_wait3A_38 : memref<632x128xf32, #tpu.memory_space<hbm>>)
          tpu.yield
        }) : () -> ()
      } else {
      }
      %eq3A_27 = arith.constant 15 : i32
      %eq3A_28 = arith.cmpi eq, %arg1, %eq3A_27 : i32
      %convert_element_type3A_29 = arith.extui %eq3A_28 : i1 to i32
      %cond3A_30 = arith.constant 0 : i32
      %cond3A_31 = arith.cmpi ne, %convert_element_type3A_29, %cond3A_30 : i32
      scf.if %cond3A_31 {
        "tpu.region"() ({
          %run_scoped3A = tpu.sem_alloc : memref<!tpu.dma_semaphore, #tpu.memory_space<semaphore_mem>>
          %dma_start3A = arith.constant 9480 : i32
          %dma_start3A_32 = arith.constant 0 : i32
          %dma_start3A_33 = tpu.memref_slice %arg6[%dma_start3A, %dma_start3A_32] : memref<10000x128xf32, #tpu.memory_space<hbm>> -> memref<520x128xf32, #tpu.memory_space<hbm>>
          %dma_start3A_34 = arith.constant 9480 : i32
          %dma_start3A_35 = arith.constant 0 : i32
          %dma_start3A_36 = tpu.memref_slice %arg11[%dma_start3A_34, %dma_start3A_35] : memref<10000x128xf32, #tpu.memory_space<vmem_shared>> -> memref<520x128xf32, #tpu.memory_space<vmem_shared>>
          tpu.enqueue_dma source(%dma_start3A_36 : memref<520x128xf32, #tpu.memory_space<vmem_shared>>) target(%dma_start3A_33 : memref<520x128xf32, #tpu.memory_space<hbm>>) target_semaphore(%run_scoped3A : memref<!tpu.dma_semaphore, #tpu.memory_space<semaphore_mem>>)
          %dma_wait3A = arith.constant 9480 : i32
          %dma_wait3A_37 = arith.constant 0 : i32
          %dma_wait3A_38 = tpu.memref_slice %arg6[%dma_wait3A, %dma_wait3A_37] : memref<10000x128xf32, #tpu.memory_space<hbm>> -> memref<520x128xf32, #tpu.memory_space<hbm>>
          %dma_wait3A_39 = arith.constant 9480 : i32
          %dma_wait3A_40 = arith.constant 0 : i32
          %dma_wait3A_41 = tpu.memref_slice %arg11[%dma_wait3A_39, %dma_wait3A_40] : memref<10000x128xf32, #tpu.memory_space<vmem_shared>> -> memref<520x128xf32, #tpu.memory_space<vmem_shared>>
          tpu.wait_dma2 semaphore(%run_scoped3A : memref<!tpu.dma_semaphore, #tpu.memory_space<semaphore_mem>>) src(%dma_wait3A_41 : memref<520x128xf32, #tpu.memory_space<vmem_shared>>) dst(%dma_wait3A_38 : memref<520x128xf32, #tpu.memory_space<hbm>>)
          tpu.yield
        }) : () -> ()
      } else {
      }
    } else {
    }
    %eq3A_17 = arith.constant 1 : i32
    %eq3A_18 = arith.cmpi eq, %arg0, %eq3A_17 : i32
    %convert_element_type3A_19 = arith.extui %eq3A_18 : i1 to i32
    %cond3A_20 = arith.constant 0 : i32
    %cond3A_21 = arith.cmpi ne, %convert_element_type3A_19, %cond3A_20 : i32
    scf.if %cond3A_21 {
      %lt3A_22 = arith.constant 15 : i32
      %lt3A_23 = arith.cmpi slt, %arg1, %lt3A_22 : i32
      %convert_element_type3A_24 = arith.extui %lt3A_23 : i1 to i32
      %cond3A_25 = arith.constant 0 : i32
      %cond3A_26 = arith.cmpi ne, %convert_element_type3A_24, %cond3A_25 : i32
      scf.if %cond3A_26 {
        %mul3A = arith.constant 632 : i32
        %mul3A_32 = arith.muli %arg1, %mul3A : i32
        %mul3A_33 = arith.constant 632 : i32
        %mul3A_34 = arith.muli %arg1, %mul3A_33 : i32
        "tpu.region"() ({
          %run_scoped3A = tpu.sem_alloc : memref<!tpu.dma_semaphore, #tpu.memory_space<semaphore_mem>>
          %dma_start3A = arith.constant 0 : i32
          %dma_start3A_35 = tpu.memref_slice %arg7[%mul3A_34, %dma_start3A] : memref<10000x128xf32, #tpu.memory_space<hbm>> -> memref<632x128xf32, #tpu.memory_space<hbm>>
          %dma_start3A_36 = arith.constant 0 : i32
          %dma_start3A_37 = tpu.memref_slice %arg11[%mul3A_32, %dma_start3A_36] : memref<10000x128xf32, #tpu.memory_space<vmem_shared>> -> memref<632x128xf32, #tpu.memory_space<vmem_shared>>
          tpu.enqueue_dma source(%dma_start3A_37 : memref<632x128xf32, #tpu.memory_space<vmem_shared>>) target(%dma_start3A_35 : memref<632x128xf32, #tpu.memory_space<hbm>>) target_semaphore(%run_scoped3A : memref<!tpu.dma_semaphore, #tpu.memory_space<semaphore_mem>>)
          %dma_wait3A = arith.constant 0 : i32
          %dma_wait3A_38 = tpu.memref_slice %arg7[%mul3A_34, %dma_wait3A] : memref<10000x128xf32, #tpu.memory_space<hbm>> -> memref<632x128xf32, #tpu.memory_space<hbm>>
          %dma_wait3A_39 = arith.constant 0 : i32
          %dma_wait3A_40 = tpu.memref_slice %arg11[%mul3A_32, %dma_wait3A_39] : memref<10000x128xf32, #tpu.memory_space<vmem_shared>> -> memref<632x128xf32, #tpu.memory_space<vmem_shared>>
          tpu.wait_dma2 semaphore(%run_scoped3A : memref<!tpu.dma_semaphore, #tpu.memory_space<semaphore_mem>>) src(%dma_wait3A_40 : memref<632x128xf32, #tpu.memory_space<vmem_shared>>) dst(%dma_wait3A_38 : memref<632x128xf32, #tpu.memory_space<hbm>>)
          tpu.yield
        }) : () -> ()
      } else {
      }
      %eq3A_27 = arith.constant 15 : i32
      %eq3A_28 = arith.cmpi eq, %arg1, %eq3A_27 : i32
      %convert_element_type3A_29 = arith.extui %eq3A_28 : i1 to i32
      %cond3A_30 = arith.constant 0 : i32
      %cond3A_31 = arith.cmpi ne, %convert_element_type3A_29, %cond3A_30 : i32
      scf.if %cond3A_31 {
        "tpu.region"() ({
          %run_scoped3A = tpu.sem_alloc : memref<!tpu.dma_semaphore, #tpu.memory_space<semaphore_mem>>
          %dma_start3A = arith.constant 9480 : i32
          %dma_start3A_32 = arith.constant 0 : i32
          %dma_start3A_33 = tpu.memref_slice %arg7[%dma_start3A, %dma_start3A_32] : memref<10000x128xf32, #tpu.memory_space<hbm>> -> memref<520x128xf32, #tpu.memory_space<hbm>>
          %dma_start3A_34 = arith.constant 9480 : i32
          %dma_start3A_35 = arith.constant 0 : i32
          %dma_start3A_36 = tpu.memref_slice %arg11[%dma_start3A_34, %dma_start3A_35] : memref<10000x128xf32, #tpu.memory_space<vmem_shared>> -> memref<520x128xf32, #tpu.memory_space<vmem_shared>>
          tpu.enqueue_dma source(%dma_start3A_36 : memref<520x128xf32, #tpu.memory_space<vmem_shared>>) target(%dma_start3A_33 : memref<520x128xf32, #tpu.memory_space<hbm>>) target_semaphore(%run_scoped3A : memref<!tpu.dma_semaphore, #tpu.memory_space<semaphore_mem>>)
          %dma_wait3A = arith.constant 9480 : i32
          %dma_wait3A_37 = arith.constant 0 : i32
          %dma_wait3A_38 = tpu.memref_slice %arg7[%dma_wait3A, %dma_wait3A_37] : memref<10000x128xf32, #tpu.memory_space<hbm>> -> memref<520x128xf32, #tpu.memory_space<hbm>>
          %dma_wait3A_39 = arith.constant 9480 : i32
          %dma_wait3A_40 = arith.constant 0 : i32
          %dma_wait3A_41 = tpu.memref_slice %arg11[%dma_wait3A_39, %dma_wait3A_40] : memref<10000x128xf32, #tpu.memory_space<vmem_shared>> -> memref<520x128xf32, #tpu.memory_space<vmem_shared>>
          tpu.wait_dma2 semaphore(%run_scoped3A : memref<!tpu.dma_semaphore, #tpu.memory_space<semaphore_mem>>) src(%dma_wait3A_41 : memref<520x128xf32, #tpu.memory_space<vmem_shared>>) dst(%dma_wait3A_38 : memref<520x128xf32, #tpu.memory_space<hbm>>)
          tpu.yield
        }) : () -> ()
      } else {
      }
    } else {
    }
    return
  }
}

module attributes {stable_mosaic.version = 14 : i64} {
  func.func @_mm_body(%arg0: i32, %arg1: memref<2000x128xf32, #tpu.memory_space<vmem>>, %arg2: memref<128x128xf32, #tpu.memory_space<vmem>>, %arg3: memref<2000x128xf32, #tpu.memory_space<vmem>>) attributes {dimension_semantics = [#tpu.dimension_semantics<arbitrary>], iteration_bounds = array<i64: 5>, scalar_prefetch = 0 : i64, scratch_operands = 0 : i64, tpu.core_type = #tpu.core_type<tc>, window_params = [{transform_indices = @transform_0, window_bounds = array<i64: 2000, 128>}, {pipeline_mode = #tpu.pipeline_mode<synchronous>, transform_indices = @transform_1, window_bounds = array<i64: 128, 128>}, {transform_indices = @transform_2, window_bounds = array<i64: 2000, 128>}]} {
    %get3A = arith.constant 0 : index
    %get3A_0 = arith.constant 0 : index
    %get3A_1 = vector.load %arg1[%get3A, %get3A_0] : memref<2000x128xf32, #tpu.memory_space<vmem>>, vector<2000x128xf32>
    %get3A_2 = arith.constant 0 : index
    %get3A_3 = arith.constant 0 : index
    %get3A_4 = vector.load %arg2[%get3A_2, %get3A_3] : memref<128x128xf32, #tpu.memory_space<vmem>>, vector<128x128xf32>
    %dot_general3A = arith.constant dense<0.000000e+00> : vector<2000x128xf32>
    %dot_general3A_5 = tpu.matmul %get3A_1, %get3A_4, %dot_general3A {dimension_numbers = #tpu.dot_dimension_numbers<[1], [0], [0], [1], [0, 0, 1, 1], [], []>, transpose_lhs_hint = false} : vector<2000x128xf32>, vector<128x128xf32>, vector<2000x128xf32> -> vector<2000x128xf32>
    %swap3A = arith.constant 0 : index
    %swap3A_6 = arith.constant 0 : index
    %swap3A_7 = vector.load %arg3[%swap3A, %swap3A_6] : memref<2000x128xf32, #tpu.memory_space<vmem>>, vector<2000x128xf32>
    tpu.vector_store %arg3[%swap3A, %swap3A_6], %dot_general3A_5 {strides = array<i32>} : memref<2000x128xf32, #tpu.memory_space<vmem>>, vector<2000x128xf32>,
    return
  }
  func.func @transform_0(%arg0: i32) -> (i32, i32) {
    %c0_i32 = arith.constant 0 : i32
    %c0_i32_0 = arith.constant 0 : i32
    return %arg0, %c0_i32 : i32, i32
  }
  func.func @transform_1(%arg0: i32) -> (i32, i32) {
    %c0_i32 = arith.constant 0 : i32
    %c0_i32_0 = arith.constant 0 : i32
    %c0_i32_1 = arith.constant 0 : i32
    return %c0_i32, %c0_i32_0 : i32, i32
  }
  func.func @transform_2(%arg0: i32) -> (i32, i32) {
    %c0_i32 = arith.constant 0 : i32
    %c0_i32_0 = arith.constant 0 : i32
    return %arg0, %c0_i32 : i32, i32
  }
}

module attributes {stable_mosaic.version = 14 : i64} {
  func.func @_layer2_body(%arg0: i32, %arg1: memref<2000x128xf32, #tpu.memory_space<vmem>>, %arg2: memref<2000x128xf32, #tpu.memory_space<vmem>>, %arg3: memref<2000x1xf32, #tpu.memory_space<vmem>>, %arg4: memref<2000x1xf32, #tpu.memory_space<vmem>>, %arg5: memref<1x128xf32, #tpu.memory_space<vmem>>, %arg6: memref<128x128xf32, #tpu.memory_space<vmem>>, %arg7: memref<2000x128xf32, #tpu.memory_space<vmem>>) attributes {dimension_semantics = [#tpu.dimension_semantics<arbitrary>], iteration_bounds = array<i64: 5>, scalar_prefetch = 0 : i64, scratch_operands = 0 : i64, tpu.core_type = #tpu.core_type<tc>, window_params = [{transform_indices = @transform_0, window_bounds = array<i64: 2000, 128>}, {transform_indices = @transform_1, window_bounds = array<i64: 2000, 128>}, {transform_indices = @transform_2, window_bounds = array<i64: 2000, 1>}, {transform_indices = @transform_3, window_bounds = array<i64: 2000, 1>}, {pipeline_mode = #tpu.pipeline_mode<synchronous>, transform_indices = @transform_4, window_bounds = array<i64: 1, 128>}, {pipeline_mode = #tpu.pipeline_mode<synchronous>, transform_indices = @transform_5, window_bounds = array<i64: 128, 128>}, {transform_indices = @transform_6, window_bounds = array<i64: 2000, 128>}]} {
    %get3A = arith.constant 0 : index
    %get3A_0 = arith.constant 0 : index
    %get3A_1 = vector.load %arg3[%get3A, %get3A_0] : memref<2000x1xf32, #tpu.memory_space<vmem>>, vector<2000x1xf32>
    %get3A_2 = arith.constant 0 : index
    %get3A_3 = arith.constant 0 : index
    %get3A_4 = vector.load %arg4[%get3A_2, %get3A_3] : memref<2000x1xf32, #tpu.memory_space<vmem>>, vector<2000x1xf32>
    %add3A = arith.addf %get3A_1, %get3A_4 : vector<2000x1xf32>
    %gt3A = arith.constant 0.000000e+00 : f32
    %gt3A_5 = vector.broadcast %gt3A : f32 to vector<2000x1xf32>
    %gt3A_6 = arith.cmpf ogt, %add3A, %gt3A_5 : vector<2000x1xf32>
    %div3A = arith.constant 1.000000e+00 : f32
    %div3A_7 = vector.broadcast %div3A : f32 to vector<2000x1xf32>
    %div3A_8 = arith.divf %div3A_7, %add3A : vector<2000x1xf32>
    %jit3A = arith.constant 0.000000e+00 : f32
    %broadcast_in_dim3A = vector.broadcast %jit3A : f32 to vector<2000x1xf32>
    %select_n3A = arith.select %gt3A_6, %div3A_8, %broadcast_in_dim3A : vector<2000x1xi1>, vector<2000x1xf32>
    %get3A_9 = arith.constant 0 : index
    %get3A_10 = arith.constant 0 : index
    %get3A_11 = vector.load %arg1[%get3A_9, %get3A_10] : memref<2000x128xf32, #tpu.memory_space<vmem>>, vector<2000x128xf32>
    %get3A_12 = arith.constant 0 : index
    %get3A_13 = arith.constant 0 : index
    %get3A_14 = vector.load %arg2[%get3A_12, %get3A_13] : memref<2000x128xf32, #tpu.memory_space<vmem>>, vector<2000x128xf32>
    %add3A_15 = arith.addf %get3A_11, %get3A_14 : vector<2000x128xf32>
    %mul3A = vector.broadcast %select_n3A : vector<2000x1xf32> to vector<2000x128xf32>
    %mul3A_16 = arith.mulf %add3A_15, %mul3A : vector<2000x128xf32>
    %get3A_17 = arith.constant 0 : index
    %get3A_18 = arith.constant 0 : index
    %get3A_19 = vector.load %arg5[%get3A_17, %get3A_18] : memref<1x128xf32, #tpu.memory_space<vmem>>, vector<1x128xf32>
    %add3A_20 = vector.broadcast %get3A_19 : vector<1x128xf32> to vector<2000x128xf32>
    %add3A_21 = arith.addf %mul3A_16, %add3A_20 : vector<2000x128xf32>
    %ge3A = arith.constant 0.000000e+00 : f32
    %ge3A_22 = vector.broadcast %ge3A : f32 to vector<2000x128xf32>
    %ge3A_23 = arith.cmpf oge, %add3A_21, %ge3A_22 : vector<2000x128xf32>
    %mul3A_24 = arith.constant 2.000000e-01 : f32
    %mul3A_25 = vector.broadcast %mul3A_24 : f32 to vector<2000x128xf32>
    %mul3A_26 = arith.mulf %mul3A_25, %add3A_21 : vector<2000x128xf32>
    %select_n3A_27 = arith.select %ge3A_23, %add3A_21, %mul3A_26 : vector<2000x128xi1>, vector<2000x128xf32>
    %get3A_28 = arith.constant 0 : index
    %get3A_29 = arith.constant 0 : index
    %get3A_30 = vector.load %arg6[%get3A_28, %get3A_29] : memref<128x128xf32, #tpu.memory_space<vmem>>, vector<128x128xf32>
    %dot_general3A = arith.constant dense<0.000000e+00> : vector<2000x128xf32>
    %dot_general3A_31 = tpu.matmul %select_n3A_27, %get3A_30, %dot_general3A {dimension_numbers = #tpu.dot_dimension_numbers<[1], [0], [0], [1], [0, 0, 1, 1], [], []>, transpose_lhs_hint = false} : vector<2000x128xf32>, vector<128x128xf32>, vector<2000x128xf32> -> vector<2000x128xf32>
    %swap3A = arith.constant 0 : index
    %swap3A_32 = arith.constant 0 : index
    %swap3A_33 = vector.load %arg7[%swap3A, %swap3A_32] : memref<2000x128xf32, #tpu.memory_space<vmem>>, vector<2000x128xf32>
    tpu.vector_store %arg7[%swap3A, %swap3A_32], %dot_general3A_31 {strides = array<i32>} : memref<2000x128xf32, #tpu.memory_space<vmem>>, vector<2000x128xf32>,
    return
  }
  func.func @transform_0(%arg0: i32) -> (i32, i32) {
    %c0_i32 = arith.constant 0 : i32
    %c0_i32_0 = arith.constant 0 : i32
    return %arg0, %c0_i32 : i32, i32
  }
  func.func @transform_1(%arg0: i32) -> (i32, i32) {
    %c0_i32 = arith.constant 0 : i32
    %c0_i32_0 = arith.constant 0 : i32
    return %arg0, %c0_i32 : i32, i32
  }
  func.func @transform_2(%arg0: i32) -> (i32, i32) {
    %c0_i32 = arith.constant 0 : i32
    %c0_i32_0 = arith.constant 0 : i32
    return %arg0, %c0_i32 : i32, i32
  }
  func.func @transform_3(%arg0: i32) -> (i32, i32) {
    %c0_i32 = arith.constant 0 : i32
    %c0_i32_0 = arith.constant 0 : i32
    return %arg0, %c0_i32 : i32, i32
  }
  func.func @transform_4(%arg0: i32) -> (i32, i32) {
    %c0_i32 = arith.constant 0 : i32
    %c0_i32_0 = arith.constant 0 : i32
    %c0_i32_1 = arith.constant 0 : i32
    return %c0_i32, %c0_i32_0 : i32, i32
  }
  func.func @transform_5(%arg0: i32) -> (i32, i32) {
    %c0_i32 = arith.constant 0 : i32
    %c0_i32_0 = arith.constant 0 : i32
    %c0_i32_1 = arith.constant 0 : i32
    return %c0_i32, %c0_i32_0 : i32, i32
  }
  func.func @transform_6(%arg0: i32) -> (i32, i32) {
    %c0_i32 = arith.constant 0 : i32
    %c0_i32_0 = arith.constant 0 : i32
    return %arg0, %c0_i32 : i32, i32
  }
}

module attributes {stable_mosaic.version = 14 : i64} {
  func.func @_final_body(%arg0: i32, %arg1: memref<2000x128xf32, #tpu.memory_space<vmem>>, %arg2: memref<2000x128xf32, #tpu.memory_space<vmem>>, %arg3: memref<2000x1xf32, #tpu.memory_space<vmem>>, %arg4: memref<2000x1xf32, #tpu.memory_space<vmem>>, %arg5: memref<1x128xf32, #tpu.memory_space<vmem>>, %arg6: memref<2000x128xf32, #tpu.memory_space<vmem>>) attributes {dimension_semantics = [#tpu.dimension_semantics<arbitrary>], iteration_bounds = array<i64: 5>, scalar_prefetch = 0 : i64, scratch_operands = 0 : i64, tpu.core_type = #tpu.core_type<tc>, window_params = [{transform_indices = @transform_0, window_bounds = array<i64: 2000, 128>}, {transform_indices = @transform_1, window_bounds = array<i64: 2000, 128>}, {transform_indices = @transform_2, window_bounds = array<i64: 2000, 1>}, {transform_indices = @transform_3, window_bounds = array<i64: 2000, 1>}, {pipeline_mode = #tpu.pipeline_mode<synchronous>, transform_indices = @transform_4, window_bounds = array<i64: 1, 128>}, {transform_indices = @transform_5, window_bounds = array<i64: 2000, 128>}]} {
    %get3A = arith.constant 0 : index
    %get3A_0 = arith.constant 0 : index
    %get3A_1 = vector.load %arg3[%get3A, %get3A_0] : memref<2000x1xf32, #tpu.memory_space<vmem>>, vector<2000x1xf32>
    %get3A_2 = arith.constant 0 : index
    %get3A_3 = arith.constant 0 : index
    %get3A_4 = vector.load %arg4[%get3A_2, %get3A_3] : memref<2000x1xf32, #tpu.memory_space<vmem>>, vector<2000x1xf32>
    %add3A = arith.addf %get3A_1, %get3A_4 : vector<2000x1xf32>
    %gt3A = arith.constant 0.000000e+00 : f32
    %gt3A_5 = vector.broadcast %gt3A : f32 to vector<2000x1xf32>
    %gt3A_6 = arith.cmpf ogt, %add3A, %gt3A_5 : vector<2000x1xf32>
    %div3A = arith.constant 1.000000e+00 : f32
    %div3A_7 = vector.broadcast %div3A : f32 to vector<2000x1xf32>
    %div3A_8 = arith.divf %div3A_7, %add3A : vector<2000x1xf32>
    %jit3A = arith.constant 0.000000e+00 : f32
    %broadcast_in_dim3A = vector.broadcast %jit3A : f32 to vector<2000x1xf32>
    %select_n3A = arith.select %gt3A_6, %div3A_8, %broadcast_in_dim3A : vector<2000x1xi1>, vector<2000x1xf32>
    %get3A_9 = arith.constant 0 : index
    %get3A_10 = arith.constant 0 : index
    %get3A_11 = vector.load %arg1[%get3A_9, %get3A_10] : memref<2000x128xf32, #tpu.memory_space<vmem>>, vector<2000x128xf32>
    %get3A_12 = arith.constant 0 : index
    %get3A_13 = arith.constant 0 : index
    %get3A_14 = vector.load %arg2[%get3A_12, %get3A_13] : memref<2000x128xf32, #tpu.memory_space<vmem>>, vector<2000x128xf32>
    %add3A_15 = arith.addf %get3A_11, %get3A_14 : vector<2000x128xf32>
    %mul3A = vector.broadcast %select_n3A : vector<2000x1xf32> to vector<2000x128xf32>
    %mul3A_16 = arith.mulf %add3A_15, %mul3A : vector<2000x128xf32>
    %get3A_17 = arith.constant 0 : index
    %get3A_18 = arith.constant 0 : index
    %get3A_19 = vector.load %arg5[%get3A_17, %get3A_18] : memref<1x128xf32, #tpu.memory_space<vmem>>, vector<1x128xf32>
    %add3A_20 = vector.broadcast %get3A_19 : vector<1x128xf32> to vector<2000x128xf32>
    %add3A_21 = arith.addf %mul3A_16, %add3A_20 : vector<2000x128xf32>
    %mul3A_22 = arith.mulf %add3A_21, %add3A_21 : vector<2000x128xf32>
    %reduce_sum3A = arith.constant dense<0.000000e+00> : vector<2000xf32>
    %reduce_sum3A_23 = vector.multi_reduction <add>, %mul3A_22, %reduce_sum3A [1] : vector<2000x128xf32> to vector<2000xf32>
    %broadcast_in_dim3A_24 = vector.shape_cast %reduce_sum3A_23 : vector<2000xf32> to vector<2000x1xf32>
    %sqrt3A = math.sqrt %broadcast_in_dim3A_24 : vector<2000x1xf32>
    %max3A = arith.constant 9.99999996E-13 : f32
    %max3A_25 = vector.broadcast %max3A : f32 to vector<2000x1xf32>
    %max3A_26 = arith.maximumf %sqrt3A, %max3A_25 : vector<2000x1xf32>
    %div3A_27 = vector.broadcast %max3A_26 : vector<2000x1xf32> to vector<2000x128xf32>
    %div3A_28 = arith.divf %add3A_21, %div3A_27 : vector<2000x128xf32>
    %swap3A = arith.constant 0 : index
    %swap3A_29 = arith.constant 0 : index
    %swap3A_30 = vector.load %arg6[%swap3A, %swap3A_29] : memref<2000x128xf32, #tpu.memory_space<vmem>>, vector<2000x128xf32>
    tpu.vector_store %arg6[%swap3A, %swap3A_29], %div3A_28 {strides = array<i32>} : memref<2000x128xf32, #tpu.memory_space<vmem>>, vector<2000x128xf32>,
    return
  }
  func.func @transform_0(%arg0: i32) -> (i32, i32) {
    %c0_i32 = arith.constant 0 : i32
    %c0_i32_0 = arith.constant 0 : i32
    return %arg0, %c0_i32 : i32, i32
  }
  func.func @transform_1(%arg0: i32) -> (i32, i32) {
    %c0_i32 = arith.constant 0 : i32
    %c0_i32_0 = arith.constant 0 : i32
    return %arg0, %c0_i32 : i32, i32
  }
  func.func @transform_2(%arg0: i32) -> (i32, i32) {
    %c0_i32 = arith.constant 0 : i32
    %c0_i32_0 = arith.constant 0 : i32
    return %arg0, %c0_i32 : i32, i32
  }
  func.func @transform_3(%arg0: i32) -> (i32, i32) {
    %c0_i32 = arith.constant 0 : i32
    %c0_i32_0 = arith.constant 0 : i32
    return %arg0, %c0_i32 : i32, i32
  }
  func.func @transform_4(%arg0: i32) -> (i32, i32) {
    %c0_i32 = arith.constant 0 : i32
    %c0_i32_0 = arith.constant 0 : i32
    %c0_i32_1 = arith.constant 0 : i32
    return %c0_i32, %c0_i32_0 : i32, i32
  }
  func.func @transform_5(%arg0: i32) -> (i32, i32) {
    %c0_i32 = arith.constant 0 : i32
    %c0_i32_0 = arith.constant 0 : i32
    return %arg0, %c0_i32 : i32, i32
  }
}

</mosaic_0001>

<sc_bundles>
// kernel: kernel.11.cloned.1.call-start
scs
__scs_entry_jumppad:
0x0: {  	(pc) =	sbr.rel $0x88, $3  }
0x1: {  	(tag) =	ssettag $0x0;
	lr =	simm.s32 $0x1  }
0x2: {  	[smem:$0x3F9B] =	sst lr;
	_ =	strace $0xD0000000  }
0x3: {  	_ = 	snop  }
0x4: {  	_ = 	snop  }
0x5: {  	_ = 	snop  }
0x6: {  	_ = 	snop  }
0x7: {  	_ = 	snop  }
__scs_overlays_trampoline_lowered:
0x8: {  	[smem:$0x3FAA] =	sst s0  }
0x9: {  	[smem:$0x3FAB] =	sst s1  }
0xa: {  	[smem:$0x3FAC] =	sst s2  }
0xb: {  	[smem:$0x3FAD] =	sst s3  }
0xc: {  	[smem:$0x3FAE] =	sst s4  }
0xd: {  	[smem:$0x3FAF] =	sst s5  }
0xe: {  	[smem:$0x3FB0] =	sst s6  }
0xf: {  	[smem:$0x3FB1] =	sst s7  }
0x10: {  	[smem:$0x3FB2] =	sst s8  }
0x11: {  	[smem:$0x3FB3] =	sst s9;
	s0 =	simm.s32 @!p0 $0x0  }
0x12: {  	s1 =	sld [smem:$0x3F99];
	s0 =	simm.s32 @p0 $0x1  }
0x13: {  	[smem:$0x3FB4] =	sst s0;
	s0 =	simm.s32 @!p1 $0x0  }
0x14: {  	s2 =	sld [smem:$0x3F98];
	s0 =	simm.s32 @p1 $0x1  }
0x15: {  	[smem:$0x3FB5] =	sst s0;
	s0 =	simm.s32 @!p2 $0x0  }
0x16: {  	s3 =	sld [smem:$0x3FDB];
	s0 =	simm.s32 @p2 $0x1  }
0x17: {  	s4 =	simm.s32 $0x1BF5;
	[smem:$0x3FB7] =	sst s0  }
0x18: {  	s0 =	sld [smem:$0x3F9A];
	_ =	swait.ge [sflag:s4], $0x0  }
0x19: {  	s7 =	sld [smem:$0x3F9B]  }
0x1a: {  	s8 =	sadd.s32 $0xFFFFE003, lr  }
0x1b: {  	s9 =	sadd.s32 $0xFFFFFEF7, lr;
	s5 =	simm.s32 $0xFFFFFFFF;
	p2 =	slt.u32 s8, $0xFFFFF086  }
0x1c: {  	p1 =	slt.u32 s9, $0xF7A;
	s5 =	simm.s32 @!p2 $0x0  }
0x1d: {  	s5 =	simm.s32 @p1 $0x1;
	p0 =	seq.s32 s7, s2  }
0x1e: {  	s7 =	smul.u32 @!p0 $0xF7A, s2;
	p2 =	seq.s32 @!p0 s5, $0x0  }
0x1f: {  	s9 =	smul.u32 $0xF7A, s1;
	s8 =	simm.s32 @!p0 $0x1BF5;
	p2 =	por !p2, p0  }
0x20: {  	[sflag:s8] =	ssyncset.s32 @!p0 $0xFFFFF086;
	s6 =	sadd.s32 @!p0 s3, s7;
	s7 =	simm.s32 @!p0 $0x108  }
0x21: {  	s3 =	sadd.s32 s3, s9;
	s6 =	sadd.s32 @!p0 $0x88, s6;
	s7 =	simm.s32 @p2 $0x1082  }
0x22: {  	[simem:s7], [sflag:s8] =	dma.local @!p0 [hbm:s6], $0xF7A  }
0x23: {  	s9 =	sor.u32 $0xD0000000, s2;
	s6 =	simm.s32 $0x108;
	_ =	swait.ge @!p0 [sflag:s8], $0x0  }
0x24: {  	s3 =	sadd.s32 $0x88, s3;
	s6 =	simm.s32 @!p1 $0x1082;
	[sflag:s4] =	ssyncset.s32 $0xFFFFF086  }
0x25: {  	[simem:s6], [sflag:s4] =	dma.local [hbm:s3], $0xF7A  }
0x26: {  	[smem:$0x3F9B] =	sst s1;
	(tag) =	ssettag s2;
	_ =	strace s9  }
0x27: {  	s1 =	sld [smem:$0x3FAB]  }
0x28: {  	s2 =	sld [smem:$0x3FAC]  }
0x29: {  	s4 =	sld [smem:$0x3FAE]  }
0x2a: {  	p0 =	seq.s32 s5, $0x0;
	s5 =	sld [smem:$0x3FAF]  }
0x2b: {  	s6 =	sld [smem:$0x3FB0]  }
0x2c: {  	s7 =	sld [smem:$0x3FB1]  }
0x2d: {  	s3 =	simm.s32 $0x108;
	s8 =	sld [smem:$0x3FB2]  }
0x2e: {  	s3 =	simm.s32 @!p0 $0x1082;
	s9 =	sld [smem:$0x3FB3]  }
0x2f: {  	lr =	sadd.s32 s0, s3;
	s0 =	sld [smem:$0x3FAA]  }
0x30: {  	s3 =	sld [smem:$0x3FAD]  }
0x31: {  	[smem:$0x3FB6] =	sst s10  }
0x32: {  	s10 =	sld [smem:$0x3FB4];
	_ =	sdelay $0x3  }
0x33: {  	p0 =	seq.s32 s10, $0x1;
	s10 =	sld [smem:$0x3FB6];
	_ =	sdelay $0x3  }
0x34: {  	[smem:$0x3FB6] =	sst s10  }
0x35: {  	s10 =	sld [smem:$0x3FB5];
	_ =	sdelay $0x3  }
0x36: {  	p1 =	seq.s32 s10, $0x1;
	s10 =	sld [smem:$0x3FB6];
	_ =	sdelay $0x3  }
0x37: {  	[smem:$0x3FB6] =	sst s10  }
0x38: {  	s10 =	sld [smem:$0x3FB7]  }
0x39: {  	_ = 	snop;
	(pc) =	sbr.ind lr, $3  }
0x3a: {  	_ = 	snop  }
0x3b: {  	_ = 	snop  }
0x3c: {  	p2 =	seq.s32 s10, $0x1;
	s10 =	sld [smem:$0x3FB6]  }
0x3d: {  	_ =	shalt  }
0x3e: {  	_ =	shalt  }
0x3f: {  	_ =	shalt  }
0x40: {  	_ =	shalt  }
0x41: {  	_ =	shalt  }
0x42: {  	_ =	shalt  }
0x43: {  	_ =	shalt  }
0x44: {  	_ =	shalt  }
0x45: {  	_ =	shalt  }
0x46: {  	_ =	shalt  }
0x47: {  	_ =	shalt  }
0x48: {  	_ =	shalt  }
0x49: {  	_ =	shalt  }
0x4a: {  	_ =	shalt  }
0x4b: {  	_ =	shalt  }
0x4c: {  	_ =	shalt  }
0x4d: {  	_ =	shalt  }
0x4e: {  	_ =	shalt  }
0x4f: {  	_ =	shalt  }
0x50: {  	_ =	shalt  }
0x51: {  	_ =	shalt  }
0x52: {  	_ =	shalt  }
0x53: {  	_ =	shalt  }
0x54: {  	_ =	shalt  }
0x55: {  	_ =	shalt  }
0x56: {  	_ =	shalt  }
0x57: {  	_ =	shalt  }
0x58: {  	_ =	shalt  }
0x59: {  	_ =	shalt  }
0x5a: {  	_ =	shalt  }
0x5b: {  	_ =	shalt  }
0x5c: {  	_ =	shalt  }
0x5d: {  	_ =	shalt  }
0x5e: {  	_ =	shalt  }
0x5f: {  	_ =	shalt  }
0x60: {  	_ =	shalt  }
0x61: {  	_ =	shalt  }
0x62: {  	_ =	shalt  }
0x63: {  	_ =	shalt  }
0x64: {  	_ =	shalt  }
0x65: {  	_ =	shalt  }
0x66: {  	_ =	shalt  }
0x67: {  	_ =	shalt  }
0x68: {  	_ =	shalt  }
0x69: {  	_ =	shalt  }
0x6a: {  	_ =	shalt  }
0x6b: {  	_ =	shalt  }
0x6c: {  	_ =	shalt  }
0x6d: {  	_ =	shalt  }
0x6e: {  	_ =	shalt  }
0x6f: {  	_ =	shalt  }
0x70: {  	_ =	shalt  }
0x71: {  	_ =	shalt  }
0x72: {  	_ =	shalt  }
0x73: {  	_ =	shalt  }
0x74: {  	_ =	shalt  }
0x75: {  	_ =	shalt  }
0x76: {  	_ =	shalt  }
0x77: {  	_ =	shalt  }
0x78: {  	_ =	shalt  }
0x79: {  	_ =	shalt  }
0x7a: {  	_ =	shalt  }
0x7b: {  	_ =	shalt  }
0x7c: {  	_ =	shalt  }
0x7d: {  	_ =	shalt  }
0x7e: {  	_ =	shalt  }
0x7f: {  	_ =	shalt  }
0x80: {  	_ =	shalt  }
0x81: {  	_ =	shalt  }
0x82: {  	_ =	shalt  }
0x83: {  	_ =	shalt  }
0x84: {  	_ =	shalt  }
0x85: {  	_ =	shalt  }
0x86: {  	_ =	shalt  }
0x87: {  	_ =	shalt  }
.Lfunc_end0:
.L_simem_size_0:
called_computation.1_lowered:
.L_overlay_start_0:
0x88: {  	s2 =	sld [smem:$0x3FD9]  }
0x89: {  	s3 =	sld [smem:$0x3FFE];
	_ =	sdelay $0x1  }
0x8a: {  	s1 =	srdreg.scid  }
0x8b: {  	s0 =	sand.u32 $0x1, s1  }
0x8c: {  	s17 =	sshll.u32 s0, $0xA;
	s2 =	sadd.s32 s3, s2  }
0x8d: {  	s2 =	sadd.s32 s2, s17  }
0x8e: {  	[smem:$0x3FC2] =	sst s2  }
0x8f: {  	_ = 	snop  }
0x90: {  	s18 =	sld [smem:$0x3FD0];
	(tm) =	ssettm $0x1  }
0x91: {  	s19 =	sld [smem:$0x3FFB];
	_ =	sdelay $0x3  }
0x92: {  	_ =	strace s19  }
0x93: {  	s2 =	sld [smem:$0x3FFC];
	_ =	sdelay $0x3  }
0x94: {  	_ =	strace s2  }
0x95: {  	s2 =	sld [smem:$0x3FFD];
	_ =	sdelay $0x3  }
0x96: {  	_ =	strace s2  }
0x97: {  	_ =	strace $0x8FFFFFFF  }
0x98: {  	s20 =	sld [smem:$0x3FDB];
	_ =	sdelay $0x1  }
0x99: {  	s4 =	simm.s32 $_scs_section_size  }
0x9a: {  	s5 =	simm.s32 $_size__tile_overlayer_lowered;
	s6 =	simm.s32 $_tile_overlayer_lowered  }
0x9b: {  	s7 =	simm.s32 $0x1BFF;
	s21 =	sshll.u32 s6, $0x1;
	s4 =	sadd.s32 s4, s20  }
0x9c: {  	s22 =	simm.s32 $0x0;
	s5 =	sshll.u32 s5, $0x1;
	s6 =	sadd.s32 s21, s4  }
0x9d: {  	[timem:s22], [sflag:s7] =	dma.local [hbm:s6], s5  }
0x9e: {  	_ =	swait.ge [sflag:s7], s5  }
0x9f: {  	s5 =	ssub.s32 $0x0, s5;
	[sflag:s7] =	ssyncset.done $0x0  }
0xa0: {  	[sflag:s7] =	ssyncadd.s32 s5;
	_ =	sdelay $0x1  }
0xa1: {  	s23 =	simm.s32 $0x1B8B  }
0xa2: {  	_ =	swait.ge [sflag:s23], $0x1  }
0xa3: {  	[sflag:s23] =	ssyncset.done $0x0  }
0xa4: {  	[sflag:s23] =	ssyncadd.s32 $0xFFFFFFFF  }
0xa5: {  	s5 =	sld [smem:$0x0]  }
0xa6: {  	s6 =	sand.u32 $0xFFFFFFFE, s1  }
0xa7: {  	p0 =	sne.s32 s1, s6  }
0xa8: {  	s6 =	sshll.u32 @p0 s6, $0xE  }
0xa9: {  	s6 =	sadd.s32 @p0 $0x11B8D, s6;
	s7 =	sshll.u32 @p0 s5, $0x11  }
0xaa: {  	s6 =	sor.u32 @p0 s7, s6  }
0xab: {  	[sflag:s6] =	ssyncadd.remote.s32 @p0 $0x1;
	_ =	sdelay $0x1  }
0xac: {  	s6 =	simm.s32 @p0 $0x1B8D  }
0xad: {  	_ =	swait.eq @p0 [sflag:s6], $0x1  }
0xae: {  	[sflag:s6] =	ssyncadd.s32 @p0 $0xFFFFFFFF  }
0xaf: {  	s7 =	sshll.u32 @!p0 s1, $0xE  }
0xb0: {  	s7 =	sor.u32 @!p0 $0x4000, s7;
	s6 =	simm.s32 @!p0 $0x1B8D  }
0xb1: {  	s5 =	sshll.u32 @!p0 s5, $0x11;
	s7 =	sadd.s32 @!p0 $0x11B8D, s7;
	_ =	swait.eq @!p0 [sflag:s6], $0x1  }
0xb2: {  	s5 =	sor.u32 @!p0 s5, s7;
	[sflag:s6] =	ssyncadd.s32 @!p0 $0xFFFFFFFF  }
0xb3: {  	s25 =	simm.s32 $0x1B8E;
	s24 =	sld [smem:$0x3FFE];
	[sflag:s5] =	ssyncadd.remote.s32 @!p0 $0x1  }
0xb4: {  	s26 =	simm.s32 $execute0_lowered;
	[smem:$0x3FD2] =	sst s25  }
0xb5: {  	s6 =	sshll.u32 s26, $0x1;
	_ =	strace $0x80000049;
	[dreg:$0x1] =	wrdreg $0xFFFFFFFF  }
0xb6: {  	s28 =	simm.s32 $_size_execute0_lowered;
	s4 =	sadd.s32 s4, s6;
	[dreg:$0x0] =	wrdreg $0x0  }
0xb7: {  	s6 =	sshll.u32 s28, $0x1;
	[dreg:$0x2] =	wrdreg s4  }
0xb8: {  	[dreg:$0x3] =	wrdreg s6  }
0xb9: {  	[dreg:$0x4] =	wrdreg $0xC0  }
0xba: {  	_ =	task [dreg:s22], $0x5FFFF  }
0xbb: {  	[dreg:$0x1] =	wrdreg $0xFFFFFFFF  }
0xbc: {  	[dreg:$0x0] =	wrdreg $0x60  }
0xbd: {  	[dreg:$0x2] =	wrdreg s18  }
0xbe: {  	[dreg:$0x3] =	wrdreg s24  }
0xbf: {  	[dreg:$0x4] =	wrdreg $0xBC000  }
0xc0: {  	[dreg:$0x5] =	wrdreg $0xA  }
0xc1: {  	_ =	task.clear_ibuf [dreg:s22], $0x6FFFF;
	_ =	strace $0x90000049  }
0xc2: {  	s29 =	simm.s32 $0xA;
	_ =	strace $0x8000004B  }
0xc3: {  	_ =	swait.ge [sflag:s29], $0x1  }
0xc4: {  	[sflag:s29] =	ssyncadd.s32 $0xFFFFFFFF  }
0xc5: {  	_ =	strace $0x9000004B  }
0xc6: {  	_ =	sfence  }
0xc7: {  	s30 =	sld [smem:$0x0];
	_ =	sdelay $0x2  }
0xc8: {  	s31 =	sshll.u32 s1, $0xD;
	s1 =	sshrl.u32 s1, $0x2  }
0xc9: {  	s4 =	sand.u32 $0x4000, s31;
	s1 =	sadd.s32 s1, s30  }
0xca: {  	s0 =	sor.u32 s4, s0;
	s1 =	sshll.u32 s1, $0x11  }
0xcb: {  	s0 =	sor.u32 s1, s0  }
0xcc: {  	s0 =	sadd.s32 $0x8F2B, s0  }
0xcd: {  	[sflag:s0] =	ssyncadd.remote.s32 $0x1  }
0xce: {  	_ =	sfence.sel $0xFFFF  }
0xcf: {  	[dreg:$0x0] =	wrdreg $0xFFFFFFFF;
	(pc) =	sbr.abs _section_cstart, $3  }
0xd0: {  	[dreg:$0x1] =	wrdreg $0xFFFFFFFF  }
0xd1: {  	_ =	task.clear_ibuf [dreg:s22], $0x2FFFF;
	_ =	strace $0x9FFFFFFF  }
0xd2: {  	(tm) =	ssettm $0x7FFFFFFF  }
0xd3: {  	_ =	shalt  }
tec
execute0_lowered:
.L_overlay_start_1:
0x0: {  	(tag) =	ssettag $0x1  }
0x1: {  	s1 =	rddreg [dreg:$0x0]  }
0x2: {  	s14 =	rddreg [dreg:$0x1]  }
0x3: {  	s2 =	rddreg [dreg:$0x2];
	s4 =	simm.s32 $0x0;
	s0 =	stileid.u32  }
0x4: {  	s6 =	srdreg.scid;
	s19 =	simm.s32 $0x7;
	s20 =	simm.s32 $0x64  }
0x5: {  	s21 =	simm.s32 $0x2000;
	s22 =	simm.s32 $0x80;
	s23 =	simm.s32 $0x5400  }
0x6: {  	s24 =	simm.s32 $0x4;
	[smem:$0x7FF] =	sst s4;
	s5 =	sadd.s32 $0x1E000, s14  }
0x7: {  	s11 =	sand.u32 $0x1, s6;
	s8 =	smul.u32 $0x4F000, s0;
	s6 =	sadd.s32 $0xE000, s14  }
0x8: {  	s9 =	smul.u32 $0x2780, s0;
	s7 =	sadd.s32 $0x2E000, s14;
	s31 =	sshll.u32 s0, $0xB  }
0x9: {  	p0 =	seq.s32 s0, $0xF;
	_ =	strace $0x8000004A;
	s10 =	ssub.s32 $0x2, s11  }
0xa: {  	s30 =	sshll.u32 s11, $0xF;
	p4 =	seq.s32 s11, $0x1;
	s17 =	sshll.u32 @!p0 s0, $0x6  }
0xb: {  	s12 =	sshrl.u32 s10, $0x1;
	s8 =	sshrl.u32 s8, $0x2;
	s13 =	sadd.s32 s9, s14  }
0xc: {  	s9 =	sadd.s32 $0x128400, s2;
	s17 =	sor.u32 @!p0 $0x1C07, s17;
	p2 =	seq.s32 @p4 s0, $0xF  }
0xd: {  	p5 =	seq.s32 @!p4 s0, $0xF;
	s15 =	ssub.s32 s10, s12;
	s8 =	sadd.s32 s8, s2  }
0xe: {  	s10 =	sor.u32 s31, s30;
	s11 =	sadd.s32 $0x30800, s13;
	s12 =	sadd.s32 $0x55880, s14  }
0xf: {  	s13 =	sadd.s32 $0x57A00, s13;
	s14 =	sadd.s32 $0x7CA80, s14;
	s16 =	sshrl.u32 @p0 s9, $0x3  }
0x10: {  	p1 =	por !p2, !p4;
	p2 =	por p2, !p4;
	p3 =	por !p5, p4  }
0x11: {  	p4 =	por p5, p4;
	s15 =	smax.u32 s15, $0x1;
	s18 =	sshrl.u32 @!p0 s8, $0x3  }
.LBB2_1:
0x12: {  	s25 =	simm.s32 @p0 $0x1FC7  }
0x13: {  	[spmem:s16], [sflag:s25] =	dma.local @p0 [hbm:s7], $0x2080  }
0x14: {  	s25 =	simm.s32 @p0 $0x7  }
0x15: {  	_ =	swait.ge @p0 [sflag:s25], $0x2080  }
0x16: {  	[sflag:s25] =	ssyncset.done @p0 $0x0  }
0x17: {  	[sflag:s25] =	ssyncadd.s32 @p0 $0xFFFFDF80;
	s25 =	simm.s32 @!p0 $0x7  }
0x18: {  	[spmem:s18], [sflag:s17] =	dma.local @!p0 [hbm:s7], $0x2780  }
0x19: {  	_ =	swait.ge @!p0 [sflag:s25], $0x2780  }
0x1a: {  	[sflag:s25] =	ssyncset.done @!p0 $0x0  }
0x1b: {  	[sflag:s25] =	ssyncadd.s32 @!p0 $0xFFFFD880  }
0x1c: {  	s25 =	simm.s32 $0x0;
	[bflag:$0x0] =	sbarrier.arrive $0xFFFF  }
.LBB2_2:
0x1d: {  	s26 =	sshll.u32 s25, $0x9  }
0x1e: {  	s28 =	sadd.s32 s10, s26  }
0x1f: {  	s26 =	simm.s32 $0x0;
	s29 =	sadd.s32 s5, s28  }
0x20: {  	[tilespmem:s26], [sflag:$0x7] =	stream.linear.gather [hbm4b:s29+s26], $0xC80, $0x38;
	[tilespmem:$0x1F480] =	vst v63  }
0x21: {  	_ =	swait.ge [sflag:s19], $0xC80  }
0x22: {  	[sflag:s19] =	ssyncset.done $0x0  }
0x23: {  	s29 =	sadd.s32 s6, s28;
	s28 =	simm.s32 $0x1000;
	[sflag:s19] =	ssyncadd.s32 $0xFFFFF380  }
0x24: {  	[tilespmem:s28], [sflag:$0x7] =	stream.linear.gather [hbm4b:s29+s26], $0xC80, $0x38;
	[tilespmem:$0x1F480] =	vst v63  }
0x25: {  	_ =	swait.ge [sflag:s19], $0xC80  }
0x26: {  	[sflag:s19] =	ssyncset.done $0x0  }
0x27: {  	[sflag:s19] =	ssyncadd.s32 $0xFFFFF380  }
0x28: {  	[tilespmem:s21], [sflag:$0x1] =	stream.indirect.gather [hbm4b:s1+s20], $0x80, s26, s20, $0xb8;
	[tilespmem:$0x1F480] =	vst v63  }
0x29: {  	s29 =	simm.s32 $0x100  }
0x2a: {  	[tilespmem:s23], [sflag:$0x2] =	stream.indirect.gather [hbm4b:s1+s20], $0x80, s22, s20, $0xb8;
	[tilespmem:$0x1F480] =	vst v63  }
.LBB2_3:
0x2b: {  	s30 =	smul.u32 $0xAB, s26;
	_ =	sdelay $0x1  }
0x2c: {  	s31 =	sshrl.u32 s30, $0x9  }
0x2d: {  	s30 =	sadd.s32 $0x156, s30;
	s31 =	sand.u32 $0x7F, s31  }
0x2e: {  	s30 =	sshrl.u32 s30, $0x9;
	s31 =	smul.u32 $0x3, s31  }
0x2f: {  	s30 =	sand.u32 $0x7F, s30  }
0x30: {  	s30 =	smul.u32 $0x3, s30;
	s31 =	ssub.s32 s26, s31  }
0x31: {  	s31 =	sand.u32 $0xFF, s31  }
0x32: {  	s30 =	ssub.s32 s26, s30;
	s0 =	smul.u32 $0xD000, s31;
	s3 =	sadd.s32 $0x1, s31  }
0x33: {  	p5 =	seq.s32 s26, $0x0;
	s30 =	sadd.s32 $0x2, s30;
	_ =	swait.ge [sflag:s3], $0x3200  }
0x34: {  	s31 =	sor.u32 $0x4, s31;
	s0 =	sshrl.u32 s0, $0x2;
	[sflag:s3] =	ssyncset.done $0x0  }
0x35: {  	s30 =	sand.u32 $0xFF, s30;
	s0 =	sadd.s32 $0x2000, s0;
	[sflag:s3] =	ssyncadd.s32 $0xFFFFCE00  }
0x36: {  	[spmem:s2] =	stream.indirect.scatter.add.f32 [tilespmem:s0], [sflag:s31], $0x80, s28, s20, $0xb8;
	[tilespmem:$0x1F480] =	vst v63  }
0x37: {  	s0 =	sadd.s32 @!p5 $0x4, s30  }
0x38: {  	p6 =	sgt.u32 @!p5 s26, $0x16;
	_ =	swait.ge @!p5 [sflag:s0], $0x3200  }
0x39: {  	p6 =	por p5, !p6;
	s26 =	sadd.s32 $0x1, s26;
	[sflag:s0] =	ssyncset.done @!p5 $0x0  }
0x3a: {  	[sflag:s0] =	ssyncadd.s32 @!p5 $0xFFFFCE00;
	s0 =	smul.u32 @p6 $0xD000, s30;
	p5 =	sne.s32 s26, $0x19  }
.Ltmp0:
0x3b: {  	_ = 	snop;
	(pc) =	sbr.rel @p5 .LBB2_3-.Ltmp0, $4  }
0x3c: {  	s0 =	sshrl.u32 @p6 s0, $0x2  }
0x3d: {  	s3 =	sadd.s32 @p6 $0x1, s30;
	s0 =	sadd.s32 @p6 $0x2000, s0  }
0x3e: {  	[tilespmem:s0], [sflag:s3] =	stream.indirect.gather @p6 [hbm4b:s1+s20], $0x80, s29, s20, $0xb8;
	[tilespmem:$0x1F480] =	vst v63  }
0x3f: {  	s28 =	sadd.s32 $0x80, s28;
	s29 =	sadd.s32 $0x80, s29  }
0x40: {  	s25 =	sadd.s32 $0x1, s25  }
0x41: {  	p5 =	sne.s32 s25, $0x4  }
.Ltmp1:
0x42: {  	_ = 	snop;
	(pc) =	sbr.rel @p5 .LBB2_2-.Ltmp1, $4  }
0x43: {  	_ = 	snop  }
0x44: {  	_ =	swait.ge [sflag:s24], $0x3200  }
0x45: {  	[sflag:s24] =	ssyncset.done $0x0  }
0x46: {  	[sflag:s24] =	ssyncadd.s32 $0xFFFFCE00  }
0x47: {  	[bflag:$0x0] =	sbarrier.arrive $0xFFFF;
	s0 =	sshrl.u32 @!p1 s9, $0x3;
	s3 =	simm.s32 @!p1 $0x1FC7  }
0x48: {  	[hbm:s14], [sflag:s3] =	dma.local @!p1 [spmem:s0], $0x2080  }
0x49: {  	s0 =	simm.s32 @!p1 $0x7  }
0x4a: {  	s26 =	stileid.u32;
	_ =	swait.ge @!p1 [sflag:s0], $0x2080  }
0x4b: {  	s3 =	sshll.u32 @!p2 s26, $0x6;
	[sflag:s0] =	ssyncset.done @!p1 $0x0  }
0x4c: {  	[sflag:s0] =	ssyncadd.s32 @!p1 $0xFFFFDF80;
	s0 =	sor.u32 @!p2 $0x1C07, s3;
	s3 =	sshrl.u32 @!p2 s8, $0x3  }
0x4d: {  	[hbm:s13], [sflag:s0] =	dma.local @!p2 [spmem:s3], $0x2780  }
0x4e: {  	s0 =	simm.s32 @!p2 $0x7  }
0x4f: {  	_ =	swait.ge @!p2 [sflag:s0], $0x2780  }
0x50: {  	[sflag:s0] =	ssyncset.done @!p2 $0x0  }
0x51: {  	s3 =	simm.s32 @!p3 $0x1FC7;
	[sflag:s0] =	ssyncadd.s32 @!p2 $0xFFFFD880;
	s0 =	sshrl.u32 @!p3 s9, $0x3  }
0x52: {  	[hbm:s12], [sflag:s3] =	dma.local @!p3 [spmem:s0], $0x2080  }
0x53: {  	s0 =	simm.s32 @!p3 $0x7  }
0x54: {  	s4 =	sadd.s32 $0x1, s4;
	_ =	swait.ge @!p3 [sflag:s0], $0x2080  }
0x55: {  	p5 =	sne.s32 s4, s15;
	s3 =	sshll.u32 @!p4 s26, $0x6;
	[sflag:s0] =	ssyncset.done @!p3 $0x0  }
0x56: {  	[sflag:s0] =	ssyncadd.s32 @!p3 $0xFFFFDF80;
	s0 =	sor.u32 @!p4 $0x1C07, s3;
	s3 =	sshrl.u32 @!p4 s8, $0x3  }
0x57: {  	[hbm:s11], [sflag:s0] =	dma.local @!p4 [spmem:s3], $0x2780  }
.Ltmp2:
0x58: {  	_ = 	snop;
	(pc) =	sbr.rel @p5 .LBB2_1-.Ltmp2, $4  }
0x59: {  	s0 =	simm.s32 @!p4 $0x7  }
0x5a: {  	_ =	swait.ge @!p4 [sflag:s0], $0x2780  }
0x5b: {  	[sflag:s0] =	ssyncset.done @!p4 $0x0  }
0x5c: {  	s25 =	stileid.u32;
	[sflag:s0] =	ssyncadd.s32 @!p4 $0xFFFFD880  }
0x5d: {  	_ =	sfence.sel $0x180000  }
0x5e: {  	[bflag:$0x0] =	sbarrier.arrive $0xFFFF  }
0x5f: {  	_ =	strace $0x9000004A  }
0x60: {  	[bflag:$0x2] =	sbarrier.arrive $0xFFFF  }
0x61: {  	p0 =	sne.s32 s25, $0x0;
	s0 =	rddreg [dreg:$0x3]  }
0x62: {  	s0 =	sadd.s32 @!p0 $0x100000, s0  }
0x63: {  	[sflag:s0] =	ssyncadd.tile.s32 @!p0 $0x1;
	_ =	shalt  }
.Lfunc_end2:
_tile_overlayer_lowered:
.L_overlay_start_2:
0x64: {  	(tag) =	ssettag $0x2  }
0x65: {  	s0 =	rddreg [dreg:$0x0];
	s2 =	stileid.u32  }
0x66: {  	s1 =	rddreg [dreg:$0x1];
	p0 =	sne.s32 s2, $0x0  }
0x67: {  	s3 =	rddreg [dreg:$0x2];
	[bflag:$0x3] =	sbarrier.arrive $0xFFFF;
	s2 =	simm.s32 @!p0 $0x1C07  }
0x68: {  	[timem:s3], [sflag:s2] =	dma.local @!p0 [hbm:s0], s1  }
0x69: {  	s0 =	simm.s32 @!p0 $0x7  }
0x6a: {  	_ =	swait.ge @!p0 [sflag:s0], s1  }
0x6b: {  	s1 =	ssub.s32 @!p0 $0x0, s1;
	[sflag:s0] =	ssyncset.done @!p0 $0x0  }
0x6c: {  	[sflag:s0] =	ssyncadd.s32 @!p0 s1  }
0x6d: {  	[bflag:$0x3] =	sbarrier.arrive $0xFFFF  }
0x6e: {  	_ =	shalt  }

// kernel: kernel.14.cloned.1.call-start
scs
__scs_entry_jumppad:
0x0: {  	(pc) =	sbr.rel $0x88, $3  }
0x1: {  	(tag) =	ssettag $0x0;
	lr =	simm.s32 $0x1  }
0x2: {  	[smem:$0x3F9B] =	sst lr;
	_ =	strace $0xD0000000  }
0x3: {  	_ = 	snop  }
0x4: {  	_ = 	snop  }
0x5: {  	_ = 	snop  }
0x6: {  	_ = 	snop  }
0x7: {  	_ = 	snop  }
__scs_overlays_trampoline_lowered:
0x8: {  	[smem:$0x3FAA] =	sst s0  }
0x9: {  	[smem:$0x3FAB] =	sst s1  }
0xa: {  	[smem:$0x3FAC] =	sst s2  }
0xb: {  	[smem:$0x3FAD] =	sst s3  }
0xc: {  	[smem:$0x3FAE] =	sst s4  }
0xd: {  	[smem:$0x3FAF] =	sst s5  }
0xe: {  	[smem:$0x3FB0] =	sst s6  }
0xf: {  	[smem:$0x3FB1] =	sst s7  }
0x10: {  	[smem:$0x3FB2] =	sst s8  }
0x11: {  	[smem:$0x3FB3] =	sst s9;
	s0 =	simm.s32 @!p0 $0x0  }
0x12: {  	s1 =	sld [smem:$0x3F99];
	s0 =	simm.s32 @p0 $0x1  }
0x13: {  	[smem:$0x3FB4] =	sst s0;
	s0 =	simm.s32 @!p1 $0x0  }
0x14: {  	s2 =	sld [smem:$0x3F98];
	s0 =	simm.s32 @p1 $0x1  }
0x15: {  	[smem:$0x3FB5] =	sst s0;
	s0 =	simm.s32 @!p2 $0x0  }
0x16: {  	s3 =	sld [smem:$0x3FDB];
	s0 =	simm.s32 @p2 $0x1  }
0x17: {  	s4 =	simm.s32 $0x1BF5;
	[smem:$0x3FB7] =	sst s0  }
0x18: {  	s0 =	sld [smem:$0x3F9A];
	_ =	swait.ge [sflag:s4], $0x0  }
0x19: {  	s7 =	sld [smem:$0x3F9B]  }
0x1a: {  	s8 =	sadd.s32 $0xFFFFE003, lr  }
0x1b: {  	s9 =	sadd.s32 $0xFFFFFEF7, lr;
	s5 =	simm.s32 $0xFFFFFFFF;
	p2 =	slt.u32 s8, $0xFFFFF086  }
0x1c: {  	p1 =	slt.u32 s9, $0xF7A;
	s5 =	simm.s32 @!p2 $0x0  }
0x1d: {  	s5 =	simm.s32 @p1 $0x1;
	p0 =	seq.s32 s7, s2  }
0x1e: {  	s7 =	smul.u32 @!p0 $0xF7A, s2;
	p2 =	seq.s32 @!p0 s5, $0x0  }
0x1f: {  	s9 =	smul.u32 $0xF7A, s1;
	s8 =	simm.s32 @!p0 $0x1BF5;
	p2 =	por !p2, p0  }
0x20: {  	[sflag:s8] =	ssyncset.s32 @!p0 $0xFFFFF086;
	s6 =	sadd.s32 @!p0 s3, s7;
	s7 =	simm.s32 @!p0 $0x108  }
0x21: {  	s3 =	sadd.s32 s3, s9;
	s6 =	sadd.s32 @!p0 $0x88, s6;
	s7 =	simm.s32 @p2 $0x1082  }
0x22: {  	[simem:s7], [sflag:s8] =	dma.local @!p0 [hbm:s6], $0xF7A  }
0x23: {  	s9 =	sor.u32 $0xD0000000, s2;
	s6 =	simm.s32 $0x108;
	_ =	swait.ge @!p0 [sflag:s8], $0x0  }
0x24: {  	s3 =	sadd.s32 $0x88, s3;
	s6 =	simm.s32 @!p1 $0x1082;
	[sflag:s4] =	ssyncset.s32 $0xFFFFF086  }
0x25: {  	[simem:s6], [sflag:s4] =	dma.local [hbm:s3], $0xF7A  }
0x26: {  	[smem:$0x3F9B] =	sst s1;
	(tag) =	ssettag s2;
	_ =	strace s9  }
0x27: {  	s1 =	sld [smem:$0x3FAB]  }
0x28: {  	s2 =	sld [smem:$0x3FAC]  }
0x29: {  	s4 =	sld [smem:$0x3FAE]  }
0x2a: {  	p0 =	seq.s32 s5, $0x0;
	s5 =	sld [smem:$0x3FAF]  }
0x2b: {  	s6 =	sld [smem:$0x3FB0]  }
0x2c: {  	s7 =	sld [smem:$0x3FB1]  }
0x2d: {  	s3 =	simm.s32 $0x108;
	s8 =	sld [smem:$0x3FB2]  }
0x2e: {  	s3 =	simm.s32 @!p0 $0x1082;
	s9 =	sld [smem:$0x3FB3]  }
0x2f: {  	lr =	sadd.s32 s0, s3;
	s0 =	sld [smem:$0x3FAA]  }
0x30: {  	s3 =	sld [smem:$0x3FAD]  }
0x31: {  	[smem:$0x3FB6] =	sst s10  }
0x32: {  	s10 =	sld [smem:$0x3FB4];
	_ =	sdelay $0x3  }
0x33: {  	p0 =	seq.s32 s10, $0x1;
	s10 =	sld [smem:$0x3FB6];
	_ =	sdelay $0x3  }
0x34: {  	[smem:$0x3FB6] =	sst s10  }
0x35: {  	s10 =	sld [smem:$0x3FB5];
	_ =	sdelay $0x3  }
0x36: {  	p1 =	seq.s32 s10, $0x1;
	s10 =	sld [smem:$0x3FB6];
	_ =	sdelay $0x3  }
0x37: {  	[smem:$0x3FB6] =	sst s10  }
0x38: {  	s10 =	sld [smem:$0x3FB7]  }
0x39: {  	_ = 	snop;
	(pc) =	sbr.ind lr, $3  }
0x3a: {  	_ = 	snop  }
0x3b: {  	_ = 	snop  }
0x3c: {  	p2 =	seq.s32 s10, $0x1;
	s10 =	sld [smem:$0x3FB6]  }
0x3d: {  	_ =	shalt  }
0x3e: {  	_ =	shalt  }
0x3f: {  	_ =	shalt  }
0x40: {  	_ =	shalt  }
0x41: {  	_ =	shalt  }
0x42: {  	_ =	shalt  }
0x43: {  	_ =	shalt  }
0x44: {  	_ =	shalt  }
0x45: {  	_ =	shalt  }
0x46: {  	_ =	shalt  }
0x47: {  	_ =	shalt  }
0x48: {  	_ =	shalt  }
0x49: {  	_ =	shalt  }
0x4a: {  	_ =	shalt  }
0x4b: {  	_ =	shalt  }
0x4c: {  	_ =	shalt  }
0x4d: {  	_ =	shalt  }
0x4e: {  	_ =	shalt  }
0x4f: {  	_ =	shalt  }
0x50: {  	_ =	shalt  }
0x51: {  	_ =	shalt  }
0x52: {  	_ =	shalt  }
0x53: {  	_ =	shalt  }
0x54: {  	_ =	shalt  }
0x55: {  	_ =	shalt  }
0x56: {  	_ =	shalt  }
0x57: {  	_ =	shalt  }
0x58: {  	_ =	shalt  }
0x59: {  	_ =	shalt  }
0x5a: {  	_ =	shalt  }
0x5b: {  	_ =	shalt  }
0x5c: {  	_ =	shalt  }
0x5d: {  	_ =	shalt  }
0x5e: {  	_ =	shalt  }
0x5f: {  	_ =	shalt  }
0x60: {  	_ =	shalt  }
0x61: {  	_ =	shalt  }
0x62: {  	_ =	shalt  }
0x63: {  	_ =	shalt  }
0x64: {  	_ =	shalt  }
0x65: {  	_ =	shalt  }
0x66: {  	_ =	shalt  }
0x67: {  	_ =	shalt  }
0x68: {  	_ =	shalt  }
0x69: {  	_ =	shalt  }
0x6a: {  	_ =	shalt  }
0x6b: {  	_ =	shalt  }
0x6c: {  	_ =	shalt  }
0x6d: {  	_ =	shalt  }
0x6e: {  	_ =	shalt  }
0x6f: {  	_ =	shalt  }
0x70: {  	_ =	shalt  }
0x71: {  	_ =	shalt  }
0x72: {  	_ =	shalt  }
0x73: {  	_ =	shalt  }
0x74: {  	_ =	shalt  }
0x75: {  	_ =	shalt  }
0x76: {  	_ =	shalt  }
0x77: {  	_ =	shalt  }
0x78: {  	_ =	shalt  }
0x79: {  	_ =	shalt  }
0x7a: {  	_ =	shalt  }
0x7b: {  	_ =	shalt  }
0x7c: {  	_ =	shalt  }
0x7d: {  	_ =	shalt  }
0x7e: {  	_ =	shalt  }
0x7f: {  	_ =	shalt  }
0x80: {  	_ =	shalt  }
0x81: {  	_ =	shalt  }
0x82: {  	_ =	shalt  }
0x83: {  	_ =	shalt  }
0x84: {  	_ =	shalt  }
0x85: {  	_ =	shalt  }
0x86: {  	_ =	shalt  }
0x87: {  	_ =	shalt  }
.Lfunc_end0:
.L_simem_size_0:
called_computation.2_lowered:
.L_overlay_start_0:
0x88: {  	s2 =	sld [smem:$0x3FD9]  }
0x89: {  	s3 =	sld [smem:$0x3FFE];
	_ =	sdelay $0x1  }
0x8a: {  	s1 =	srdreg.scid  }
0x8b: {  	s0 =	sand.u32 $0x1, s1  }
0x8c: {  	s17 =	sshll.u32 s0, $0xA;
	s2 =	sadd.s32 s3, s2  }
0x8d: {  	s2 =	sadd.s32 s2, s17  }
0x8e: {  	[smem:$0x3FC2] =	sst s2  }
0x8f: {  	_ = 	snop  }
0x90: {  	s2 =	sld [smem:$0x3FD0];
	(tm) =	ssettm $0x1  }
0x91: {  	s18 =	sld [smem:$0x3FFB];
	_ =	sdelay $0x3  }
0x92: {  	_ =	strace s18  }
0x93: {  	s3 =	sld [smem:$0x3FFC];
	_ =	sdelay $0x3  }
0x94: {  	_ =	strace s3  }
0x95: {  	s3 =	sld [smem:$0x3FFD];
	_ =	sdelay $0x3  }
0x96: {  	_ =	strace s3  }
0x97: {  	_ =	strace $0x8FFFFFFF  }
0x98: {  	s19 =	sld [smem:$0x3FDB];
	_ =	sdelay $0x1  }
0x99: {  	s4 =	simm.s32 $_scs_section_size  }
0x9a: {  	s5 =	simm.s32 $_size__tile_overlayer_lowered;
	s6 =	simm.s32 $_tile_overlayer_lowered  }
0x9b: {  	s22 =	simm.s32 $0x1BFF;
	s21 =	sshll.u32 s6, $0x1;
	s3 =	sadd.s32 s4, s19  }
0x9c: {  	s7 =	simm.s32 $0x0;
	s20 =	sshll.u32 s5, $0x1;
	s5 =	sadd.s32 s21, s3  }
0x9d: {  	[timem:s7], [sflag:s22] =	dma.local [hbm:s5], s20  }
0x9e: {  	_ =	swait.ge [sflag:s22], s20  }
0x9f: {  	s4 =	ssub.s32 $0x0, s20;
	[sflag:s22] =	ssyncset.done $0x0  }
0xa0: {  	[sflag:s22] =	ssyncadd.s32 s4;
	_ =	sdelay $0x1  }
0xa1: {  	s23 =	simm.s32 $0x1B8B  }
0xa2: {  	_ =	swait.ge [sflag:s23], $0x1  }
0xa3: {  	[sflag:s23] =	ssyncset.done $0x0  }
0xa4: {  	s25 =	simm.s32 $0x1B8E;
	s24 =	sld [smem:$0x3FFE];
	[sflag:s23] =	ssyncadd.s32 $0xFFFFFFFF  }
0xa5: {  	s26 =	simm.s32 $execute0_lowered;
	[smem:$0x3FD2] =	sst s25  }
0xa6: {  	s5 =	sshll.u32 s26, $0x1;
	_ =	strace $0x8000004C;
	[dreg:$0x1] =	wrdreg $0xFFFFFFFF  }
0xa7: {  	s28 =	simm.s32 $_size_execute0_lowered;
	s3 =	sadd.s32 s3, s5;
	[dreg:$0x0] =	wrdreg $0x0  }
0xa8: {  	s5 =	sshll.u32 s28, $0x1;
	[dreg:$0x2] =	wrdreg s3  }
0xa9: {  	[dreg:$0x3] =	wrdreg s5  }
0xaa: {  	[dreg:$0x4] =	wrdreg $0xC0  }
0xab: {  	_ =	task [dreg:s7], $0x5FFFF  }
0xac: {  	[dreg:$0x1] =	wrdreg $0xFFFFFFFF  }
0xad: {  	[dreg:$0x0] =	wrdreg $0x60  }
0xae: {  	[dreg:$0x2] =	wrdreg s2  }
0xaf: {  	[dreg:$0x3] =	wrdreg s24  }
0xb0: {  	[dreg:$0x4] =	wrdreg $0xBC000  }
0xb1: {  	[dreg:$0x5] =	wrdreg $0x9  }
0xb2: {  	_ =	task.clear_ibuf [dreg:s7], $0x6FFFF;
	_ =	strace $0x9000004C  }
0xb3: {  	s29 =	simm.s32 $0x9;
	_ =	strace $0x8000004E  }
0xb4: {  	_ =	swait.ge [sflag:s29], $0x1  }
0xb5: {  	[sflag:s29] =	ssyncadd.s32 $0xFFFFFFFF  }
0xb6: {  	_ =	strace $0x9000004E  }
0xb7: {  	_ =	sfence  }
0xb8: {  	s30 =	sld [smem:$0x0];
	_ =	sdelay $0x2  }
0xb9: {  	s31 =	sshll.u32 s1, $0xD;
	s1 =	sshrl.u32 s1, $0x2  }
0xba: {  	s3 =	sand.u32 $0x4000, s31;
	s1 =	sadd.s32 s1, s30  }
0xbb: {  	s0 =	sor.u32 s3, s0;
	s1 =	sshll.u32 s1, $0x11  }
0xbc: {  	s0 =	sor.u32 s1, s0  }
0xbd: {  	s0 =	sadd.s32 $0x8F2B, s0  }
0xbe: {  	[sflag:s0] =	ssyncadd.remote.s32 $0x1  }
0xbf: {  	_ =	sfence.sel $0xFFFF  }
0xc0: {  	[dreg:$0x0] =	wrdreg $0xFFFFFFFF;
	(pc) =	sbr.abs _section_cstart, $3  }
0xc1: {  	[dreg:$0x1] =	wrdreg $0xFFFFFFFF  }
0xc2: {  	_ =	task.clear_ibuf [dreg:s7], $0x2FFFF;
	_ =	strace $0x9FFFFFFF  }
0xc3: {  	(tm) =	ssettm $0x7FFFFFFF  }
tec
execute0_lowered:
.L_overlay_start_1:
0x0: {  	(tag) =	ssettag $0x1  }
0x1: {  	s1 =	rddreg [dreg:$0x0]  }
0x2: {  	s14 =	rddreg [dreg:$0x1]  }
0x3: {  	s2 =	rddreg [dreg:$0x2];
	s4 =	simm.s32 $0x0;
	s0 =	stileid.u32  }
0x4: {  	s6 =	srdreg.scid;
	s19 =	simm.s32 $0x7;
	s20 =	simm.s32 $0x64  }
0x5: {  	s21 =	simm.s32 $0x2000;
	s22 =	simm.s32 $0x80;
	s23 =	simm.s32 $0x5400  }
0x6: {  	s24 =	simm.s32 $0x4;
	[smem:$0x7FF] =	sst s4;
	s5 =	sadd.s32 $0x1E000, s14  }
0x7: {  	s11 =	sand.u32 $0x1, s6;
	s8 =	smul.u32 $0x4F000, s0;
	s6 =	sadd.s32 $0xE000, s14  }
0x8: {  	s9 =	smul.u32 $0x2780, s0;
	s7 =	sadd.s32 $0x2E000, s14;
	s31 =	sshll.u32 s0, $0xB  }
0x9: {  	p0 =	seq.s32 s0, $0xF;
	_ =	strace $0x8000004D;
	s10 =	ssub.s32 $0x2, s11  }
0xa: {  	s30 =	sshll.u32 s11, $0xF;
	p4 =	seq.s32 s11, $0x1;
	s17 =	sshll.u32 @!p0 s0, $0x6  }
0xb: {  	s12 =	sshrl.u32 s10, $0x1;
	s8 =	sshrl.u32 s8, $0x2;
	s13 =	sadd.s32 s9, s14  }
0xc: {  	s9 =	sadd.s32 $0x128400, s2;
	s17 =	sor.u32 @!p0 $0x1C07, s17;
	p2 =	seq.s32 @p4 s0, $0xF  }
0xd: {  	p5 =	seq.s32 @!p4 s0, $0xF;
	s15 =	ssub.s32 s10, s12;
	s8 =	sadd.s32 s8, s2  }
0xe: {  	s10 =	sor.u32 s31, s30;
	s11 =	sadd.s32 $0x30800, s13;
	s12 =	sadd.s32 $0x55880, s14  }
0xf: {  	s13 =	sadd.s32 $0x57A00, s13;
	s14 =	sadd.s32 $0x7CA80, s14;
	s16 =	sshrl.u32 @p0 s9, $0x3  }
0x10: {  	p1 =	por !p2, !p4;
	p2 =	por p2, !p4;
	p3 =	por !p5, p4  }
0x11: {  	p4 =	por p5, p4;
	s15 =	smax.u32 s15, $0x1;
	s18 =	sshrl.u32 @!p0 s8, $0x3  }
.LBB2_1:
0x12: {  	s25 =	simm.s32 @p0 $0x1FC7  }
0x13: {  	[spmem:s16], [sflag:s25] =	dma.local @p0 [hbm:s7], $0x2080  }
0x14: {  	s25 =	simm.s32 @p0 $0x7  }
0x15: {  	_ =	swait.ge @p0 [sflag:s25], $0x2080  }
0x16: {  	[sflag:s25] =	ssyncset.done @p0 $0x0  }
0x17: {  	[sflag:s25] =	ssyncadd.s32 @p0 $0xFFFFDF80;
	s25 =	simm.s32 @!p0 $0x7  }
0x18: {  	[spmem:s18], [sflag:s17] =	dma.local @!p0 [hbm:s7], $0x2780  }
0x19: {  	_ =	swait.ge @!p0 [sflag:s25], $0x2780  }
0x1a: {  	[sflag:s25] =	ssyncset.done @!p0 $0x0  }
0x1b: {  	[sflag:s25] =	ssyncadd.s32 @!p0 $0xFFFFD880  }
0x1c: {  	s25 =	simm.s32 $0x0;
	[bflag:$0x0] =	sbarrier.arrive $0xFFFF  }
.LBB2_2:
0x1d: {  	s26 =	sshll.u32 s25, $0x9  }
0x1e: {  	s28 =	sadd.s32 s10, s26  }
0x1f: {  	s26 =	simm.s32 $0x0;
	s29 =	sadd.s32 s5, s28  }
0x20: {  	[tilespmem:s26], [sflag:$0x7] =	stream.linear.gather [hbm4b:s29+s26], $0xC80, $0x38;
	[tilespmem:$0x1F480] =	vst v63  }
0x21: {  	_ =	swait.ge [sflag:s19], $0xC80  }
0x22: {  	[sflag:s19] =	ssyncset.done $0x0  }
0x23: {  	s29 =	sadd.s32 s6, s28;
	s28 =	simm.s32 $0x1000;
	[sflag:s19] =	ssyncadd.s32 $0xFFFFF380  }
0x24: {  	[tilespmem:s28], [sflag:$0x7] =	stream.linear.gather [hbm4b:s29+s26], $0xC80, $0x38;
	[tilespmem:$0x1F480] =	vst v63  }
0x25: {  	_ =	swait.ge [sflag:s19], $0xC80  }
0x26: {  	[sflag:s19] =	ssyncset.done $0x0  }
0x27: {  	[sflag:s19] =	ssyncadd.s32 $0xFFFFF380  }
0x28: {  	[tilespmem:s21], [sflag:$0x1] =	stream.indirect.gather [hbm4b:s1+s20], $0x80, s26, s20, $0xb8;
	[tilespmem:$0x1F480] =	vst v63  }
0x29: {  	s29 =	simm.s32 $0x100  }
0x2a: {  	[tilespmem:s23], [sflag:$0x2] =	stream.indirect.gather [hbm4b:s1+s20], $0x80, s22, s20, $0xb8;
	[tilespmem:$0x1F480] =	vst v63  }
.LBB2_3:
0x2b: {  	s30 =	smul.u32 $0xAB, s26;
	_ =	sdelay $0x1  }
0x2c: {  	s31 =	sshrl.u32 s30, $0x9  }
0x2d: {  	s30 =	sadd.s32 $0x156, s30;
	s31 =	sand.u32 $0x7F, s31  }
0x2e: {  	s30 =	sshrl.u32 s30, $0x9;
	s31 =	smul.u32 $0x3, s31  }
0x2f: {  	s30 =	sand.u32 $0x7F, s30  }
0x30: {  	s30 =	smul.u32 $0x3, s30;
	s31 =	ssub.s32 s26, s31  }
0x31: {  	s31 =	sand.u32 $0xFF, s31  }
0x32: {  	s30 =	ssub.s32 s26, s30;
	s0 =	smul.u32 $0xD000, s31;
	s3 =	sadd.s32 $0x1, s31  }
0x33: {  	p5 =	seq.s32 s26, $0x0;
	s30 =	sadd.s32 $0x2, s30;
	_ =	swait.ge [sflag:s3], $0x3200  }
0x34: {  	s31 =	sor.u32 $0x4, s31;
	s0 =	sshrl.u32 s0, $0x2;
	[sflag:s3] =	ssyncset.done $0x0  }
0x35: {  	s30 =	sand.u32 $0xFF, s30;
	s0 =	sadd.s32 $0x2000, s0;
	[sflag:s3] =	ssyncadd.s32 $0xFFFFCE00  }
0x36: {  	[spmem:s2] =	stream.indirect.scatter.add.f32 [tilespmem:s0], [sflag:s31], $0x80, s28, s20, $0xb8;
	[tilespmem:$0x1F480] =	vst v63  }
0x37: {  	s0 =	sadd.s32 @!p5 $0x4, s30  }
0x38: {  	p6 =	sgt.u32 @!p5 s26, $0x16;
	_ =	swait.ge @!p5 [sflag:s0], $0x3200  }
0x39: {  	p6 =	por p5, !p6;
	s26 =	sadd.s32 $0x1, s26;
	[sflag:s0] =	ssyncset.done @!p5 $0x0  }
0x3a: {  	[sflag:s0] =	ssyncadd.s32 @!p5 $0xFFFFCE00;
	s0 =	smul.u32 @p6 $0xD000, s30;
	p5 =	sne.s32 s26, $0x19  }
.Ltmp0:
0x3b: {  	_ = 	snop;
	(pc) =	sbr.rel @p5 .LBB2_3-.Ltmp0, $4  }
0x3c: {  	s0 =	sshrl.u32 @p6 s0, $0x2  }
0x3d: {  	s3 =	sadd.s32 @p6 $0x1, s30;
	s0 =	sadd.s32 @p6 $0x2000, s0  }
0x3e: {  	[tilespmem:s0], [sflag:s3] =	stream.indirect.gather @p6 [hbm4b:s1+s20], $0x80, s29, s20, $0xb8;
	[tilespmem:$0x1F480] =	vst v63  }
0x3f: {  	s28 =	sadd.s32 $0x80, s28;
	s29 =	sadd.s32 $0x80, s29  }
0x40: {  	s25 =	sadd.s32 $0x1, s25  }
0x41: {  	p5 =	sne.s32 s25, $0x4  }
.Ltmp1:
0x42: {  	_ = 	snop;
	(pc) =	sbr.rel @p5 .LBB2_2-.Ltmp1, $4  }
0x43: {  	_ = 	snop  }
0x44: {  	_ =	swait.ge [sflag:s24], $0x3200  }
0x45: {  	[sflag:s24] =	ssyncset.done $0x0  }
0x46: {  	[sflag:s24] =	ssyncadd.s32 $0xFFFFCE00  }
0x47: {  	[bflag:$0x0] =	sbarrier.arrive $0xFFFF;
	s0 =	sshrl.u32 @!p1 s9, $0x3;
	s3 =	simm.s32 @!p1 $0x1FC7  }
0x48: {  	[hbm:s14], [sflag:s3] =	dma.local @!p1 [spmem:s0], $0x2080  }
0x49: {  	s0 =	simm.s32 @!p1 $0x7  }
0x4a: {  	s26 =	stileid.u32;
	_ =	swait.ge @!p1 [sflag:s0], $0x2080  }
0x4b: {  	s3 =	sshll.u32 @!p2 s26, $0x6;
	[sflag:s0] =	ssyncset.done @!p1 $0x0  }
0x4c: {  	[sflag:s0] =	ssyncadd.s32 @!p1 $0xFFFFDF80;
	s0 =	sor.u32 @!p2 $0x1C07, s3;
	s3 =	sshrl.u32 @!p2 s8, $0x3  }
0x4d: {  	[hbm:s13], [sflag:s0] =	dma.local @!p2 [spmem:s3], $0x2780  }
0x4e: {  	s0 =	simm.s32 @!p2 $0x7  }
0x4f: {  	_ =	swait.ge @!p2 [sflag:s0], $0x2780  }
0x50: {  	[sflag:s0] =	ssyncset.done @!p2 $0x0  }
0x51: {  	s3 =	simm.s32 @!p3 $0x1FC7;
	[sflag:s0] =	ssyncadd.s32 @!p2 $0xFFFFD880;
	s0 =	sshrl.u32 @!p3 s9, $0x3  }
0x52: {  	[hbm:s12], [sflag:s3] =	dma.local @!p3 [spmem:s0], $0x2080  }
0x53: {  	s0 =	simm.s32 @!p3 $0x7  }
0x54: {  	s4 =	sadd.s32 $0x1, s4;
	_ =	swait.ge @!p3 [sflag:s0], $0x2080  }
0x55: {  	p5 =	sne.s32 s4, s15;
	s3 =	sshll.u32 @!p4 s26, $0x6;
	[sflag:s0] =	ssyncset.done @!p3 $0x0  }
0x56: {  	[sflag:s0] =	ssyncadd.s32 @!p3 $0xFFFFDF80;
	s0 =	sor.u32 @!p4 $0x1C07, s3;
	s3 =	sshrl.u32 @!p4 s8, $0x3  }
0x57: {  	[hbm:s11], [sflag:s0] =	dma.local @!p4 [spmem:s3], $0x2780  }
.Ltmp2:
0x58: {  	_ = 	snop;
	(pc) =	sbr.rel @p5 .LBB2_1-.Ltmp2, $4  }
0x59: {  	s0 =	simm.s32 @!p4 $0x7  }
0x5a: {  	_ =	swait.ge @!p4 [sflag:s0], $0x2780  }
0x5b: {  	[sflag:s0] =	ssyncset.done @!p4 $0x0  }
0x5c: {  	s25 =	stileid.u32;
	[sflag:s0] =	ssyncadd.s32 @!p4 $0xFFFFD880  }
0x5d: {  	_ =	sfence.sel $0x180000  }
0x5e: {  	[bflag:$0x0] =	sbarrier.arrive $0xFFFF  }
0x5f: {  	_ =	strace $0x9000004D  }
0x60: {  	[bflag:$0x2] =	sbarrier.arrive $0xFFFF  }
0x61: {  	p0 =	sne.s32 s25, $0x0;
	s0 =	rddreg [dreg:$0x3]  }
0x62: {  	s0 =	sadd.s32 @!p0 $0x100000, s0  }
0x63: {  	[sflag:s0] =	ssyncadd.tile.s32 @!p0 $0x1;
	_ =	shalt  }
.Lfunc_end2:
_tile_overlayer_lowered:
.L_overlay_start_2:
0x64: {  	(tag) =	ssettag $0x2  }
0x65: {  	s0 =	rddreg [dreg:$0x0];
	s2 =	stileid.u32  }
0x66: {  	s1 =	rddreg [dreg:$0x1];
	p0 =	sne.s32 s2, $0x0  }
0x67: {  	s3 =	rddreg [dreg:$0x2];
	[bflag:$0x3] =	sbarrier.arrive $0xFFFF;
	s2 =	simm.s32 @!p0 $0x1C07  }
0x68: {  	[timem:s3], [sflag:s2] =	dma.local @!p0 [hbm:s0], s1  }
0x69: {  	s0 =	simm.s32 @!p0 $0x7  }
0x6a: {  	_ =	swait.ge @!p0 [sflag:s0], s1  }
0x6b: {  	s1 =	ssub.s32 @!p0 $0x0, s1;
	[sflag:s0] =	ssyncset.done @!p0 $0x0  }
0x6c: {  	[sflag:s0] =	ssyncadd.s32 @!p0 s1  }
0x6d: {  	[bflag:$0x3] =	sbarrier.arrive $0xFFFF  }
0x6e: {  	_ =	shalt  }

// kernel: kernel.8.cloned.1.call-start
scs
__scs_entry_jumppad:
0x0: {  	(pc) =	sbr.rel $0x88, $3  }
0x1: {  	(tag) =	ssettag $0x0;
	lr =	simm.s32 $0x1  }
0x2: {  	[smem:$0x3F9B] =	sst lr;
	_ =	strace $0xD0000000  }
0x3: {  	_ = 	snop  }
0x4: {  	_ = 	snop  }
0x5: {  	_ = 	snop  }
0x6: {  	_ = 	snop  }
0x7: {  	_ = 	snop  }
__scs_overlays_trampoline_lowered:
0x8: {  	[smem:$0x3FAA] =	sst s0  }
0x9: {  	[smem:$0x3FAB] =	sst s1  }
0xa: {  	[smem:$0x3FAC] =	sst s2  }
0xb: {  	[smem:$0x3FAD] =	sst s3  }
0xc: {  	[smem:$0x3FAE] =	sst s4  }
0xd: {  	[smem:$0x3FAF] =	sst s5  }
0xe: {  	[smem:$0x3FB0] =	sst s6  }
0xf: {  	[smem:$0x3FB1] =	sst s7  }
0x10: {  	[smem:$0x3FB2] =	sst s8  }
0x11: {  	[smem:$0x3FB3] =	sst s9;
	s0 =	simm.s32 @!p0 $0x0  }
0x12: {  	s1 =	sld [smem:$0x3F99];
	s0 =	simm.s32 @p0 $0x1  }
0x13: {  	[smem:$0x3FB4] =	sst s0;
	s0 =	simm.s32 @!p1 $0x0  }
0x14: {  	s2 =	sld [smem:$0x3F98];
	s0 =	simm.s32 @p1 $0x1  }
0x15: {  	[smem:$0x3FB5] =	sst s0;
	s0 =	simm.s32 @!p2 $0x0  }
0x16: {  	s3 =	sld [smem:$0x3FDB];
	s0 =	simm.s32 @p2 $0x1  }
0x17: {  	s4 =	simm.s32 $0x1BF5;
	[smem:$0x3FB7] =	sst s0  }
0x18: {  	s0 =	sld [smem:$0x3F9A];
	_ =	swait.ge [sflag:s4], $0x0  }
0x19: {  	s7 =	sld [smem:$0x3F9B]  }
0x1a: {  	s8 =	sadd.s32 $0xFFFFE003, lr  }
0x1b: {  	s9 =	sadd.s32 $0xFFFFFEF7, lr;
	s5 =	simm.s32 $0xFFFFFFFF;
	p2 =	slt.u32 s8, $0xFFFFF086  }
0x1c: {  	p1 =	slt.u32 s9, $0xF7A;
	s5 =	simm.s32 @!p2 $0x0  }
0x1d: {  	s5 =	simm.s32 @p1 $0x1;
	p0 =	seq.s32 s7, s2  }
0x1e: {  	s7 =	smul.u32 @!p0 $0xF7A, s2;
	p2 =	seq.s32 @!p0 s5, $0x0  }
0x1f: {  	s9 =	smul.u32 $0xF7A, s1;
	s8 =	simm.s32 @!p0 $0x1BF5;
	p2 =	por !p2, p0  }
0x20: {  	[sflag:s8] =	ssyncset.s32 @!p0 $0xFFFFF086;
	s6 =	sadd.s32 @!p0 s3, s7;
	s7 =	simm.s32 @!p0 $0x108  }
0x21: {  	s3 =	sadd.s32 s3, s9;
	s6 =	sadd.s32 @!p0 $0x88, s6;
	s7 =	simm.s32 @p2 $0x1082  }
0x22: {  	[simem:s7], [sflag:s8] =	dma.local @!p0 [hbm:s6], $0xF7A  }
0x23: {  	s9 =	sor.u32 $0xD0000000, s2;
	s6 =	simm.s32 $0x108;
	_ =	swait.ge @!p0 [sflag:s8], $0x0  }
0x24: {  	s3 =	sadd.s32 $0x88, s3;
	s6 =	simm.s32 @!p1 $0x1082;
	[sflag:s4] =	ssyncset.s32 $0xFFFFF086  }
0x25: {  	[simem:s6], [sflag:s4] =	dma.local [hbm:s3], $0xF7A  }
0x26: {  	[smem:$0x3F9B] =	sst s1;
	(tag) =	ssettag s2;
	_ =	strace s9  }
0x27: {  	s1 =	sld [smem:$0x3FAB]  }
0x28: {  	s2 =	sld [smem:$0x3FAC]  }
0x29: {  	s4 =	sld [smem:$0x3FAE]  }
0x2a: {  	p0 =	seq.s32 s5, $0x0;
	s5 =	sld [smem:$0x3FAF]  }
0x2b: {  	s6 =	sld [smem:$0x3FB0]  }
0x2c: {  	s7 =	sld [smem:$0x3FB1]  }
0x2d: {  	s3 =	simm.s32 $0x108;
	s8 =	sld [smem:$0x3FB2]  }
0x2e: {  	s3 =	simm.s32 @!p0 $0x1082;
	s9 =	sld [smem:$0x3FB3]  }
0x2f: {  	lr =	sadd.s32 s0, s3;
	s0 =	sld [smem:$0x3FAA]  }
0x30: {  	s3 =	sld [smem:$0x3FAD]  }
0x31: {  	[smem:$0x3FB6] =	sst s10  }
0x32: {  	s10 =	sld [smem:$0x3FB4];
	_ =	sdelay $0x3  }
0x33: {  	p0 =	seq.s32 s10, $0x1;
	s10 =	sld [smem:$0x3FB6];
	_ =	sdelay $0x3  }
0x34: {  	[smem:$0x3FB6] =	sst s10  }
0x35: {  	s10 =	sld [smem:$0x3FB5];
	_ =	sdelay $0x3  }
0x36: {  	p1 =	seq.s32 s10, $0x1;
	s10 =	sld [smem:$0x3FB6];
	_ =	sdelay $0x3  }
0x37: {  	[smem:$0x3FB6] =	sst s10  }
0x38: {  	s10 =	sld [smem:$0x3FB7]  }
0x39: {  	_ = 	snop;
	(pc) =	sbr.ind lr, $3  }
0x3a: {  	_ = 	snop  }
0x3b: {  	_ = 	snop  }
0x3c: {  	p2 =	seq.s32 s10, $0x1;
	s10 =	sld [smem:$0x3FB6]  }
0x3d: {  	_ =	shalt  }
0x3e: {  	_ =	shalt  }
0x3f: {  	_ =	shalt  }
0x40: {  	_ =	shalt  }
0x41: {  	_ =	shalt  }
0x42: {  	_ =	shalt  }
0x43: {  	_ =	shalt  }
0x44: {  	_ =	shalt  }
0x45: {  	_ =	shalt  }
0x46: {  	_ =	shalt  }
0x47: {  	_ =	shalt  }
0x48: {  	_ =	shalt  }
0x49: {  	_ =	shalt  }
0x4a: {  	_ =	shalt  }
0x4b: {  	_ =	shalt  }
0x4c: {  	_ =	shalt  }
0x4d: {  	_ =	shalt  }
0x4e: {  	_ =	shalt  }
0x4f: {  	_ =	shalt  }
0x50: {  	_ =	shalt  }
0x51: {  	_ =	shalt  }
0x52: {  	_ =	shalt  }
0x53: {  	_ =	shalt  }
0x54: {  	_ =	shalt  }
0x55: {  	_ =	shalt  }
0x56: {  	_ =	shalt  }
0x57: {  	_ =	shalt  }
0x58: {  	_ =	shalt  }
0x59: {  	_ =	shalt  }
0x5a: {  	_ =	shalt  }
0x5b: {  	_ =	shalt  }
0x5c: {  	_ =	shalt  }
0x5d: {  	_ =	shalt  }
0x5e: {  	_ =	shalt  }
0x5f: {  	_ =	shalt  }
0x60: {  	_ =	shalt  }
0x61: {  	_ =	shalt  }
0x62: {  	_ =	shalt  }
0x63: {  	_ =	shalt  }
0x64: {  	_ =	shalt  }
0x65: {  	_ =	shalt  }
0x66: {  	_ =	shalt  }
0x67: {  	_ =	shalt  }
0x68: {  	_ =	shalt  }
0x69: {  	_ =	shalt  }
0x6a: {  	_ =	shalt  }
0x6b: {  	_ =	shalt  }
0x6c: {  	_ =	shalt  }
0x6d: {  	_ =	shalt  }
0x6e: {  	_ =	shalt  }
0x6f: {  	_ =	shalt  }
0x70: {  	_ =	shalt  }
0x71: {  	_ =	shalt  }
0x72: {  	_ =	shalt  }
0x73: {  	_ =	shalt  }
0x74: {  	_ =	shalt  }
0x75: {  	_ =	shalt  }
0x76: {  	_ =	shalt  }
0x77: {  	_ =	shalt  }
0x78: {  	_ =	shalt  }
0x79: {  	_ =	shalt  }
0x7a: {  	_ =	shalt  }
0x7b: {  	_ =	shalt  }
0x7c: {  	_ =	shalt  }
0x7d: {  	_ =	shalt  }
0x7e: {  	_ =	shalt  }
0x7f: {  	_ =	shalt  }
0x80: {  	_ =	shalt  }
0x81: {  	_ =	shalt  }
0x82: {  	_ =	shalt  }
0x83: {  	_ =	shalt  }
0x84: {  	_ =	shalt  }
0x85: {  	_ =	shalt  }
0x86: {  	_ =	shalt  }
0x87: {  	_ =	shalt  }
.Lfunc_end0:
.L_simem_size_0:
called_computation_lowered:
.L_overlay_start_0:
0x88: {  	s2 =	sld [smem:$0x3FD9]  }
0x89: {  	s3 =	sld [smem:$0x3FFE];
	_ =	sdelay $0x1  }
0x8a: {  	s1 =	srdreg.scid  }
0x8b: {  	s0 =	sand.u32 $0x1, s1  }
0x8c: {  	s16 =	sshll.u32 s0, $0xA;
	s2 =	sadd.s32 s3, s2  }
0x8d: {  	s2 =	sadd.s32 s2, s16  }
0x8e: {  	[smem:$0x3FC2] =	sst s2  }
0x8f: {  	_ = 	snop  }
0x90: {  	(tm) =	ssettm $0x1  }
0x91: {  	s17 =	sld [smem:$0x3FFB];
	_ =	sdelay $0x3  }
0x92: {  	_ =	strace s17  }
0x93: {  	s2 =	sld [smem:$0x3FFC];
	_ =	sdelay $0x3  }
0x94: {  	_ =	strace s2  }
0x95: {  	s2 =	sld [smem:$0x3FFD];
	_ =	sdelay $0x3  }
0x96: {  	_ =	strace s2  }
0x97: {  	_ =	strace $0x8FFFFFFF  }
0x98: {  	s18 =	sld [smem:$0x3FDB];
	_ =	sdelay $0x1  }
0x99: {  	s19 =	simm.s32 $_scs_section_size  }
0x9a: {  	s4 =	simm.s32 $_size__tile_overlayer_lowered;
	s5 =	simm.s32 $_tile_overlayer_lowered  }
0x9b: {  	s22 =	simm.s32 $0x1BFF;
	s21 =	sshll.u32 s5, $0x1;
	s2 =	sadd.s32 s19, s18  }
0x9c: {  	s6 =	simm.s32 $0x0;
	s20 =	sshll.u32 s4, $0x1;
	s4 =	sadd.s32 s21, s2  }
0x9d: {  	[timem:s6], [sflag:s22] =	dma.local [hbm:s4], s20  }
0x9e: {  	_ =	swait.ge [sflag:s22], s20  }
0x9f: {  	s3 =	ssub.s32 $0x0, s20;
	[sflag:s22] =	ssyncset.done $0x0  }
0xa0: {  	[sflag:s22] =	ssyncadd.s32 s3;
	_ =	sdelay $0x1  }
0xa1: {  	s23 =	simm.s32 $0x1B8B  }
0xa2: {  	_ =	swait.ge [sflag:s23], $0x1  }
0xa3: {  	[sflag:s23] =	ssyncset.done $0x0  }
0xa4: {  	s25 =	simm.s32 $0x1B8E;
	s24 =	sld [smem:$0x3FFE];
	[sflag:s23] =	ssyncadd.s32 $0xFFFFFFFF  }
0xa5: {  	s26 =	simm.s32 $execute0_lowered;
	[smem:$0x3FD2] =	sst s25  }
0xa6: {  	s4 =	sshll.u32 s26, $0x1;
	_ =	strace $0x80000046;
	[dreg:$0x1] =	wrdreg $0xFFFFFFFF  }
0xa7: {  	s28 =	simm.s32 $_size_execute0_lowered;
	s2 =	sadd.s32 s2, s4;
	[dreg:$0x0] =	wrdreg $0x0  }
0xa8: {  	s4 =	sshll.u32 s28, $0x1;
	[dreg:$0x2] =	wrdreg s2  }
0xa9: {  	[dreg:$0x3] =	wrdreg s4  }
0xaa: {  	[dreg:$0x4] =	wrdreg $0xC0  }
0xab: {  	_ =	task [dreg:s6], $0x5FFFF  }
0xac: {  	[dreg:$0x1] =	wrdreg $0xFFFFFFFF  }
0xad: {  	[dreg:$0x0] =	wrdreg $0x60  }
0xae: {  	[dreg:$0x2] =	wrdreg s24  }
0xaf: {  	[dreg:$0x3] =	wrdreg $0x7A000  }
0xb0: {  	[dreg:$0x4] =	wrdreg $0x9  }
0xb1: {  	_ =	task.clear_ibuf [dreg:s6], $0x5FFFF;
	_ =	strace $0x90000046  }
0xb2: {  	s29 =	simm.s32 $0x9;
	_ =	strace $0x80000048  }
0xb3: {  	_ =	swait.ge [sflag:s29], $0x1  }
0xb4: {  	[sflag:s29] =	ssyncadd.s32 $0xFFFFFFFF  }
0xb5: {  	_ =	strace $0x90000048  }
0xb6: {  	_ =	sfence  }
0xb7: {  	s30 =	sld [smem:$0x0];
	_ =	sdelay $0x2  }
0xb8: {  	s31 =	sshll.u32 s1, $0xD;
	s1 =	sshrl.u32 s1, $0x2  }
0xb9: {  	s3 =	sand.u32 $0x4000, s31;
	s1 =	sadd.s32 s1, s30  }
0xba: {  	s0 =	sor.u32 s3, s0;
	s1 =	sshll.u32 s1, $0x11  }
0xbb: {  	s0 =	sor.u32 s1, s0  }
0xbc: {  	s0 =	sadd.s32 $0x8F2B, s0  }
0xbd: {  	[sflag:s0] =	ssyncadd.remote.s32 $0x1  }
0xbe: {  	_ =	sfence.sel $0xFFFF  }
0xbf: {  	[dreg:$0x0] =	wrdreg $0xFFFFFFFF;
	(pc) =	sbr.abs _section_cstart, $3  }
0xc0: {  	[dreg:$0x1] =	wrdreg $0xFFFFFFFF  }
0xc1: {  	_ =	task.clear_ibuf [dreg:s6], $0x2FFFF;
	_ =	strace $0x9FFFFFFF  }
0xc2: {  	(tm) =	ssettm $0x7FFFFFFF  }
0xc3: {  	_ =	shalt  }
tec
execute0_lowered:
.L_overlay_start_1:
0x0: {  	(tag) =	ssettag $0x1  }
0x1: {  	s0 =	srdreg.scid;
	s1 =	rddreg [dreg:$0x0]  }
0x2: {  	s8 =	stileid.u32;
	s3 =	rddreg [dreg:$0x1];
	s31 =	simm.s32 $0x0  }
0x3: {  	s0 =	sand.u32 $0x1, s0;
	s4 =	sshrl.u32 s8, $0x3;
	[smem:$0x7FF] =	sst s31  }
0x4: {  	s7 =	smul.u32 $0x5000, s8;
	s13 =	sshll.u32 s8, $0x7;
	s2 =	sshll.u32 s0, $0x4  }
0x5: {  	s5 =	ssub.s32 $0x2, s0;
	s4 =	smul.u32 $0x50000, s4;
	_ =	strace $0x80000047  }
0x6: {  	p0 =	seq.s32 s0, $0x1;
	s0 =	simm.s32 $0xD400;
	s2 =	sor.u32 s8, s2  }
0x7: {  	s6 =	sshrl.u32 s5, $0x1;
	s7 =	sshrl.u32 s7, $0x2;
	s8 =	smul.u32 $0x50, s8  }
0x8: {  	s0 =	simm.s32 @!p0 $0xDA00;
	s5 =	ssub.s32 s5, s6;
	s4 =	sshrl.u32 s4, $0x2  }
0x9: {  	s6 =	sand.u32 $0x380, s13;
	s0 =	sadd.s32 s0, s1;
	s9 =	smax.u32 s5, $0x1  }
0xa: {  	s4 =	sadd.s32 s4, s3;
	s0 =	sadd.s32 s0, s8;
	[dreg:$0x14] =	wrdreg s9  }
0xb: {  	s3 =	sadd.s32 s7, s3;
	s14 =	sadd.s32 s6, s4;
	[dreg:$0x17] =	wrdreg s0  }
0xc: {  	s15 =	sadd.s32 $0x80, s3;
	[dreg:$0x4] =	wrdreg s14  }
0xd: {  	s16 =	sadd.s32 $0x100, s3;
	[dreg:$0x5] =	wrdreg s15  }
0xe: {  	s17 =	sadd.s32 $0x180, s3;
	[dreg:$0x6] =	wrdreg s16  }
0xf: {  	s18 =	sadd.s32 $0x200, s3;
	[dreg:$0x7] =	wrdreg s17  }
0x10: {  	s19 =	sadd.s32 $0x280, s3;
	[dreg:$0x8] =	wrdreg s18  }
0x11: {  	s20 =	sadd.s32 $0x300, s3;
	[dreg:$0x9] =	wrdreg s19  }
0x12: {  	s21 =	sadd.s32 $0x380, s3;
	[dreg:$0xa] =	wrdreg s20  }
0x13: {  	s22 =	sadd.s32 $0x14000, s3;
	[dreg:$0xb] =	wrdreg s21  }
0x14: {  	s23 =	sadd.s32 $0x14080, s3;
	[dreg:$0xc] =	wrdreg s22  }
0x15: {  	s24 =	sadd.s32 $0x14100, s3;
	[dreg:$0xd] =	wrdreg s23  }
0x16: {  	s25 =	sadd.s32 $0x14180, s3;
	[dreg:$0xe] =	wrdreg s24  }
0x17: {  	s26 =	sadd.s32 $0x14200, s3;
	[dreg:$0xf] =	wrdreg s25  }
0x18: {  	s4 =	sadd.s32 $0x14280, s3;
	[dreg:$0x10] =	wrdreg s26  }
0x19: {  	s6 =	sadd.s32 $0x14300, s3;
	[dreg:$0x11] =	wrdreg s4  }
0x1a: {  	s7 =	sadd.s32 $0x14380, s3;
	[dreg:$0x12] =	wrdreg s6  }
0x1b: {  	s10 =	sadd.s32 $0x400, s3;
	[dreg:$0x13] =	wrdreg s7  }
0x1c: {  	s11 =	sadd.s32 $0x800, s3;
	[dreg:$0x15] =	wrdreg s10  }
0x1d: {  	s2 =	smul.u32 $0x4E2, s2;
	s12 =	sadd.s32 $0xC00, s3;
	[dreg:$0x16] =	wrdreg s11  }
0x1e: {  	s13 =	sadd.s32 $0x1000, s3;
	[dreg:$0x18] =	wrdreg s12  }
0x1f: {  	s2 =	sadd.s32 s2, s1;
	s1 =	sadd.s32 $0xA00, s3;
	[dreg:$0x19] =	wrdreg s13  }
0x20: {  	s5 =	sadd.s32 $0x680, s3;
	[smem:$0x7E5] =	sst s1  }
0x21: {  	s8 =	sadd.s32 $0x1280, s3;
	[smem:$0x7E8] =	sst s5  }
0x22: {  	s9 =	sadd.s32 $0x700, s3;
	[smem:$0x7EB] =	sst s8  }
0x23: {  	s2 =	sadd.s32 $0x3600, s2;
	[smem:$0x7EC] =	sst s9  }
0x24: {  	s14 =	sadd.s32 $0x480, s3;
	[dreg:$0x3] =	wrdreg s2  }
0x25: {  	s15 =	sadd.s32 $0x880, s3;
	[dreg:$0x1a] =	wrdreg s14  }
0x26: {  	s16 =	sadd.s32 $0xC80, s3;
	[dreg:$0x1b] =	wrdreg s15  }
0x27: {  	s17 =	sadd.s32 $0x1080, s3;
	[dreg:$0x1c] =	wrdreg s16  }
0x28: {  	s18 =	sadd.s32 $0x500, s3;
	[dreg:$0x1d] =	wrdreg s17  }
0x29: {  	s19 =	sadd.s32 $0x900, s3;
	[dreg:$0x1e] =	wrdreg s18  }
0x2a: {  	s20 =	sadd.s32 $0xD00, s3;
	[dreg:$0x1f] =	wrdreg s19  }
0x2b: {  	s21 =	sadd.s32 $0x1100, s3;
	[smem:$0x7DE] =	sst s20  }
0x2c: {  	s22 =	sadd.s32 $0x580, s3;
	[smem:$0x7DF] =	sst s21  }
0x2d: {  	s23 =	sadd.s32 $0x980, s3;
	[smem:$0x7E0] =	sst s22  }
0x2e: {  	s24 =	sadd.s32 $0xD80, s3;
	[smem:$0x7E1] =	sst s23  }
0x2f: {  	s25 =	sadd.s32 $0x1180, s3;
	[smem:$0x7E2] =	sst s24  }
0x30: {  	s26 =	sadd.s32 $0x600, s3;
	[smem:$0x7E3] =	sst s25  }
0x31: {  	s4 =	sadd.s32 $0x1200, s3;
	[smem:$0x7E4] =	sst s26  }
0x32: {  	s6 =	sadd.s32 $0xA80, s3;
	[smem:$0x7E7] =	sst s4  }
0x33: {  	s7 =	sadd.s32 $0xE80, s3;
	[smem:$0x7E9] =	sst s6  }
0x34: {  	s10 =	sadd.s32 $0xB00, s3;
	[smem:$0x7EA] =	sst s7  }
0x35: {  	s11 =	sadd.s32 $0xF00, s3;
	[smem:$0x7ED] =	sst s10  }
0x36: {  	s12 =	sadd.s32 $0x1300, s3;
	[smem:$0x7EE] =	sst s11  }
0x37: {  	s13 =	sadd.s32 $0x780, s3;
	[smem:$0x7EF] =	sst s12  }
0x38: {  	s2 =	sadd.s32 $0xE00, s3;
	[smem:$0x7F0] =	sst s13  }
0x39: {  	s14 =	sadd.s32 $0xB80, s3;
	[smem:$0x7E6] =	sst s2  }
0x3a: {  	s15 =	sadd.s32 $0xF80, s3;
	[smem:$0x7F1] =	sst s14  }
0x3b: {  	s28 =	simm.s32 $0x1;
	s16 =	sadd.s32 $0x1380, s3;
	[smem:$0x7F2] =	sst s15  }
0x3c: {  	s29 =	simm.s32 $0x2780;
	s17 =	sadd.s32 $0x14400, s3;
	[smem:$0x7F3] =	sst s16  }
0x3d: {  	s30 =	simm.s32 $0x0;
	s18 =	sadd.s32 $0x14800, s3;
	[smem:$0x7F4] =	sst s17  }
0x3e: {  	s5 =	sadd.s32 $0x14D00, s3;
	s19 =	sadd.s32 $0x14C00, s3;
	[smem:$0x7F5] =	sst s18  }
0x3f: {  	s8 =	sadd.s32 $0x14980, s3;
	s20 =	sadd.s32 $0x15000, s3;
	[smem:$0x7F6] =	sst s19  }
0x40: {  	s9 =	sadd.s32 $0x14D80, s3;
	s21 =	sadd.s32 $0x14480, s3;
	[smem:$0x7F7] =	sst s20  }
0x41: {  	s22 =	sadd.s32 $0x14880, s3;
	s23 =	sadd.s32 $0x14C80, s3;
	[smem:$0x7F8] =	sst s21  }
0x42: {  	s24 =	sadd.s32 $0x15080, s3;
	s25 =	sadd.s32 $0x14500, s3;
	[smem:$0x7F9] =	sst s22  }
0x43: {  	s26 =	sadd.s32 $0x14900, s3;
	s6 =	sadd.s32 $0x15100, s3;
	[smem:$0x7FA] =	sst s23  }
0x44: {  	s7 =	sadd.s32 $0x14580, s3;
	s10 =	sadd.s32 $0x15180, s3;
	[smem:$0x7FB] =	sst s24  }
0x45: {  	s11 =	sadd.s32 $0x14600, s3;
	s12 =	sadd.s32 $0x14A00, s3;
	[smem:$0x7FC] =	sst s25  }
0x46: {  	s13 =	sadd.s32 $0x14E00, s3;
	[smem:$0x7FD] =	sst s26;
	s14 =	sadd.s32 $0x15200, s3  }
0x47: {  	s15 =	sadd.s32 $0x14680, s3;
	s16 =	sadd.s32 $0x14A80, s3;
	s17 =	sadd.s32 $0x14E80, s3  }
0x48: {  	s18 =	sadd.s32 $0x15280, s3;
	s19 =	sadd.s32 $0x14700, s3;
	s20 =	sadd.s32 $0x14B00, s3  }
0x49: {  	s21 =	sadd.s32 $0x14F00, s3;
	s22 =	sadd.s32 $0x15300, s3;
	s23 =	sadd.s32 $0x14780, s3  }
0x4a: {  	v0 =	vimm.f32 $0.0e+00;
	v1 =	vimm.f32 $1.000000000e+00;
	s24 =	sadd.s32 $0x14B80, s3;
	s25 =	sadd.s32 $0x14F80, s3;
	s26 =	sadd.s32 $0x15380, s3  }
.LBB2_1:
0x4b: {  	s0 =	rddreg [dreg:$0x3]  }
0x4c: {  	[tilespmem:s31], [sflag:$0x1] =	stream.linear.gather [hbm4b:s0+s31], $0x2710, $0x38;
	[tilespmem:$0xA200] =	vst v63  }
0x4d: {  	_ =	swait.ge [sflag:s28], $0x2710  }
0x4e: {  	[sflag:s28] =	ssyncset.done $0x0  }
0x4f: {  	s0 =	simm.s32 $0x0;
	[sflag:s28] =	ssyncadd.s32 $0xFFFFD8F0  }
.LBB2_2:
0x50: {  	p0 =	sne.s32 s0, $0x9FC0  }
.Ltmp0:
0x51: {  	_ = 	snop;
	(pc) =	sbr.rel @p0 .LBB2_2-.Ltmp0, $3  }
0x52: {  	_ =	sdelay $0x1  }
0x53: {  	s1 =	sshra.s32 s0, $0x2  }
0x54: {  	s0 =	sadd.s32 $0x40, s0;
	[tilespmem:s1+$0x2780] =	vst v0  }
0x55: {  	s1 =	simm.s32 $0x0;
	s0 =	simm.s32 $0x40  }
.LBB2_4:
0x56: {  	p0 =	sne.s32 s0, $0x9C00;
	v2 =	vld [tilespmem:s1+$0x0];
	_ =	sdelay $0x3  }
.Ltmp1:
0x57: {  	(pc) =	sbr.rel @p0 .LBB2_4-.Ltmp1, $2  }
0x58: {  	_ =	sdelay $0x2  }
0x59: {  	s1 =	sshra.s32 s0, $0x2;
	s0 =	sadd.s32 $0x40, s0;
	[tilespmem:v2+s29+$0x0] =	vst.idx.add.f32.msk $0xffff, v1  }
0x5a: {  	v2 =	vld [tilespmem:s1+$0x0];
	_ =	sdelay $0x7  }
0x5b: {  	s0 =	rddreg [dreg:$0x4];
	s4 =	simm.s32 $0x80;
	s2 =	simm.s32 $0x400;
	[tilespmem:v2+s29+$0x0] =	vst.idx.add.f32.msk $0xffff, v1  }
0x5c: {  	[spmem:s0] =	stream.strided.scatter [tilespmem:s29], [sflag:$0x1], $0x2800, s2, s4, $0x38;
	[tilespmem:$0xA200] =	vst v63  }
0x5d: {  	_ =	swait.ge [sflag:s28], $0x2800  }
0x5e: {  	[sflag:s28] =	ssyncset.done $0x0  }
0x5f: {  	[sflag:s28] =	ssyncadd.s32 $0xFFFFD800  }
0x60: {  	s1 =	simm.s32 $0x4F80;
	[bflag:$0x0] =	sbarrier.arrive $0xFFFF  }
0x61: {  	[tilespmem:s1], [sflag:$0x1] =	stream.linear.gather [spmem:s3], $0x80, $0x38;
	[tilespmem:$0xA200] =	vst v63  }
0x62: {  	s4 =	simm.s32 $0x5380;
	s2 =	rddreg [dreg:$0x15]  }
0x63: {  	[tilespmem:s4], [sflag:$0x1] =	stream.linear.gather [spmem:s2], $0x80, $0x38;
	[tilespmem:$0xA200] =	vst v63  }
0x64: {  	s2 =	rddreg [dreg:$0x16];
	s4 =	simm.s32 $0x5780  }
0x65: {  	[tilespmem:s4], [sflag:$0x1] =	stream.linear.gather [spmem:s2], $0x80, $0x38;
	[tilespmem:$0xA200] =	vst v63  }
0x66: {  	s2 =	rddreg [dreg:$0x18];
	s4 =	simm.s32 $0x5B80  }
0x67: {  	[tilespmem:s4], [sflag:$0x1] =	stream.linear.gather [spmem:s2], $0x80, $0x38;
	[tilespmem:$0xA200] =	vst v63  }
0x68: {  	s2 =	rddreg [dreg:$0x19];
	s4 =	simm.s32 $0x5F80  }
0x69: {  	[tilespmem:s4], [sflag:$0x1] =	stream.linear.gather [spmem:s2], $0x80, $0x38;
	[tilespmem:$0xA200] =	vst v63  }
0x6a: {  	_ =	swait.ge [sflag:s28], $0x280  }
0x6b: {  	[sflag:s28] =	ssyncset.done $0x0  }
0x6c: {  	s4 =	simm.s32 $0x5000;
	s2 =	rddreg [dreg:$0x5];
	[sflag:s28] =	ssyncadd.s32 $0xFFFFFD80  }
0x6d: {  	[tilespmem:s4], [sflag:$0x1] =	stream.linear.gather [spmem:s2], $0x80, $0x38;
	[tilespmem:$0xA200] =	vst v63  }
0x6e: {  	s2 =	rddreg [dreg:$0x1a];
	s4 =	simm.s32 $0x5400  }
0x6f: {  	[tilespmem:s4], [sflag:$0x1] =	stream.linear.gather [spmem:s2], $0x80, $0x38;
	[tilespmem:$0xA200] =	vst v63  }
0x70: {  	s2 =	rddreg [dreg:$0x1b];
	s4 =	simm.s32 $0x5800  }
0x71: {  	[tilespmem:s4], [sflag:$0x1] =	stream.linear.gather [spmem:s2], $0x80, $0x38;
	[tilespmem:$0xA200] =	vst v63  }
0x72: {  	s2 =	rddreg [dreg:$0x1c];
	s4 =	simm.s32 $0x5C00  }
0x73: {  	[tilespmem:s4], [sflag:$0x1] =	stream.linear.gather [spmem:s2], $0x80, $0x38;
	[tilespmem:$0xA200] =	vst v63  }
0x74: {  	s2 =	rddreg [dreg:$0x1d];
	s4 =	simm.s32 $0x6000  }
0x75: {  	[tilespmem:s4], [sflag:$0x1] =	stream.linear.gather [spmem:s2], $0x80, $0x38;
	[tilespmem:$0xA200] =	vst v63  }
0x76: {  	_ =	swait.ge [sflag:s28], $0x280  }
0x77: {  	[sflag:s28] =	ssyncset.done $0x0  }
0x78: {  	s4 =	simm.s32 $0x5080;
	s2 =	rddreg [dreg:$0x6];
	[sflag:s28] =	ssyncadd.s32 $0xFFFFFD80  }
0x79: {  	[tilespmem:s4], [sflag:$0x1] =	stream.linear.gather [spmem:s2], $0x80, $0x38;
	[tilespmem:$0xA200] =	vst v63  }
0x7a: {  	s2 =	rddreg [dreg:$0x1e];
	s4 =	simm.s32 $0x5480  }
0x7b: {  	[tilespmem:s4], [sflag:$0x1] =	stream.linear.gather [spmem:s2], $0x80, $0x38;
	[tilespmem:$0xA200] =	vst v63  }
0x7c: {  	s2 =	rddreg [dreg:$0x1f];
	s4 =	simm.s32 $0x5880  }
0x7d: {  	[tilespmem:s4], [sflag:$0x1] =	stream.linear.gather [spmem:s2], $0x80, $0x38;
	[tilespmem:$0xA200] =	vst v63  }
0x7e: {  	s2 =	sld [smem:$0x7DE];
	_ =	sdelay $0x1  }
0x7f: {  	s4 =	simm.s32 $0x5C80  }
0x80: {  	[tilespmem:s4], [sflag:$0x1] =	stream.linear.gather [spmem:s2], $0x80, $0x38;
	[tilespmem:$0xA200] =	vst v63  }
0x81: {  	s2 =	sld [smem:$0x7DF];
	_ =	sdelay $0x1  }
0x82: {  	s4 =	simm.s32 $0x6080  }
0x83: {  	[tilespmem:s4], [sflag:$0x1] =	stream.linear.gather [spmem:s2], $0x80, $0x38;
	[tilespmem:$0xA200] =	vst v63  }
0x84: {  	_ =	swait.ge [sflag:s28], $0x280  }
0x85: {  	[sflag:s28] =	ssyncset.done $0x0  }
0x86: {  	s4 =	simm.s32 $0x5100;
	s2 =	rddreg [dreg:$0x7];
	[sflag:s28] =	ssyncadd.s32 $0xFFFFFD80  }
0x87: {  	[tilespmem:s4], [sflag:$0x1] =	stream.linear.gather [spmem:s2], $0x80, $0x38;
	[tilespmem:$0xA200] =	vst v63  }
0x88: {  	s2 =	sld [smem:$0x7E0];
	_ =	sdelay $0x1  }
0x89: {  	s4 =	simm.s32 $0x5500  }
0x8a: {  	[tilespmem:s4], [sflag:$0x1] =	stream.linear.gather [spmem:s2], $0x80, $0x38;
	[tilespmem:$0xA200] =	vst v63  }
0x8b: {  	s2 =	sld [smem:$0x7E1];
	_ =	sdelay $0x1  }
0x8c: {  	s4 =	simm.s32 $0x5900  }
0x8d: {  	[tilespmem:s4], [sflag:$0x1] =	stream.linear.gather [spmem:s2], $0x80, $0x38;
	[tilespmem:$0xA200] =	vst v63  }
0x8e: {  	s2 =	sld [smem:$0x7E2];
	_ =	sdelay $0x1  }
0x8f: {  	s4 =	simm.s32 $0x5D00  }
0x90: {  	[tilespmem:s4], [sflag:$0x1] =	stream.linear.gather [spmem:s2], $0x80, $0x38;
	[tilespmem:$0xA200] =	vst v63  }
0x91: {  	s2 =	sld [smem:$0x7E3];
	_ =	sdelay $0x1  }
0x92: {  	s4 =	simm.s32 $0x6100  }
0x93: {  	[tilespmem:s4], [sflag:$0x1] =	stream.linear.gather [spmem:s2], $0x80, $0x38;
	[tilespmem:$0xA200] =	vst v63  }
0x94: {  	_ =	swait.ge [sflag:s28], $0x280  }
0x95: {  	[sflag:s28] =	ssyncset.done $0x0  }
0x96: {  	s4 =	simm.s32 $0x5180;
	s2 =	rddreg [dreg:$0x8];
	[sflag:s28] =	ssyncadd.s32 $0xFFFFFD80  }
0x97: {  	[tilespmem:s4], [sflag:$0x1] =	stream.linear.gather [spmem:s2], $0x80, $0x38;
	[tilespmem:$0xA200] =	vst v63  }
0x98: {  	s2 =	sld [smem:$0x7E4];
	_ =	sdelay $0x1  }
0x99: {  	s4 =	simm.s32 $0x5580  }
0x9a: {  	[tilespmem:s4], [sflag:$0x1] =	stream.linear.gather [spmem:s2], $0x80, $0x38;
	[tilespmem:$0xA200] =	vst v63  }
0x9b: {  	s2 =	sld [smem:$0x7E5];
	_ =	sdelay $0x1  }
0x9c: {  	s4 =	simm.s32 $0x5980  }
0x9d: {  	[tilespmem:s4], [sflag:$0x1] =	stream.linear.gather [spmem:s2], $0x80, $0x38;
	[tilespmem:$0xA200] =	vst v63  }
0x9e: {  	s2 =	sld [smem:$0x7E6];
	_ =	sdelay $0x1  }
0x9f: {  	s4 =	simm.s32 $0x5D80  }
0xa0: {  	[tilespmem:s4], [sflag:$0x1] =	stream.linear.gather [spmem:s2], $0x80, $0x38;
	[tilespmem:$0xA200] =	vst v63  }
0xa1: {  	s2 =	sld [smem:$0x7E7];
	_ =	sdelay $0x1  }
0xa2: {  	s4 =	simm.s32 $0x6180  }
0xa3: {  	[tilespmem:s4], [sflag:$0x1] =	stream.linear.gather [spmem:s2], $0x80, $0x38;
	[tilespmem:$0xA200] =	vst v63  }
0xa4: {  	_ =	swait.ge [sflag:s28], $0x280  }
0xa5: {  	[sflag:s28] =	ssyncset.done $0x0  }
0xa6: {  	s4 =	simm.s32 $0x5200;
	s2 =	rddreg [dreg:$0x9];
	[sflag:s28] =	ssyncadd.s32 $0xFFFFFD80  }
0xa7: {  	[tilespmem:s4], [sflag:$0x1] =	stream.linear.gather [spmem:s2], $0x80, $0x38;
	[tilespmem:$0xA200] =	vst v63  }
0xa8: {  	s2 =	sld [smem:$0x7E8];
	_ =	sdelay $0x1  }
0xa9: {  	s4 =	simm.s32 $0x5600  }
0xaa: {  	[tilespmem:s4], [sflag:$0x1] =	stream.linear.gather [spmem:s2], $0x80, $0x38;
	[tilespmem:$0xA200] =	vst v63  }
0xab: {  	s2 =	sld [smem:$0x7E9];
	_ =	sdelay $0x1  }
0xac: {  	s4 =	simm.s32 $0x5A00  }
0xad: {  	[tilespmem:s4], [sflag:$0x1] =	stream.linear.gather [spmem:s2], $0x80, $0x38;
	[tilespmem:$0xA200] =	vst v63  }
0xae: {  	s2 =	sld [smem:$0x7EA];
	_ =	sdelay $0x1  }
0xaf: {  	s4 =	simm.s32 $0x5E00  }
0xb0: {  	[tilespmem:s4], [sflag:$0x1] =	stream.linear.gather [spmem:s2], $0x80, $0x38;
	[tilespmem:$0xA200] =	vst v63  }
0xb1: {  	s2 =	sld [smem:$0x7EB];
	_ =	sdelay $0x1  }
0xb2: {  	s4 =	simm.s32 $0x6200  }
0xb3: {  	[tilespmem:s4], [sflag:$0x1] =	stream.linear.gather [spmem:s2], $0x80, $0x38;
	[tilespmem:$0xA200] =	vst v63  }
0xb4: {  	_ =	swait.ge [sflag:s28], $0x280  }
0xb5: {  	[sflag:s28] =	ssyncset.done $0x0  }
0xb6: {  	s4 =	simm.s32 $0x5280;
	s2 =	rddreg [dreg:$0xa];
	[sflag:s28] =	ssyncadd.s32 $0xFFFFFD80  }
0xb7: {  	[tilespmem:s4], [sflag:$0x1] =	stream.linear.gather [spmem:s2], $0x80, $0x38;
	[tilespmem:$0xA200] =	vst v63  }
0xb8: {  	s2 =	sld [smem:$0x7EC];
	_ =	sdelay $0x1  }
0xb9: {  	s4 =	simm.s32 $0x5680  }
0xba: {  	[tilespmem:s4], [sflag:$0x1] =	stream.linear.gather [spmem:s2], $0x80, $0x38;
	[tilespmem:$0xA200] =	vst v63  }
0xbb: {  	s2 =	sld [smem:$0x7ED];
	_ =	sdelay $0x1  }
0xbc: {  	s4 =	simm.s32 $0x5A80  }
0xbd: {  	[tilespmem:s4], [sflag:$0x1] =	stream.linear.gather [spmem:s2], $0x80, $0x38;
	[tilespmem:$0xA200] =	vst v63  }
0xbe: {  	s2 =	sld [smem:$0x7EE];
	_ =	sdelay $0x1  }
0xbf: {  	s4 =	simm.s32 $0x5E80  }
0xc0: {  	[tilespmem:s4], [sflag:$0x1] =	stream.linear.gather [spmem:s2], $0x80, $0x38;
	[tilespmem:$0xA200] =	vst v63  }
0xc1: {  	s2 =	sld [smem:$0x7EF];
	_ =	sdelay $0x1  }
0xc2: {  	s4 =	simm.s32 $0x6280  }
0xc3: {  	[tilespmem:s4], [sflag:$0x1] =	stream.linear.gather [spmem:s2], $0x80, $0x38;
	[tilespmem:$0xA200] =	vst v63  }
0xc4: {  	_ =	swait.ge [sflag:s28], $0x280  }
0xc5: {  	[sflag:s28] =	ssyncset.done $0x0  }
0xc6: {  	s4 =	simm.s32 $0x5300;
	s2 =	rddreg [dreg:$0xb];
	[sflag:s28] =	ssyncadd.s32 $0xFFFFFD80  }
0xc7: {  	[tilespmem:s4], [sflag:$0x1] =	stream.linear.gather [spmem:s2], $0x80, $0x38;
	[tilespmem:$0xA200] =	vst v63  }
0xc8: {  	s2 =	sld [smem:$0x7F0];
	_ =	sdelay $0x1  }
0xc9: {  	s4 =	simm.s32 $0x5700  }
0xca: {  	[tilespmem:s4], [sflag:$0x1] =	stream.linear.gather [spmem:s2], $0x80, $0x38;
	[tilespmem:$0xA200] =	vst v63  }
0xcb: {  	s2 =	sld [smem:$0x7F1];
	_ =	sdelay $0x1  }
0xcc: {  	s4 =	simm.s32 $0x5B00  }
0xcd: {  	[tilespmem:s4], [sflag:$0x1] =	stream.linear.gather [spmem:s2], $0x80, $0x38;
	[tilespmem:$0xA200] =	vst v63  }
0xce: {  	s2 =	sld [smem:$0x7F2];
	_ =	sdelay $0x1  }
0xcf: {  	s4 =	simm.s32 $0x5F00  }
0xd0: {  	[tilespmem:s4], [sflag:$0x1] =	stream.linear.gather [spmem:s2], $0x80, $0x38;
	[tilespmem:$0xA200] =	vst v63  }
0xd1: {  	s2 =	sld [smem:$0x7F3];
	_ =	sdelay $0x1  }
0xd2: {  	s4 =	simm.s32 $0x6300  }
0xd3: {  	[tilespmem:s4], [sflag:$0x1] =	stream.linear.gather [spmem:s2], $0x80, $0x38;
	[tilespmem:$0xA200] =	vst v63  }
0xd4: {  	_ =	swait.ge [sflag:s28], $0x280  }
0xd5: {  	[sflag:s28] =	ssyncset.done $0x0  }
0xd6: {  	s4 =	simm.s32 $0x6380;
	s2 =	rddreg [dreg:$0xc];
	[sflag:s28] =	ssyncadd.s32 $0xFFFFFD80  }
0xd7: {  	[tilespmem:s4], [sflag:$0x1] =	stream.linear.gather [spmem:s2], $0x80, $0x38;
	[tilespmem:$0xA200] =	vst v63  }
0xd8: {  	s2 =	sld [smem:$0x7F4];
	_ =	sdelay $0x1  }
0xd9: {  	s4 =	simm.s32 $0x6780  }
0xda: {  	[tilespmem:s4], [sflag:$0x1] =	stream.linear.gather [spmem:s2], $0x80, $0x38;
	[tilespmem:$0xA200] =	vst v63  }
0xdb: {  	s2 =	sld [smem:$0x7F5];
	_ =	sdelay $0x1  }
0xdc: {  	s4 =	simm.s32 $0x6B80  }
0xdd: {  	[tilespmem:s4], [sflag:$0x1] =	stream.linear.gather [spmem:s2], $0x80, $0x38;
	[tilespmem:$0xA200] =	vst v63  }
0xde: {  	s2 =	sld [smem:$0x7F6];
	_ =	sdelay $0x1  }
0xdf: {  	s4 =	simm.s32 $0x6F80  }
0xe0: {  	[tilespmem:s4], [sflag:$0x1] =	stream.linear.gather [spmem:s2], $0x80, $0x38;
	[tilespmem:$0xA200] =	vst v63  }
0xe1: {  	s2 =	sld [smem:$0x7F7];
	_ =	sdelay $0x1  }
0xe2: {  	s4 =	simm.s32 $0x7380  }
0xe3: {  	[tilespmem:s4], [sflag:$0x1] =	stream.linear.gather [spmem:s2], $0x80, $0x38;
	[tilespmem:$0xA200] =	vst v63  }
0xe4: {  	_ =	swait.ge [sflag:s28], $0x280  }
0xe5: {  	[sflag:s28] =	ssyncset.done $0x0  }
0xe6: {  	s4 =	simm.s32 $0x6400;
	s2 =	rddreg [dreg:$0xd];
	[sflag:s28] =	ssyncadd.s32 $0xFFFFFD80  }
0xe7: {  	[tilespmem:s4], [sflag:$0x1] =	stream.linear.gather [spmem:s2], $0x80, $0x38;
	[tilespmem:$0xA200] =	vst v63  }
0xe8: {  	s2 =	sld [smem:$0x7F8];
	_ =	sdelay $0x1  }
0xe9: {  	s4 =	simm.s32 $0x6800  }
0xea: {  	[tilespmem:s4], [sflag:$0x1] =	stream.linear.gather [spmem:s2], $0x80, $0x38;
	[tilespmem:$0xA200] =	vst v63  }
0xeb: {  	s2 =	sld [smem:$0x7F9];
	_ =	sdelay $0x1  }
0xec: {  	s4 =	simm.s32 $0x6C00  }
0xed: {  	[tilespmem:s4], [sflag:$0x1] =	stream.linear.gather [spmem:s2], $0x80, $0x38;
	[tilespmem:$0xA200] =	vst v63  }
0xee: {  	s2 =	sld [smem:$0x7FA];
	_ =	sdelay $0x1  }
0xef: {  	s4 =	simm.s32 $0x7000  }
0xf0: {  	[tilespmem:s4], [sflag:$0x1] =	stream.linear.gather [spmem:s2], $0x80, $0x38;
	[tilespmem:$0xA200] =	vst v63  }
0xf1: {  	s2 =	sld [smem:$0x7FB];
	_ =	sdelay $0x1  }
0xf2: {  	s4 =	simm.s32 $0x7400  }
0xf3: {  	[tilespmem:s4], [sflag:$0x1] =	stream.linear.gather [spmem:s2], $0x80, $0x38;
	[tilespmem:$0xA200] =	vst v63  }
0xf4: {  	_ =	swait.ge [sflag:s28], $0x280  }
0xf5: {  	[sflag:s28] =	ssyncset.done $0x0  }
0xf6: {  	s4 =	simm.s32 $0x6480;
	s2 =	rddreg [dreg:$0xe];
	[sflag:s28] =	ssyncadd.s32 $0xFFFFFD80  }
0xf7: {  	[tilespmem:s4], [sflag:$0x1] =	stream.linear.gather [spmem:s2], $0x80, $0x38;
	[tilespmem:$0xA200] =	vst v63  }
0xf8: {  	s2 =	sld [smem:$0x7FC];
	_ =	sdelay $0x1  }
0xf9: {  	s1 =	sld [smem:$0x7FD];
	s4 =	simm.s32 $0x6880  }
0xfa: {  	[tilespmem:s4], [sflag:$0x1] =	stream.linear.gather [spmem:s2], $0x80, $0x38;
	[tilespmem:$0xA200] =	vst v63  }
0xfb: {  	s2 =	simm.s32 $0x6C80  }
0xfc: {  	[tilespmem:s2], [sflag:$0x1] =	stream.linear.gather [spmem:s1], $0x80, $0x38;
	[tilespmem:$0xA200] =	vst v63  }
0xfd: {  	s4 =	simm.s32 $0x7080  }
0xfe: {  	[tilespmem:s4], [sflag:$0x1] =	stream.linear.gather [spmem:s5], $0x80, $0x38;
	[tilespmem:$0xA200] =	vst v63  }
0xff: {  	s1 =	simm.s32 $0x7480  }
0x100: {  	[tilespmem:s1], [sflag:$0x1] =	stream.linear.gather [spmem:s6], $0x80, $0x38;
	[tilespmem:$0xA200] =	vst v63  }
0x101: {  	_ =	swait.ge [sflag:s28], $0x280  }
0x102: {  	[sflag:s28] =	ssyncset.done $0x0  }
0x103: {  	s4 =	simm.s32 $0x6500;
	s2 =	rddreg [dreg:$0xf];
	[sflag:s28] =	ssyncadd.s32 $0xFFFFFD80  }
0x104: {  	[tilespmem:s4], [sflag:$0x1] =	stream.linear.gather [spmem:s2], $0x80, $0x38;
	[tilespmem:$0xA200] =	vst v63  }
0x105: {  	s1 =	simm.s32 $0x6900  }
0x106: {  	[tilespmem:s1], [sflag:$0x1] =	stream.linear.gather [spmem:s7], $0x80, $0x38;
	[tilespmem:$0xA200] =	vst v63  }
0x107: {  	s2 =	simm.s32 $0x6D00  }
0x108: {  	[tilespmem:s2], [sflag:$0x1] =	stream.linear.gather [spmem:s8], $0x80, $0x38;
	[tilespmem:$0xA200] =	vst v63  }
0x109: {  	s4 =	simm.s32 $0x7100  }
0x10a: {  	[tilespmem:s4], [sflag:$0x1] =	stream.linear.gather [spmem:s9], $0x80, $0x38;
	[tilespmem:$0xA200] =	vst v63  }
0x10b: {  	s1 =	simm.s32 $0x7500  }
0x10c: {  	[tilespmem:s1], [sflag:$0x1] =	stream.linear.gather [spmem:s10], $0x80, $0x38;
	[tilespmem:$0xA200] =	vst v63  }
0x10d: {  	_ =	swait.ge [sflag:s28], $0x280  }
0x10e: {  	[sflag:s28] =	ssyncset.done $0x0  }
0x10f: {  	s4 =	simm.s32 $0x6580;
	s2 =	rddreg [dreg:$0x10];
	[sflag:s28] =	ssyncadd.s32 $0xFFFFFD80  }
0x110: {  	[tilespmem:s4], [sflag:$0x1] =	stream.linear.gather [spmem:s2], $0x80, $0x38;
	[tilespmem:$0xA200] =	vst v63  }
0x111: {  	s1 =	simm.s32 $0x6980  }
0x112: {  	[tilespmem:s1], [sflag:$0x1] =	stream.linear.gather [spmem:s11], $0x80, $0x38;
	[tilespmem:$0xA200] =	vst v63  }
0x113: {  	s2 =	simm.s32 $0x6D80  }
0x114: {  	[tilespmem:s2], [sflag:$0x1] =	stream.linear.gather [spmem:s12], $0x80, $0x38;
	[tilespmem:$0xA200] =	vst v63  }
0x115: {  	s4 =	simm.s32 $0x7180  }
0x116: {  	[tilespmem:s4], [sflag:$0x1] =	stream.linear.gather [spmem:s13], $0x80, $0x38;
	[tilespmem:$0xA200] =	vst v63  }
0x117: {  	s1 =	simm.s32 $0x7580  }
0x118: {  	[tilespmem:s1], [sflag:$0x1] =	stream.linear.gather [spmem:s14], $0x80, $0x38;
	[tilespmem:$0xA200] =	vst v63  }
0x119: {  	_ =	swait.ge [sflag:s28], $0x280  }
0x11a: {  	[sflag:s28] =	ssyncset.done $0x0  }
0x11b: {  	s4 =	simm.s32 $0x6600;
	s2 =	rddreg [dreg:$0x11];
	[sflag:s28] =	ssyncadd.s32 $0xFFFFFD80  }
0x11c: {  	[tilespmem:s4], [sflag:$0x1] =	stream.linear.gather [spmem:s2], $0x80, $0x38;
	[tilespmem:$0xA200] =	vst v63  }
0x11d: {  	s1 =	simm.s32 $0x6A00  }
0x11e: {  	[tilespmem:s1], [sflag:$0x1] =	stream.linear.gather [spmem:s15], $0x80, $0x38;
	[tilespmem:$0xA200] =	vst v63  }
0x11f: {  	s2 =	simm.s32 $0x6E00  }
0x120: {  	[tilespmem:s2], [sflag:$0x1] =	stream.linear.gather [spmem:s16], $0x80, $0x38;
	[tilespmem:$0xA200] =	vst v63  }
0x121: {  	s4 =	simm.s32 $0x7200  }
0x122: {  	[tilespmem:s4], [sflag:$0x1] =	stream.linear.gather [spmem:s17], $0x80, $0x38;
	[tilespmem:$0xA200] =	vst v63  }
0x123: {  	s1 =	simm.s32 $0x7600  }
0x124: {  	[tilespmem:s1], [sflag:$0x1] =	stream.linear.gather [spmem:s18], $0x80, $0x38;
	[tilespmem:$0xA200] =	vst v63  }
0x125: {  	_ =	swait.ge [sflag:s28], $0x280  }
0x126: {  	[sflag:s28] =	ssyncset.done $0x0  }
0x127: {  	s4 =	simm.s32 $0x6680;
	s2 =	rddreg [dreg:$0x12];
	[sflag:s28] =	ssyncadd.s32 $0xFFFFFD80  }
0x128: {  	[tilespmem:s4], [sflag:$0x1] =	stream.linear.gather [spmem:s2], $0x80, $0x38;
	[tilespmem:$0xA200] =	vst v63  }
0x129: {  	s1 =	simm.s32 $0x6A80  }
0x12a: {  	[tilespmem:s1], [sflag:$0x1] =	stream.linear.gather [spmem:s19], $0x80, $0x38;
	[tilespmem:$0xA200] =	vst v63  }
0x12b: {  	s2 =	simm.s32 $0x6E80  }
0x12c: {  	[tilespmem:s2], [sflag:$0x1] =	stream.linear.gather [spmem:s20], $0x80, $0x38;
	[tilespmem:$0xA200] =	vst v63  }
0x12d: {  	s4 =	simm.s32 $0x7280  }
0x12e: {  	[tilespmem:s4], [sflag:$0x1] =	stream.linear.gather [spmem:s21], $0x80, $0x38;
	[tilespmem:$0xA200] =	vst v63  }
0x12f: {  	s1 =	simm.s32 $0x7680  }
0x130: {  	[tilespmem:s1], [sflag:$0x1] =	stream.linear.gather [spmem:s22], $0x80, $0x38;
	[tilespmem:$0xA200] =	vst v63  }
0x131: {  	_ =	swait.ge [sflag:s28], $0x280  }
0x132: {  	[sflag:s28] =	ssyncset.done $0x0  }
0x133: {  	s4 =	simm.s32 $0x6700;
	s2 =	rddreg [dreg:$0x13];
	[sflag:s28] =	ssyncadd.s32 $0xFFFFFD80  }
0x134: {  	[tilespmem:s4], [sflag:$0x1] =	stream.linear.gather [spmem:s2], $0x80, $0x38;
	[tilespmem:$0xA200] =	vst v63  }
0x135: {  	s1 =	simm.s32 $0x6B00  }
0x136: {  	[tilespmem:s1], [sflag:$0x1] =	stream.linear.gather [spmem:s23], $0x80, $0x38;
	[tilespmem:$0xA200] =	vst v63  }
0x137: {  	s2 =	simm.s32 $0x6F00  }
0x138: {  	[tilespmem:s2], [sflag:$0x1] =	stream.linear.gather [spmem:s24], $0x80, $0x38;
	[tilespmem:$0xA200] =	vst v63  }
0x139: {  	s4 =	simm.s32 $0x7300  }
0x13a: {  	[tilespmem:s4], [sflag:$0x1] =	stream.linear.gather [spmem:s25], $0x80, $0x38;
	[tilespmem:$0xA200] =	vst v63  }
0x13b: {  	s1 =	simm.s32 $0x7700  }
0x13c: {  	[tilespmem:s1], [sflag:$0x1] =	stream.linear.gather [spmem:s26], $0x80, $0x38;
	[tilespmem:$0xA200] =	vst v63  }
0x13d: {  	s2 =	simm.s32 $0x0;
	_ =	swait.ge [sflag:s28], $0x280  }
0x13e: {  	s0 =	sand.u32 $0x1C00, s2;
	s4 =	sand.u32 $0x70, s2;
	[sflag:s28] =	ssyncset.done $0x0  }
0x13f: {  	s0 =	sor.u32 s4, s0;
	[sflag:s28] =	ssyncadd.s32 $0xFFFFFD80  }
0x140: {  	v2 =	vld [tilespmem:s0+$0x5000]  }
0x141: {  	v3 =	vld [tilespmem:s0+$0x4F80];
	_ =	sdelay $0x1  }
0x142: {  	v4 =	vld [tilespmem:s0+$0x5080];
	_ =	sdelay $0x1  }
0x143: {  	v5 =	vld [tilespmem:s0+$0x5100]  }
0x144: {  	v2 =	vadd.f32 v2, v3  }
0x145: {  	v3 =	vld [tilespmem:s0+$0x5180]  }
0x146: {  	v2 =	vadd.f32 v4, v2  }
0x147: {  	v56 =	vld [tilespmem:s0+$0x5200]  }
0x148: {  	v2 =	vadd.f32 v5, v2  }
0x149: {  	v57 =	vld [tilespmem:s0+$0x5280]  }
0x14a: {  	v2 =	vadd.f32 v3, v2  }
0x14b: {  	v3 =	vld [tilespmem:s0+$0x5300]  }
0x14c: {  	v2 =	vadd.f32 v56, v2  }
0x14d: {  	v58 =	vld [tilespmem:s0+$0x6380]  }
0x14e: {  	v2 =	vadd.f32 v57, v2  }
0x14f: {  	v59 =	vld [tilespmem:s0+$0x6400]  }
0x150: {  	v2 =	vadd.f32 v3, v2  }
0x151: {  	v3 =	vld [tilespmem:s0+$0x6480]  }
0x152: {  	v2 =	vadd.f32 v58, v2  }
0x153: {  	v60 =	vld [tilespmem:s0+$0x6500]  }
0x154: {  	v2 =	vadd.f32 v59, v2  }
0x155: {  	v61 =	vld [tilespmem:s0+$0x6580]  }
0x156: {  	v2 =	vadd.f32 v3, v2  }
0x157: {  	v3 =	vld [tilespmem:s0+$0x6600]  }
0x158: {  	v2 =	vadd.f32 v60, v2  }
0x159: {  	v62 =	vld [tilespmem:s0+$0x6680]  }
0x15a: {  	v2 =	vadd.f32 v61, v2  }
0x15b: {  	v63 =	vld [tilespmem:s0+$0x6700]  }
0x15c: {  	v2 =	vadd.f32 v3, v2;
	_ =	sdelay $0x1  }
0x15d: {  	v2 =	vadd.f32 v62, v2;
	_ =	sdelay $0x1  }
0x15e: {  	s2 =	simm.s32 $0x10;
	s0 =	simm.s32 $0x80;
	v2 =	vadd.f32 v63, v2  }
0x15f: {  	s31 =	simm.s32 $0x7780;
	s1 =	sand.u32 $0x70, s2;
	s4 =	sand.u32 $0x1C00, s0  }
0x160: {  	s2 =	simm.s32 $0x20;
	s1 =	sor.u32 s1, s4;
	[tilespmem:s31+$0x0] =	vst v2  }
.LBB2_6:
0x161: {  	p0 =	sne.s32 s2, $0x270;
	v2 =	vld [tilespmem:s1+$0x5000]  }
0x162: {  	v3 =	vld [tilespmem:s1+$0x4F80];
	_ =	sdelay $0x1  }
0x163: {  	v4 =	vld [tilespmem:s1+$0x5080];
	_ =	sdelay $0x1  }
0x164: {  	v5 =	vld [tilespmem:s1+$0x5100]  }
0x165: {  	v2 =	vadd.f32 v2, v3  }
0x166: {  	v3 =	vld [tilespmem:s1+$0x5180]  }
0x167: {  	v2 =	vadd.f32 v4, v2  }
0x168: {  	v4 =	vld [tilespmem:s1+$0x5200]  }
0x169: {  	v2 =	vadd.f32 v5, v2  }
0x16a: {  	v5 =	vld [tilespmem:s1+$0x5280]  }
0x16b: {  	v2 =	vadd.f32 v3, v2  }
0x16c: {  	v3 =	vld [tilespmem:s1+$0x5300]  }
0x16d: {  	v2 =	vadd.f32 v4, v2  }
0x16e: {  	v4 =	vld [tilespmem:s1+$0x6380]  }
0x16f: {  	v2 =	vadd.f32 v5, v2  }
0x170: {  	v5 =	vld [tilespmem:s1+$0x6400]  }
0x171: {  	v2 =	vadd.f32 v3, v2  }
0x172: {  	v3 =	vld [tilespmem:s1+$0x6480]  }
0x173: {  	v2 =	vadd.f32 v4, v2  }
0x174: {  	v4 =	vld [tilespmem:s1+$0x6500]  }
0x175: {  	v2 =	vadd.f32 v5, v2  }
0x176: {  	v5 =	vld [tilespmem:s1+$0x6580]  }
0x177: {  	v2 =	vadd.f32 v3, v2  }
0x178: {  	v3 =	vld [tilespmem:s1+$0x6600]  }
0x179: {  	v2 =	vadd.f32 v4, v2  }
0x17a: {  	v4 =	vld [tilespmem:s1+$0x6680]  }
0x17b: {  	v2 =	vadd.f32 v5, v2  }
0x17c: {  	v5 =	vld [tilespmem:s1+$0x6700]  }
0x17d: {  	v2 =	vadd.f32 v3, v2;
	_ =	sdelay $0x1  }
.Ltmp2:
0x17e: {  	v2 =	vadd.f32 v4, v2;
	(pc) =	sbr.rel @p0 .LBB2_6-.Ltmp2, $4  }
0x17f: {  	_ = 	snop  }
0x180: {  	s0 =	sadd.s32 $0x80, s0;
	v2 =	vadd.f32 v5, v2  }
0x181: {  	s31 =	sadd.s32 $0x10, s31;
	s4 =	sand.u32 $0x1C00, s0;
	s1 =	sand.u32 $0x70, s2  }
0x182: {  	s2 =	sadd.s32 $0x10, s2;
	s1 =	sor.u32 s1, s4;
	[tilespmem:s31+$0x0] =	vst v2  }
0x183: {  	v2 =	vld [tilespmem:s1+$0x5000]  }
0x184: {  	v3 =	vld [tilespmem:s1+$0x4F80];
	_ =	sdelay $0x1  }
0x185: {  	v4 =	vld [tilespmem:s1+$0x5080];
	_ =	sdelay $0x1  }
0x186: {  	v5 =	vld [tilespmem:s1+$0x5100]  }
0x187: {  	v2 =	vadd.f32 v2, v3  }
0x188: {  	v3 =	vld [tilespmem:s1+$0x5180]  }
0x189: {  	v2 =	vadd.f32 v4, v2  }
0x18a: {  	v56 =	vld [tilespmem:s1+$0x5200]  }
0x18b: {  	v2 =	vadd.f32 v5, v2  }
0x18c: {  	v57 =	vld [tilespmem:s1+$0x5280]  }
0x18d: {  	v2 =	vadd.f32 v3, v2  }
0x18e: {  	v3 =	vld [tilespmem:s1+$0x5300]  }
0x18f: {  	v2 =	vadd.f32 v56, v2  }
0x190: {  	v58 =	vld [tilespmem:s1+$0x6380]  }
0x191: {  	v2 =	vadd.f32 v57, v2  }
0x192: {  	v59 =	vld [tilespmem:s1+$0x6400]  }
0x193: {  	v2 =	vadd.f32 v3, v2  }
0x194: {  	v3 =	vld [tilespmem:s1+$0x6480]  }
0x195: {  	v2 =	vadd.f32 v58, v2  }
0x196: {  	v60 =	vld [tilespmem:s1+$0x6500]  }
0x197: {  	v2 =	vadd.f32 v59, v2  }
0x198: {  	v61 =	vld [tilespmem:s1+$0x6580]  }
0x199: {  	v2 =	vadd.f32 v3, v2  }
0x19a: {  	v3 =	vld [tilespmem:s1+$0x6600]  }
0x19b: {  	v2 =	vadd.f32 v60, v2  }
0x19c: {  	v62 =	vld [tilespmem:s1+$0x6680]  }
0x19d: {  	v2 =	vadd.f32 v61, v2  }
0x19e: {  	v63 =	vld [tilespmem:s1+$0x6700]  }
0x19f: {  	v2 =	vadd.f32 v3, v2;
	_ =	sdelay $0x1  }
0x1a0: {  	v2 =	vadd.f32 v62, v2;
	_ =	sdelay $0x1  }
0x1a1: {  	v2 =	vadd.f32 v63, v2  }
0x1a2: {  	s0 =	sadd.s32 $0x10, s31  }
0x1a3: {  	s31 =	simm.s32 $0x0;
	s2 =	simm.s32 $0x7780;
	s1 =	rddreg [dreg:$0x17];
	[tilespmem:s0+$0x0] =	vst v2  }
0x1a4: {  	[hbm4b:s1+s31] =	stream.linear.scatter [tilespmem:s2], [sflag:$0x1], $0x280, $0x38;
	[tilespmem:$0xA200] =	vst v63  }
0x1a5: {  	_ =	swait.ge [sflag:s28], $0x280  }
0x1a6: {  	s30 =	sadd.s32 $0x1, s30;
	s4 =	rddreg [dreg:$0x14]  }
0x1a7: {  	p0 =	sne.s32 s30, s4  }
.Ltmp3:
0x1a8: {  	_ = 	snop;
	(pc) =	sbr.rel @p0 .LBB2_1-.Ltmp3, $3  }
0x1a9: {  	_ =	sdelay $0x1  }
0x1aa: {  	[sflag:s28] =	ssyncset.done $0x0  }
0x1ab: {  	[sflag:s28] =	ssyncadd.s32 $0xFFFFFD80  }
0x1ac: {  	_ =	sfence.sel $0x180000  }
0x1ad: {  	[bflag:$0x0] =	sbarrier.arrive $0xFFFF  }
0x1ae: {  	_ =	strace $0x90000047  }
0x1af: {  	s0 =	stileid.u32;
	[bflag:$0x2] =	sbarrier.arrive $0xFFFF  }
0x1b0: {  	p0 =	sne.s32 s0, $0x0;
	s0 =	rddreg [dreg:$0x2]  }
0x1b1: {  	s0 =	sadd.s32 @!p0 $0x100000, s0  }
0x1b2: {  	[sflag:s0] =	ssyncadd.tile.s32 @!p0 $0x1;
	_ =	shalt  }
.Lfunc_end2:
_tile_overlayer_lowered:
.L_overlay_start_2:
0x1b3: {  	(tag) =	ssettag $0x2  }
0x1b4: {  	s0 =	rddreg [dreg:$0x0];
	s2 =	stileid.u32  }
0x1b5: {  	s1 =	rddreg [dreg:$0x1];
	p0 =	sne.s32 s2, $0x0  }
0x1b6: {  	s3 =	rddreg [dreg:$0x2];
	[bflag:$0x3] =	sbarrier.arrive $0xFFFF;
	s2 =	simm.s32 @!p0 $0x1C01  }
0x1b7: {  	[timem:s3], [sflag:s2] =	dma.local @!p0 [hbm:s0], s1  }
0x1b8: {  	s0 =	simm.s32 @!p0 $0x1  }
0x1b9: {  	_ =	swait.ge @!p0 [sflag:s0], s1  }
0x1ba: {  	s1 =	ssub.s32 @!p0 $0x0, s1;
	[sflag:s0] =	ssyncset.done @!p0 $0x0  }
0x1bb: {  	[sflag:s0] =	ssyncadd.s32 @!p0 s1  }
0x1bc: {  	[bflag:$0x3] =	sbarrier.arrive $0xFFFF  }
0x1bd: {  	_ =	shalt  }

</sc_bundles>
